<compile_context>
chip_gen: v7x
topology: tpu7x:2x2x1
jax: 0.10.2.dev20260603
libtpu: 0.0.44.dev20260713+nightly
codegen_flags: <defaults>
</compile_context>

<pallas_src>
import functools

import jax
import jax.numpy as jnp
from jax import lax
from jax.experimental import pallas as pl
from jax.experimental.pallas import tpu as pltpu
from jax.experimental.pallas import tpu_sc as plsc

N = 10000
E = 320000
D = 128

NC = 2
NS = 16
C = 32
EP = 327680
ECH = EP // C
CPS = ECH // NS
GC = 8
NG = CPS // GC
HALF = N // 2
NDUMP = 88
ACC_R = HALF + NDUMP
ZPT = 320

_sc_mesh = plsc.VectorSubcoreMesh(core_axis_name="c", subcore_axis_name="s")


@functools.partial(
    pl.kernel,
    out_type=jax.ShapeDtypeStruct((NC, ACC_R, D), jnp.float32),
    mesh=_sc_mesh,
    scratch_types=[
        pltpu.VMEM_SHARED((N, D), jnp.float32),
        pltpu.VMEM_SHARED((ACC_R, D), jnp.float32),
        pltpu.VMEM((GC, 2, C), jnp.int32),
        pltpu.VMEM((C, D), jnp.float32),
        pltpu.VMEM((C, D), jnp.float32),
        pltpu.SemaphoreType.DMA,
        pltpu.SemaphoreType.DMA,
        pltpu.SemaphoreType.DMA,
        pltpu.SemaphoreType.DMA,
    ],
)
def _sc_aggregate(h_hbm, idx_hbm, out_hbm, h_sp, agg, idxv,
                  rows0, rows1, semg0, semg1, sems0, sems1):
    c = lax.axis_index("c")
    s = lax.axis_index("s")

    zv = jnp.zeros((16,), jnp.float32)

    def _zero_row(i, carry):
        for j in range(D // 16):
            rows0[i, pl.ds(j * 16, 16)] = zv
        return carry

    lax.fori_loop(0, C, _zero_row, 0)
    base0 = s * ZPT
    for k in range(9):
        pltpu.sync_copy(rows0, agg.at[pl.ds(base0 + k * C, C)])

    @pl.when(s < NS - 1)
    def _ztail():
        pltpu.sync_copy(rows0, agg.at[pl.ds(base0 + 9 * C, C)])

    for k in range(3):
        off = (s + 16 * k) * 200
        pltpu.sync_copy(h_hbm.at[pl.ds(off, 200)], h_sp.at[pl.ds(off, 200)])

    @pl.when(s < 2)
    def _tail():
        off = (48 + s) * 200
        pltpu.sync_copy(h_hbm.at[pl.ds(off, 200)], h_sp.at[pl.ds(off, 200)])

    plsc.subcore_barrier()

    bufs = (rows0, rows1)
    gsems = (semg0, semg1)
    ssems = (sems0, sems1)

    def _group(g, carry):
        base = s * CPS + g * GC
        pltpu.sync_copy(idx_hbm.at[c, pl.ds(base, GC)], idxv)
        gd = {0: pltpu.async_copy(h_sp.at[idxv.at[0, 0]], rows0, semg0)}
        sd = {}
        for k in range(GC):
            p = k % 2
            gd[k].wait()
            sd[k] = pltpu.async_copy(bufs[p], agg.at[idxv.at[k, 1]], ssems[p],
                                     add=True)
            if k + 1 < GC:
                if k >= 1:
                    sd[k - 1].wait()
                gd[k + 1] = pltpu.async_copy(h_sp.at[idxv.at[k + 1, 0]],
                                             bufs[1 - p], gsems[1 - p])
        sd[GC - 2].wait()
        sd[GC - 1].wait()
        return carry

    lax.fori_loop(0, NG, _group, 0)

    plsc.subcore_barrier()
    for k in range(9):
        pltpu.sync_copy(agg.at[pl.ds(base0 + k * C, C)],
                        out_hbm.at[c, pl.ds(base0 + k * C, C)])

    @pl.when(s < NS - 1)
    def _wtail():
        pltpu.sync_copy(agg.at[pl.ds(base0 + 9 * C, C)],
                        out_hbm.at[c, pl.ds(base0 + 9 * C, C)])


BR = 1000


def _mlp_body(h_ref, p_ref, w1_ref, b1_ref, w2_ref, b2_ref, o_ref):
    x = h_ref[...] + p_ref[...]
    t = jnp.dot(x, w1_ref[...], preferred_element_type=jnp.float32)
    t = jnp.maximum(t + b1_ref[...], 0.0)
    o = jnp.dot(t, w2_ref[...], preferred_element_type=jnp.float32)
    o_ref[...] = jnp.maximum(o + b2_ref[...], 0.0)


_mlp_call = pl.pallas_call(
    _mlp_body,
    grid=(N // BR,),
    in_specs=[
        pl.BlockSpec((BR, D), lambda i: (i, 0)),
        pl.BlockSpec((BR, D), lambda i: (i, 0)),
        pl.BlockSpec((D, D), lambda i: (0, 0)),
        pl.BlockSpec((1, D), lambda i: (0, 0)),
        pl.BlockSpec((D, D), lambda i: (0, 0)),
        pl.BlockSpec((1, D), lambda i: (0, 0)),
    ],
    out_specs=pl.BlockSpec((BR, D), lambda i: (i, 0)),
    out_shape=jax.ShapeDtypeStruct((N, D), jnp.float32),
)


def kernel(features, edge_index, W1_0, b1_0, W2_0, b2_0, W1_1, b1_1, W2_1,
           b2_1):
    src = edge_index[0].astype(jnp.int32)
    dst = edge_index[1].astype(jnp.int32)
    pad = EP - E
    src = jnp.concatenate([src, jnp.zeros((pad,), jnp.int32)])
    dst = jnp.concatenate([dst, jnp.full((pad,), -1, jnp.int32)])
    dump = HALF + (jnp.arange(EP, dtype=jnp.int32) % NDUMP)
    dst0 = jnp.where((dst >= 0) & (dst < HALF), dst, dump)
    dst1 = jnp.where(dst >= HALF, dst - HALF, dump)
    srcc = src.reshape(ECH, 1, C)
    idx = jnp.stack([
        jnp.concatenate([srcc, dst0.reshape(ECH, 1, C)], axis=1),
        jnp.concatenate([srcc, dst1.reshape(ECH, 1, C)], axis=1),
    ])
    h = features
    for (W1, b1, W2, b2) in ((W1_0, b1_0, W2_0, b2_0),
                             (W1_1, b1_1, W2_1, b2_1)):
        parts = _sc_aggregate(h, idx)
        aggd = jnp.concatenate([parts[0, :HALF], parts[1, :HALF]], axis=0)
        h = _mlp_call(h, aggd, W1, b1.reshape(1, D), W2, b2.reshape(1, D))
    return h

# --- scband reference (transcript-rebuilt; emitter-appended) ---
"""Pipeline reference for scband-gin-84121229460233 (READ-ONLY COPY).

The authoritative reference and input builder live on the scoring server;
editing this copy changes nothing except your own understanding.
"""

import jax, jax.numpy as jnp
import numpy as np

N = 10000
E = 320000
D = 128


def setup_inputs(seed: int = 0) -> dict:
    key = jax.random.key(seed)
    ks = jax.random.split(key, 12)
    inp = {}
    inp["features"] = jax.random.normal(ks[0], (N, D), dtype=jnp.float32)
    src = jax.random.randint(ks[1], (E,), 0, N)
    dst = jax.random.randint(ks[2], (E,), 0, N)
    inp["edge_index"] = jnp.stack([src, dst], axis=0)
    s = 0.05
    inp["W1_0"] = jax.random.normal(ks[3], (D, D), dtype=jnp.float32) * s
    inp["b1_0"] = jnp.zeros((D,), dtype=jnp.float32)
    inp["W2_0"] = jax.random.normal(ks[4], (D, D), dtype=jnp.float32) * s
    inp["b2_0"] = jnp.zeros((D,), dtype=jnp.float32)
    inp["W1_1"] = jax.random.normal(ks[5], (D, D), dtype=jnp.float32) * s
    inp["b1_1"] = jnp.zeros((D,), dtype=jnp.float32)
    inp["W2_1"] = jax.random.normal(ks[6], (D, D), dtype=jnp.float32) * s
    inp["b2_1"] = jnp.zeros((D,), dtype=jnp.float32)
    return inp


def reference(features, edge_index, W1_0, b1_0, W2_0, b2_0, W1_1, b1_1, W2_1, b2_1):
    # GIN with 2 GINConv layers, aggregator 'sum', eps=0 (DGL default), feat_drop=0.
    # Each layer: h' = MLP((1 + eps) * h + sum_{j in N(i)} h_j)
    # MLP = Linear -> ReLU -> Linear -> ReLU
    src = edge_index[0]
    dst = edge_index[1]
    h = features
    params = [(W1_0, b1_0, W2_0, b2_0), (W1_1, b1_1, W2_1, b2_1)]
    for (W1, b1, W2, b2) in params:
        msgs = jnp.take(h, src, axis=0)  # gather source node features per edge
        agg = jax.ops.segment_sum(msgs, dst, num_segments=N)  # scatter-add to dst
        h = h + agg  # (1 + eps) * h + agg with eps = 0
        h = jax.nn.relu(h @ W1 + b1)
        h = jax.nn.relu(h @ W2 + b2)
    return h

if __name__ == "__main__":
    import jax
    _d = setup_inputs()
    print(jax.jit(kernel)(*tuple(_d.values())))

</pallas_src>

<mosaic_0001>
#map = affine_map<(d0, d1) -> (0, 0)>
#map1 = affine_map<(d0, d1) -> (0, 0, 0, 0)>
#map2 = affine_map<(d0, d1) -> (0, 0, 0)>
module attributes {stable_mosaic.version = 14 : i64} {
  func.func @_sc_aggregate(%arg0: i32, %arg1: i32, %arg2: memref<10000x128xf32, #tpu.memory_space<hbm>>, %arg3: memref<2x10240x2x32xi32, #tpu.memory_space<hbm>>, %arg4: memref<2x5088x128xf32, #tpu.memory_space<hbm>>, %arg5: memref<10000x128xf32, #tpu.memory_space<vmem_shared>>, %arg6: memref<5088x128xf32, #tpu.memory_space<vmem_shared>>, %arg7: memref<8x2x32xi32, #tpu.memory_space<vmem>>, %arg8: memref<32x128xf32, #tpu.memory_space<vmem>>, %arg9: memref<32x128xf32, #tpu.memory_space<vmem>>, %arg10: memref<!tpu.dma_semaphore, #tpu.memory_space<semaphore_mem>>, %arg11: memref<!tpu.dma_semaphore, #tpu.memory_space<semaphore_mem>>, %arg12: memref<!tpu.dma_semaphore, #tpu.memory_space<semaphore_mem>>, %arg13: memref<!tpu.dma_semaphore, #tpu.memory_space<semaphore_mem>>) attributes {dimension_semantics = [#tpu.dimension_semantics<core_parallel>, #tpu.dimension_semantics<subcore_parallel>], iteration_bounds = array<i64: 2, 16>, scalar_prefetch = 0 : i64, scratch_operands = 9 : i64, tpu.core_type = #tpu.core_type<sc_vector_subcore>, window_params = [{transform_indices = #map}, {transform_indices = #map1}, {transform_indices = #map2}]} {
    %broadcast_in_dim3A = arith.constant 0.000000e+00 : f32
    %broadcast_in_dim3A_0 = vector.broadcast %broadcast_in_dim3A : f32 to vector<16xf32>
    %scan3A = arith.constant 0 : i32
    %scan3A_1 = arith.constant 0 : i32
    %scan3A_2 = arith.constant 32 : i32
    %scan3A_3 = arith.addi %scan3A_1, %scan3A_2 : i32
    %scan3A_4 = arith.constant 1 : i32
    scf.for %scan3A_91 = %scan3A_1 to %scan3A_3 step %scan3A_4  : i32 {
      %swap3A = arith.index_cast %scan3A_91 : i32 to index
      %swap3A_92 = arith.constant 0 : index
      %swap3A_93 = tpu.vector_load %arg8[%swap3A, %swap3A_92] {strides = array<i32>} : memref<32x128xf32, #tpu.memory_space<vmem>>, vector<1x16xf32>,
      %swap3A_94 = vector.shape_cast %swap3A_93 : vector<1x16xf32> to vector<16xf32>
      %swap3A_95 = vector.shape_cast %broadcast_in_dim3A_0 : vector<16xf32> to vector<1x16xf32>
      tpu.vector_store %arg8[%swap3A, %swap3A_92], %swap3A_95 {strides = array<i32>} : memref<32x128xf32, #tpu.memory_space<vmem>>, vector<1x16xf32>,
      %swap3A_96 = arith.index_cast %scan3A_91 : i32 to index
      %swap3A_97 = arith.constant 16 : index
      %swap3A_98 = tpu.vector_load %arg8[%swap3A_96, %swap3A_97] {strides = array<i32>} : memref<32x128xf32, #tpu.memory_space<vmem>>, vector<1x16xf32>,
      %swap3A_99 = vector.shape_cast %swap3A_98 : vector<1x16xf32> to vector<16xf32>
      %swap3A_100 = vector.shape_cast %broadcast_in_dim3A_0 : vector<16xf32> to vector<1x16xf32>
      tpu.vector_store %arg8[%swap3A_96, %swap3A_97], %swap3A_100 {strides = array<i32>} : memref<32x128xf32, #tpu.memory_space<vmem>>, vector<1x16xf32>,
      %swap3A_101 = arith.index_cast %scan3A_91 : i32 to index
      %swap3A_102 = arith.constant 32 : index
      %swap3A_103 = tpu.vector_load %arg8[%swap3A_101, %swap3A_102] {strides = array<i32>} : memref<32x128xf32, #tpu.memory_space<vmem>>, vector<1x16xf32>,
      %swap3A_104 = vector.shape_cast %swap3A_103 : vector<1x16xf32> to vector<16xf32>
      %swap3A_105 = vector.shape_cast %broadcast_in_dim3A_0 : vector<16xf32> to vector<1x16xf32>
      tpu.vector_store %arg8[%swap3A_101, %swap3A_102], %swap3A_105 {strides = array<i32>} : memref<32x128xf32, #tpu.memory_space<vmem>>, vector<1x16xf32>,
      %swap3A_106 = arith.index_cast %scan3A_91 : i32 to index
      %swap3A_107 = arith.constant 48 : index
      %swap3A_108 = tpu.vector_load %arg8[%swap3A_106, %swap3A_107] {strides = array<i32>} : memref<32x128xf32, #tpu.memory_space<vmem>>, vector<1x16xf32>,
      %swap3A_109 = vector.shape_cast %swap3A_108 : vector<1x16xf32> to vector<16xf32>
      %swap3A_110 = vector.shape_cast %broadcast_in_dim3A_0 : vector<16xf32> to vector<1x16xf32>
      tpu.vector_store %arg8[%swap3A_106, %swap3A_107], %swap3A_110 {strides = array<i32>} : memref<32x128xf32, #tpu.memory_space<vmem>>, vector<1x16xf32>,
      %swap3A_111 = arith.index_cast %scan3A_91 : i32 to index
      %swap3A_112 = arith.constant 64 : index
      %swap3A_113 = tpu.vector_load %arg8[%swap3A_111, %swap3A_112] {strides = array<i32>} : memref<32x128xf32, #tpu.memory_space<vmem>>, vector<1x16xf32>,
      %swap3A_114 = vector.shape_cast %swap3A_113 : vector<1x16xf32> to vector<16xf32>
      %swap3A_115 = vector.shape_cast %broadcast_in_dim3A_0 : vector<16xf32> to vector<1x16xf32>
      tpu.vector_store %arg8[%swap3A_111, %swap3A_112], %swap3A_115 {strides = array<i32>} : memref<32x128xf32, #tpu.memory_space<vmem>>, vector<1x16xf32>,
      %swap3A_116 = arith.index_cast %scan3A_91 : i32 to index
      %swap3A_117 = arith.constant 80 : index
      %swap3A_118 = tpu.vector_load %arg8[%swap3A_116, %swap3A_117] {strides = array<i32>} : memref<32x128xf32, #tpu.memory_space<vmem>>, vector<1x16xf32>,
      %swap3A_119 = vector.shape_cast %swap3A_118 : vector<1x16xf32> to vector<16xf32>
      %swap3A_120 = vector.shape_cast %broadcast_in_dim3A_0 : vector<16xf32> to vector<1x16xf32>
      tpu.vector_store %arg8[%swap3A_116, %swap3A_117], %swap3A_120 {strides = array<i32>} : memref<32x128xf32, #tpu.memory_space<vmem>>, vector<1x16xf32>,
      %swap3A_121 = arith.index_cast %scan3A_91 : i32 to index
      %swap3A_122 = arith.constant 96 : index
      %swap3A_123 = tpu.vector_load %arg8[%swap3A_121, %swap3A_122] {strides = array<i32>} : memref<32x128xf32, #tpu.memory_space<vmem>>, vector<1x16xf32>,
      %swap3A_124 = vector.shape_cast %swap3A_123 : vector<1x16xf32> to vector<16xf32>
      %swap3A_125 = vector.shape_cast %broadcast_in_dim3A_0 : vector<16xf32> to vector<1x16xf32>
      tpu.vector_store %arg8[%swap3A_121, %swap3A_122], %swap3A_125 {strides = array<i32>} : memref<32x128xf32, #tpu.memory_space<vmem>>, vector<1x16xf32>,
      %swap3A_126 = arith.index_cast %scan3A_91 : i32 to index
      %swap3A_127 = arith.constant 112 : index
      %swap3A_128 = tpu.vector_load %arg8[%swap3A_126, %swap3A_127] {strides = array<i32>} : memref<32x128xf32, #tpu.memory_space<vmem>>, vector<1x16xf32>,
      %swap3A_129 = vector.shape_cast %swap3A_128 : vector<1x16xf32> to vector<16xf32>
      %swap3A_130 = vector.shape_cast %broadcast_in_dim3A_0 : vector<16xf32> to vector<1x16xf32>
      tpu.vector_store %arg8[%swap3A_126, %swap3A_127], %swap3A_130 {strides = array<i32>} : memref<32x128xf32, #tpu.memory_space<vmem>>, vector<1x16xf32>,
    }
    %scan3A_5 = arith.constant 32 : i32
    %mul3A = arith.constant 320 : i32
    %mul3A_6 = arith.muli %arg1, %mul3A : i32
    %add3A = arith.constant 0 : i32
    %add3A_7 = arith.addi %mul3A_6, %add3A : i32
    "tpu.region"() ({
      %run_scoped3A = tpu.sem_alloc : memref<!tpu.dma_semaphore, #tpu.memory_space<semaphore_mem>>
      %dma_start3A = arith.constant 0 : i32
      %dma_start3A_91 = tpu.memref_slice %arg6[%add3A_7, %dma_start3A] : memref<5088x128xf32, #tpu.memory_space<vmem_shared>> -> memref<32x128xf32, #tpu.memory_space<vmem_shared>>
      %dma_start3A_92 = arith.constant 0 : i32
      %dma_start3A_93 = tpu.memref_slice %arg6[%add3A_7, %dma_start3A_92] : memref<5088x128xf32, #tpu.memory_space<vmem_shared>> -> memref<32x128xf32, #tpu.memory_space<vmem_shared>>
      tpu.enqueue_dma source(%arg8 : memref<32x128xf32, #tpu.memory_space<vmem>>) target(%dma_start3A_93 : memref<32x128xf32, #tpu.memory_space<vmem_shared>>) target_semaphore(%run_scoped3A : memref<!tpu.dma_semaphore, #tpu.memory_space<semaphore_mem>>)
      %dma_wait3A = arith.constant 0 : i32
      %dma_wait3A_94 = tpu.memref_slice %arg6[%add3A_7, %dma_wait3A] : memref<5088x128xf32, #tpu.memory_space<vmem_shared>> -> memref<32x128xf32, #tpu.memory_space<vmem_shared>>
      %dma_wait3A_95 = arith.constant 0 : i32
      %dma_wait3A_96 = tpu.memref_slice %arg6[%add3A_7, %dma_wait3A_95] : memref<5088x128xf32, #tpu.memory_space<vmem_shared>> -> memref<32x128xf32, #tpu.memory_space<vmem_shared>>
      tpu.wait_dma2 semaphore(%run_scoped3A : memref<!tpu.dma_semaphore, #tpu.memory_space<semaphore_mem>>) src(%arg8 : memref<32x128xf32, #tpu.memory_space<vmem>>) dst(%dma_wait3A_96 : memref<32x128xf32, #tpu.memory_space<vmem_shared>>)
      tpu.yield
    }) : () -> ()
    %add3A_8 = arith.constant 32 : i32
    %add3A_9 = arith.addi %mul3A_6, %add3A_8 : i32
    "tpu.region"() ({
      %run_scoped3A = tpu.sem_alloc : memref<!tpu.dma_semaphore, #tpu.memory_space<semaphore_mem>>
      %dma_start3A = arith.constant 0 : i32
      %dma_start3A_91 = tpu.memref_slice %arg6[%add3A_9, %dma_start3A] : memref<5088x128xf32, #tpu.memory_space<vmem_shared>> -> memref<32x128xf32, #tpu.memory_space<vmem_shared>>
      %dma_start3A_92 = arith.constant 0 : i32
      %dma_start3A_93 = tpu.memref_slice %arg6[%add3A_9, %dma_start3A_92] : memref<5088x128xf32, #tpu.memory_space<vmem_shared>> -> memref<32x128xf32, #tpu.memory_space<vmem_shared>>
      tpu.enqueue_dma source(%arg8 : memref<32x128xf32, #tpu.memory_space<vmem>>) target(%dma_start3A_93 : memref<32x128xf32, #tpu.memory_space<vmem_shared>>) target_semaphore(%run_scoped3A : memref<!tpu.dma_semaphore, #tpu.memory_space<semaphore_mem>>)
      %dma_wait3A = arith.constant 0 : i32
      %dma_wait3A_94 = tpu.memref_slice %arg6[%add3A_9, %dma_wait3A] : memref<5088x128xf32, #tpu.memory_space<vmem_shared>> -> memref<32x128xf32, #tpu.memory_space<vmem_shared>>
      %dma_wait3A_95 = arith.constant 0 : i32
      %dma_wait3A_96 = tpu.memref_slice %arg6[%add3A_9, %dma_wait3A_95] : memref<5088x128xf32, #tpu.memory_space<vmem_shared>> -> memref<32x128xf32, #tpu.memory_space<vmem_shared>>
      tpu.wait_dma2 semaphore(%run_scoped3A : memref<!tpu.dma_semaphore, #tpu.memory_space<semaphore_mem>>) src(%arg8 : memref<32x128xf32, #tpu.memory_space<vmem>>) dst(%dma_wait3A_96 : memref<32x128xf32, #tpu.memory_space<vmem_shared>>)
      tpu.yield
    }) : () -> ()
    %add3A_10 = arith.constant 64 : i32
    %add3A_11 = arith.addi %mul3A_6, %add3A_10 : i32
    "tpu.region"() ({
      %run_scoped3A = tpu.sem_alloc : memref<!tpu.dma_semaphore, #tpu.memory_space<semaphore_mem>>
      %dma_start3A = arith.constant 0 : i32
      %dma_start3A_91 = tpu.memref_slice %arg6[%add3A_11, %dma_start3A] : memref<5088x128xf32, #tpu.memory_space<vmem_shared>> -> memref<32x128xf32, #tpu.memory_space<vmem_shared>>
      %dma_start3A_92 = arith.constant 0 : i32
      %dma_start3A_93 = tpu.memref_slice %arg6[%add3A_11, %dma_start3A_92] : memref<5088x128xf32, #tpu.memory_space<vmem_shared>> -> memref<32x128xf32, #tpu.memory_space<vmem_shared>>
      tpu.enqueue_dma source(%arg8 : memref<32x128xf32, #tpu.memory_space<vmem>>) target(%dma_start3A_93 : memref<32x128xf32, #tpu.memory_space<vmem_shared>>) target_semaphore(%run_scoped3A : memref<!tpu.dma_semaphore, #tpu.memory_space<semaphore_mem>>)
      %dma_wait3A = arith.constant 0 : i32
      %dma_wait3A_94 = tpu.memref_slice %arg6[%add3A_11, %dma_wait3A] : memref<5088x128xf32, #tpu.memory_space<vmem_shared>> -> memref<32x128xf32, #tpu.memory_space<vmem_shared>>
      %dma_wait3A_95 = arith.constant 0 : i32
      %dma_wait3A_96 = tpu.memref_slice %arg6[%add3A_11, %dma_wait3A_95] : memref<5088x128xf32, #tpu.memory_space<vmem_shared>> -> memref<32x128xf32, #tpu.memory_space<vmem_shared>>
      tpu.wait_dma2 semaphore(%run_scoped3A : memref<!tpu.dma_semaphore, #tpu.memory_space<semaphore_mem>>) src(%arg8 : memref<32x128xf32, #tpu.memory_space<vmem>>) dst(%dma_wait3A_96 : memref<32x128xf32, #tpu.memory_space<vmem_shared>>)
      tpu.yield
    }) : () -> ()
    %add3A_12 = arith.constant 96 : i32
    %add3A_13 = arith.addi %mul3A_6, %add3A_12 : i32
    "tpu.region"() ({
      %run_scoped3A = tpu.sem_alloc : memref<!tpu.dma_semaphore, #tpu.memory_space<semaphore_mem>>
      %dma_start3A = arith.constant 0 : i32
      %dma_start3A_91 = tpu.memref_slice %arg6[%add3A_13, %dma_start3A] : memref<5088x128xf32, #tpu.memory_space<vmem_shared>> -> memref<32x128xf32, #tpu.memory_space<vmem_shared>>
      %dma_start3A_92 = arith.constant 0 : i32
      %dma_start3A_93 = tpu.memref_slice %arg6[%add3A_13, %dma_start3A_92] : memref<5088x128xf32, #tpu.memory_space<vmem_shared>> -> memref<32x128xf32, #tpu.memory_space<vmem_shared>>
      tpu.enqueue_dma source(%arg8 : memref<32x128xf32, #tpu.memory_space<vmem>>) target(%dma_start3A_93 : memref<32x128xf32, #tpu.memory_space<vmem_shared>>) target_semaphore(%run_scoped3A : memref<!tpu.dma_semaphore, #tpu.memory_space<semaphore_mem>>)
      %dma_wait3A = arith.constant 0 : i32
      %dma_wait3A_94 = tpu.memref_slice %arg6[%add3A_13, %dma_wait3A] : memref<5088x128xf32, #tpu.memory_space<vmem_shared>> -> memref<32x128xf32, #tpu.memory_space<vmem_shared>>
      %dma_wait3A_95 = arith.constant 0 : i32
      %dma_wait3A_96 = tpu.memref_slice %arg6[%add3A_13, %dma_wait3A_95] : memref<5088x128xf32, #tpu.memory_space<vmem_shared>> -> memref<32x128xf32, #tpu.memory_space<vmem_shared>>
      tpu.wait_dma2 semaphore(%run_scoped3A : memref<!tpu.dma_semaphore, #tpu.memory_space<semaphore_mem>>) src(%arg8 : memref<32x128xf32, #tpu.memory_space<vmem>>) dst(%dma_wait3A_96 : memref<32x128xf32, #tpu.memory_space<vmem_shared>>)
      tpu.yield
    }) : () -> ()
    %add3A_14 = arith.constant 128 : i32
    %add3A_15 = arith.addi %mul3A_6, %add3A_14 : i32
    "tpu.region"() ({
      %run_scoped3A = tpu.sem_alloc : memref<!tpu.dma_semaphore, #tpu.memory_space<semaphore_mem>>
      %dma_start3A = arith.constant 0 : i32
      %dma_start3A_91 = tpu.memref_slice %arg6[%add3A_15, %dma_start3A] : memref<5088x128xf32, #tpu.memory_space<vmem_shared>> -> memref<32x128xf32, #tpu.memory_space<vmem_shared>>
      %dma_start3A_92 = arith.constant 0 : i32
      %dma_start3A_93 = tpu.memref_slice %arg6[%add3A_15, %dma_start3A_92] : memref<5088x128xf32, #tpu.memory_space<vmem_shared>> -> memref<32x128xf32, #tpu.memory_space<vmem_shared>>
      tpu.enqueue_dma source(%arg8 : memref<32x128xf32, #tpu.memory_space<vmem>>) target(%dma_start3A_93 : memref<32x128xf32, #tpu.memory_space<vmem_shared>>) target_semaphore(%run_scoped3A : memref<!tpu.dma_semaphore, #tpu.memory_space<semaphore_mem>>)
      %dma_wait3A = arith.constant 0 : i32
      %dma_wait3A_94 = tpu.memref_slice %arg6[%add3A_15, %dma_wait3A] : memref<5088x128xf32, #tpu.memory_space<vmem_shared>> -> memref<32x128xf32, #tpu.memory_space<vmem_shared>>
      %dma_wait3A_95 = arith.constant 0 : i32
      %dma_wait3A_96 = tpu.memref_slice %arg6[%add3A_15, %dma_wait3A_95] : memref<5088x128xf32, #tpu.memory_space<vmem_shared>> -> memref<32x128xf32, #tpu.memory_space<vmem_shared>>
      tpu.wait_dma2 semaphore(%run_scoped3A : memref<!tpu.dma_semaphore, #tpu.memory_space<semaphore_mem>>) src(%arg8 : memref<32x128xf32, #tpu.memory_space<vmem>>) dst(%dma_wait3A_96 : memref<32x128xf32, #tpu.memory_space<vmem_shared>>)
      tpu.yield
    }) : () -> ()
    %add3A_16 = arith.constant 160 : i32
    %add3A_17 = arith.addi %mul3A_6, %add3A_16 : i32
    "tpu.region"() ({
      %run_scoped3A = tpu.sem_alloc : memref<!tpu.dma_semaphore, #tpu.memory_space<semaphore_mem>>
      %dma_start3A = arith.constant 0 : i32
      %dma_start3A_91 = tpu.memref_slice %arg6[%add3A_17, %dma_start3A] : memref<5088x128xf32, #tpu.memory_space<vmem_shared>> -> memref<32x128xf32, #tpu.memory_space<vmem_shared>>
      %dma_start3A_92 = arith.constant 0 : i32
      %dma_start3A_93 = tpu.memref_slice %arg6[%add3A_17, %dma_start3A_92] : memref<5088x128xf32, #tpu.memory_space<vmem_shared>> -> memref<32x128xf32, #tpu.memory_space<vmem_shared>>
      tpu.enqueue_dma source(%arg8 : memref<32x128xf32, #tpu.memory_space<vmem>>) target(%dma_start3A_93 : memref<32x128xf32, #tpu.memory_space<vmem_shared>>) target_semaphore(%run_scoped3A : memref<!tpu.dma_semaphore, #tpu.memory_space<semaphore_mem>>)
      %dma_wait3A = arith.constant 0 : i32
      %dma_wait3A_94 = tpu.memref_slice %arg6[%add3A_17, %dma_wait3A] : memref<5088x128xf32, #tpu.memory_space<vmem_shared>> -> memref<32x128xf32, #tpu.memory_space<vmem_shared>>
      %dma_wait3A_95 = arith.constant 0 : i32
      %dma_wait3A_96 = tpu.memref_slice %arg6[%add3A_17, %dma_wait3A_95] : memref<5088x128xf32, #tpu.memory_space<vmem_shared>> -> memref<32x128xf32, #tpu.memory_space<vmem_shared>>
      tpu.wait_dma2 semaphore(%run_scoped3A : memref<!tpu.dma_semaphore, #tpu.memory_space<semaphore_mem>>) src(%arg8 : memref<32x128xf32, #tpu.memory_space<vmem>>) dst(%dma_wait3A_96 : memref<32x128xf32, #tpu.memory_space<vmem_shared>>)
      tpu.yield
    }) : () -> ()
    %add3A_18 = arith.constant 192 : i32
    %add3A_19 = arith.addi %mul3A_6, %add3A_18 : i32
    "tpu.region"() ({
      %run_scoped3A = tpu.sem_alloc : memref<!tpu.dma_semaphore, #tpu.memory_space<semaphore_mem>>
      %dma_start3A = arith.constant 0 : i32
      %dma_start3A_91 = tpu.memref_slice %arg6[%add3A_19, %dma_start3A] : memref<5088x128xf32, #tpu.memory_space<vmem_shared>> -> memref<32x128xf32, #tpu.memory_space<vmem_shared>>
      %dma_start3A_92 = arith.constant 0 : i32
      %dma_start3A_93 = tpu.memref_slice %arg6[%add3A_19, %dma_start3A_92] : memref<5088x128xf32, #tpu.memory_space<vmem_shared>> -> memref<32x128xf32, #tpu.memory_space<vmem_shared>>
      tpu.enqueue_dma source(%arg8 : memref<32x128xf32, #tpu.memory_space<vmem>>) target(%dma_start3A_93 : memref<32x128xf32, #tpu.memory_space<vmem_shared>>) target_semaphore(%run_scoped3A : memref<!tpu.dma_semaphore, #tpu.memory_space<semaphore_mem>>)
      %dma_wait3A = arith.constant 0 : i32
      %dma_wait3A_94 = tpu.memref_slice %arg6[%add3A_19, %dma_wait3A] : memref<5088x128xf32, #tpu.memory_space<vmem_shared>> -> memref<32x128xf32, #tpu.memory_space<vmem_shared>>
      %dma_wait3A_95 = arith.constant 0 : i32
      %dma_wait3A_96 = tpu.memref_slice %arg6[%add3A_19, %dma_wait3A_95] : memref<5088x128xf32, #tpu.memory_space<vmem_shared>> -> memref<32x128xf32, #tpu.memory_space<vmem_shared>>
      tpu.wait_dma2 semaphore(%run_scoped3A : memref<!tpu.dma_semaphore, #tpu.memory_space<semaphore_mem>>) src(%arg8 : memref<32x128xf32, #tpu.memory_space<vmem>>) dst(%dma_wait3A_96 : memref<32x128xf32, #tpu.memory_space<vmem_shared>>)
      tpu.yield
    }) : () -> ()
    %add3A_20 = arith.constant 224 : i32
    %add3A_21 = arith.addi %mul3A_6, %add3A_20 : i32
    "tpu.region"() ({
      %run_scoped3A = tpu.sem_alloc : memref<!tpu.dma_semaphore, #tpu.memory_space<semaphore_mem>>
      %dma_start3A = arith.constant 0 : i32
      %dma_start3A_91 = tpu.memref_slice %arg6[%add3A_21, %dma_start3A] : memref<5088x128xf32, #tpu.memory_space<vmem_shared>> -> memref<32x128xf32, #tpu.memory_space<vmem_shared>>
      %dma_start3A_92 = arith.constant 0 : i32
      %dma_start3A_93 = tpu.memref_slice %arg6[%add3A_21, %dma_start3A_92] : memref<5088x128xf32, #tpu.memory_space<vmem_shared>> -> memref<32x128xf32, #tpu.memory_space<vmem_shared>>
      tpu.enqueue_dma source(%arg8 : memref<32x128xf32, #tpu.memory_space<vmem>>) target(%dma_start3A_93 : memref<32x128xf32, #tpu.memory_space<vmem_shared>>) target_semaphore(%run_scoped3A : memref<!tpu.dma_semaphore, #tpu.memory_space<semaphore_mem>>)
      %dma_wait3A = arith.constant 0 : i32
      %dma_wait3A_94 = tpu.memref_slice %arg6[%add3A_21, %dma_wait3A] : memref<5088x128xf32, #tpu.memory_space<vmem_shared>> -> memref<32x128xf32, #tpu.memory_space<vmem_shared>>
      %dma_wait3A_95 = arith.constant 0 : i32
      %dma_wait3A_96 = tpu.memref_slice %arg6[%add3A_21, %dma_wait3A_95] : memref<5088x128xf32, #tpu.memory_space<vmem_shared>> -> memref<32x128xf32, #tpu.memory_space<vmem_shared>>
      tpu.wait_dma2 semaphore(%run_scoped3A : memref<!tpu.dma_semaphore, #tpu.memory_space<semaphore_mem>>) src(%arg8 : memref<32x128xf32, #tpu.memory_space<vmem>>) dst(%dma_wait3A_96 : memref<32x128xf32, #tpu.memory_space<vmem_shared>>)
      tpu.yield
    }) : () -> ()
    %add3A_22 = arith.constant 256 : i32
    %add3A_23 = arith.addi %mul3A_6, %add3A_22 : i32
    "tpu.region"() ({
      %run_scoped3A = tpu.sem_alloc : memref<!tpu.dma_semaphore, #tpu.memory_space<semaphore_mem>>
      %dma_start3A = arith.constant 0 : i32
      %dma_start3A_91 = tpu.memref_slice %arg6[%add3A_23, %dma_start3A] : memref<5088x128xf32, #tpu.memory_space<vmem_shared>> -> memref<32x128xf32, #tpu.memory_space<vmem_shared>>
      %dma_start3A_92 = arith.constant 0 : i32
      %dma_start3A_93 = tpu.memref_slice %arg6[%add3A_23, %dma_start3A_92] : memref<5088x128xf32, #tpu.memory_space<vmem_shared>> -> memref<32x128xf32, #tpu.memory_space<vmem_shared>>
      tpu.enqueue_dma source(%arg8 : memref<32x128xf32, #tpu.memory_space<vmem>>) target(%dma_start3A_93 : memref<32x128xf32, #tpu.memory_space<vmem_shared>>) target_semaphore(%run_scoped3A : memref<!tpu.dma_semaphore, #tpu.memory_space<semaphore_mem>>)
      %dma_wait3A = arith.constant 0 : i32
      %dma_wait3A_94 = tpu.memref_slice %arg6[%add3A_23, %dma_wait3A] : memref<5088x128xf32, #tpu.memory_space<vmem_shared>> -> memref<32x128xf32, #tpu.memory_space<vmem_shared>>
      %dma_wait3A_95 = arith.constant 0 : i32
      %dma_wait3A_96 = tpu.memref_slice %arg6[%add3A_23, %dma_wait3A_95] : memref<5088x128xf32, #tpu.memory_space<vmem_shared>> -> memref<32x128xf32, #tpu.memory_space<vmem_shared>>
      tpu.wait_dma2 semaphore(%run_scoped3A : memref<!tpu.dma_semaphore, #tpu.memory_space<semaphore_mem>>) src(%arg8 : memref<32x128xf32, #tpu.memory_space<vmem>>) dst(%dma_wait3A_96 : memref<32x128xf32, #tpu.memory_space<vmem_shared>>)
      tpu.yield
    }) : () -> ()
    %lt3A = arith.constant 15 : i32
    %lt3A_24 = arith.cmpi slt, %arg1, %lt3A : i32
    %convert_element_type3A = arith.extui %lt3A_24 : i1 to i32
    %cond3A = arith.constant 0 : i32
    %cond3A_25 = arith.cmpi ne, %convert_element_type3A, %cond3A : i32
    scf.if %cond3A_25 {
      %add3A_91 = arith.constant 288 : i32
      %add3A_92 = arith.addi %mul3A_6, %add3A_91 : i32
      "tpu.region"() ({
        %run_scoped3A = tpu.sem_alloc : memref<!tpu.dma_semaphore, #tpu.memory_space<semaphore_mem>>
        %dma_start3A = arith.constant 0 : i32
        %dma_start3A_93 = tpu.memref_slice %arg6[%add3A_92, %dma_start3A] : memref<5088x128xf32, #tpu.memory_space<vmem_shared>> -> memref<32x128xf32, #tpu.memory_space<vmem_shared>>
        %dma_start3A_94 = arith.constant 0 : i32
        %dma_start3A_95 = tpu.memref_slice %arg6[%add3A_92, %dma_start3A_94] : memref<5088x128xf32, #tpu.memory_space<vmem_shared>> -> memref<32x128xf32, #tpu.memory_space<vmem_shared>>
        tpu.enqueue_dma source(%arg8 : memref<32x128xf32, #tpu.memory_space<vmem>>) target(%dma_start3A_95 : memref<32x128xf32, #tpu.memory_space<vmem_shared>>) target_semaphore(%run_scoped3A : memref<!tpu.dma_semaphore, #tpu.memory_space<semaphore_mem>>)
        %dma_wait3A = arith.constant 0 : i32
        %dma_wait3A_96 = tpu.memref_slice %arg6[%add3A_92, %dma_wait3A] : memref<5088x128xf32, #tpu.memory_space<vmem_shared>> -> memref<32x128xf32, #tpu.memory_space<vmem_shared>>
        %dma_wait3A_97 = arith.constant 0 : i32
        %dma_wait3A_98 = tpu.memref_slice %arg6[%add3A_92, %dma_wait3A_97] : memref<5088x128xf32, #tpu.memory_space<vmem_shared>> -> memref<32x128xf32, #tpu.memory_space<vmem_shared>>
        tpu.wait_dma2 semaphore(%run_scoped3A : memref<!tpu.dma_semaphore, #tpu.memory_space<semaphore_mem>>) src(%arg8 : memref<32x128xf32, #tpu.memory_space<vmem>>) dst(%dma_wait3A_98 : memref<32x128xf32, #tpu.memory_space<vmem_shared>>)
        tpu.yield
      }) : () -> ()
    } else {
    }
    %add3A_26 = arith.constant 0 : i32
    %add3A_27 = arith.addi %arg1, %add3A_26 : i32
    %mul3A_28 = arith.constant 200 : i32
    %mul3A_29 = arith.muli %add3A_27, %mul3A_28 : i32
    "tpu.region"() ({
      %run_scoped3A = tpu.sem_alloc : memref<!tpu.dma_semaphore, #tpu.memory_space<semaphore_mem>>
      %dma_start3A = arith.constant 0 : i32
      %dma_start3A_91 = tpu.memref_slice %arg5[%mul3A_29, %dma_start3A] : memref<10000x128xf32, #tpu.memory_space<vmem_shared>> -> memref<200x128xf32, #tpu.memory_space<vmem_shared>>
      %dma_start3A_92 = arith.constant 0 : i32
      %dma_start3A_93 = tpu.memref_slice %arg2[%mul3A_29, %dma_start3A_92] : memref<10000x128xf32, #tpu.memory_space<hbm>> -> memref<200x128xf32, #tpu.memory_space<hbm>>
      tpu.enqueue_dma source(%dma_start3A_93 : memref<200x128xf32, #tpu.memory_space<hbm>>) target(%dma_start3A_91 : memref<200x128xf32, #tpu.memory_space<vmem_shared>>) target_semaphore(%run_scoped3A : memref<!tpu.dma_semaphore, #tpu.memory_space<semaphore_mem>>)
      %dma_wait3A = arith.constant 0 : i32
      %dma_wait3A_94 = tpu.memref_slice %arg5[%mul3A_29, %dma_wait3A] : memref<10000x128xf32, #tpu.memory_space<vmem_shared>> -> memref<200x128xf32, #tpu.memory_space<vmem_shared>>
      %dma_wait3A_95 = arith.constant 0 : i32
      %dma_wait3A_96 = tpu.memref_slice %arg2[%mul3A_29, %dma_wait3A_95] : memref<10000x128xf32, #tpu.memory_space<hbm>> -> memref<200x128xf32, #tpu.memory_space<hbm>>
      tpu.wait_dma2 semaphore(%run_scoped3A : memref<!tpu.dma_semaphore, #tpu.memory_space<semaphore_mem>>) src(%dma_wait3A_96 : memref<200x128xf32, #tpu.memory_space<hbm>>) dst(%dma_wait3A_94 : memref<200x128xf32, #tpu.memory_space<vmem_shared>>)
      tpu.yield
    }) : () -> ()
    %add3A_30 = arith.constant 16 : i32
    %add3A_31 = arith.addi %arg1, %add3A_30 : i32
    %mul3A_32 = arith.constant 200 : i32
    %mul3A_33 = arith.muli %add3A_31, %mul3A_32 : i32
    "tpu.region"() ({
      %run_scoped3A = tpu.sem_alloc : memref<!tpu.dma_semaphore, #tpu.memory_space<semaphore_mem>>
      %dma_start3A = arith.constant 0 : i32
      %dma_start3A_91 = tpu.memref_slice %arg5[%mul3A_33, %dma_start3A] : memref<10000x128xf32, #tpu.memory_space<vmem_shared>> -> memref<200x128xf32, #tpu.memory_space<vmem_shared>>
      %dma_start3A_92 = arith.constant 0 : i32
      %dma_start3A_93 = tpu.memref_slice %arg2[%mul3A_33, %dma_start3A_92] : memref<10000x128xf32, #tpu.memory_space<hbm>> -> memref<200x128xf32, #tpu.memory_space<hbm>>
      tpu.enqueue_dma source(%dma_start3A_93 : memref<200x128xf32, #tpu.memory_space<hbm>>) target(%dma_start3A_91 : memref<200x128xf32, #tpu.memory_space<vmem_shared>>) target_semaphore(%run_scoped3A : memref<!tpu.dma_semaphore, #tpu.memory_space<semaphore_mem>>)
      %dma_wait3A = arith.constant 0 : i32
      %dma_wait3A_94 = tpu.memref_slice %arg5[%mul3A_33, %dma_wait3A] : memref<10000x128xf32, #tpu.memory_space<vmem_shared>> -> memref<200x128xf32, #tpu.memory_space<vmem_shared>>
      %dma_wait3A_95 = arith.constant 0 : i32
      %dma_wait3A_96 = tpu.memref_slice %arg2[%mul3A_33, %dma_wait3A_95] : memref<10000x128xf32, #tpu.memory_space<hbm>> -> memref<200x128xf32, #tpu.memory_space<hbm>>
      tpu.wait_dma2 semaphore(%run_scoped3A : memref<!tpu.dma_semaphore, #tpu.memory_space<semaphore_mem>>) src(%dma_wait3A_96 : memref<200x128xf32, #tpu.memory_space<hbm>>) dst(%dma_wait3A_94 : memref<200x128xf32, #tpu.memory_space<vmem_shared>>)
      tpu.yield
    }) : () -> ()
    %add3A_34 = arith.constant 32 : i32
    %add3A_35 = arith.addi %arg1, %add3A_34 : i32
    %mul3A_36 = arith.constant 200 : i32
    %mul3A_37 = arith.muli %add3A_35, %mul3A_36 : i32
    "tpu.region"() ({
      %run_scoped3A = tpu.sem_alloc : memref<!tpu.dma_semaphore, #tpu.memory_space<semaphore_mem>>
      %dma_start3A = arith.constant 0 : i32
      %dma_start3A_91 = tpu.memref_slice %arg5[%mul3A_37, %dma_start3A] : memref<10000x128xf32, #tpu.memory_space<vmem_shared>> -> memref<200x128xf32, #tpu.memory_space<vmem_shared>>
      %dma_start3A_92 = arith.constant 0 : i32
      %dma_start3A_93 = tpu.memref_slice %arg2[%mul3A_37, %dma_start3A_92] : memref<10000x128xf32, #tpu.memory_space<hbm>> -> memref<200x128xf32, #tpu.memory_space<hbm>>
      tpu.enqueue_dma source(%dma_start3A_93 : memref<200x128xf32, #tpu.memory_space<hbm>>) target(%dma_start3A_91 : memref<200x128xf32, #tpu.memory_space<vmem_shared>>) target_semaphore(%run_scoped3A : memref<!tpu.dma_semaphore, #tpu.memory_space<semaphore_mem>>)
      %dma_wait3A = arith.constant 0 : i32
      %dma_wait3A_94 = tpu.memref_slice %arg5[%mul3A_37, %dma_wait3A] : memref<10000x128xf32, #tpu.memory_space<vmem_shared>> -> memref<200x128xf32, #tpu.memory_space<vmem_shared>>
      %dma_wait3A_95 = arith.constant 0 : i32
      %dma_wait3A_96 = tpu.memref_slice %arg2[%mul3A_37, %dma_wait3A_95] : memref<10000x128xf32, #tpu.memory_space<hbm>> -> memref<200x128xf32, #tpu.memory_space<hbm>>
      tpu.wait_dma2 semaphore(%run_scoped3A : memref<!tpu.dma_semaphore, #tpu.memory_space<semaphore_mem>>) src(%dma_wait3A_96 : memref<200x128xf32, #tpu.memory_space<hbm>>) dst(%dma_wait3A_94 : memref<200x128xf32, #tpu.memory_space<vmem_shared>>)
      tpu.yield
    }) : () -> ()
    %lt3A_38 = arith.constant 2 : i32
    %lt3A_39 = arith.cmpi slt, %arg1, %lt3A_38 : i32
    %convert_element_type3A_40 = arith.extui %lt3A_39 : i1 to i32
    %cond3A_41 = arith.constant 0 : i32
    %cond3A_42 = arith.cmpi ne, %convert_element_type3A_40, %cond3A_41 : i32
    scf.if %cond3A_42 {
      %add3A_91 = arith.constant 48 : i32
      %add3A_92 = arith.addi %add3A_91, %arg1 : i32
      %mul3A_93 = arith.constant 200 : i32
      %mul3A_94 = arith.muli %add3A_92, %mul3A_93 : i32
      "tpu.region"() ({
        %run_scoped3A = tpu.sem_alloc : memref<!tpu.dma_semaphore, #tpu.memory_space<semaphore_mem>>
        %dma_start3A = arith.constant 0 : i32
        %dma_start3A_95 = tpu.memref_slice %arg5[%mul3A_94, %dma_start3A] : memref<10000x128xf32, #tpu.memory_space<vmem_shared>> -> memref<200x128xf32, #tpu.memory_space<vmem_shared>>
        %dma_start3A_96 = arith.constant 0 : i32
        %dma_start3A_97 = tpu.memref_slice %arg2[%mul3A_94, %dma_start3A_96] : memref<10000x128xf32, #tpu.memory_space<hbm>> -> memref<200x128xf32, #tpu.memory_space<hbm>>
        tpu.enqueue_dma source(%dma_start3A_97 : memref<200x128xf32, #tpu.memory_space<hbm>>) target(%dma_start3A_95 : memref<200x128xf32, #tpu.memory_space<vmem_shared>>) target_semaphore(%run_scoped3A : memref<!tpu.dma_semaphore, #tpu.memory_space<semaphore_mem>>)
        %dma_wait3A = arith.constant 0 : i32
        %dma_wait3A_98 = tpu.memref_slice %arg5[%mul3A_94, %dma_wait3A] : memref<10000x128xf32, #tpu.memory_space<vmem_shared>> -> memref<200x128xf32, #tpu.memory_space<vmem_shared>>
        %dma_wait3A_99 = arith.constant 0 : i32
        %dma_wait3A_100 = tpu.memref_slice %arg2[%mul3A_94, %dma_wait3A_99] : memref<10000x128xf32, #tpu.memory_space<hbm>> -> memref<200x128xf32, #tpu.memory_space<hbm>>
        tpu.wait_dma2 semaphore(%run_scoped3A : memref<!tpu.dma_semaphore, #tpu.memory_space<semaphore_mem>>) src(%dma_wait3A_100 : memref<200x128xf32, #tpu.memory_space<hbm>>) dst(%dma_wait3A_98 : memref<200x128xf32, #tpu.memory_space<vmem_shared>>)
        tpu.yield
      }) : () -> ()
    } else {
    }
    %barrier3A = arith.constant 0 : index
    tpu.barrier barrier_id(%barrier3A)
    %scan3A_43 = arith.constant 0 : i32
    %scan3A_44 = arith.constant 0 : i32
    %scan3A_45 = arith.constant 80 : i32
    %scan3A_46 = arith.addi %scan3A_44, %scan3A_45 : i32
    %scan3A_47 = arith.constant 1 : i32
    scf.for %scan3A_91 = %scan3A_44 to %scan3A_46 step %scan3A_47  : i32 {
      %mul3A_92 = arith.constant 640 : i32
      %mul3A_93 = arith.muli %arg1, %mul3A_92 : i32
      %mul3A_94 = arith.constant 8 : i32
      %mul3A_95 = arith.muli %scan3A_91, %mul3A_94 : i32
      %add3A_96 = arith.addi %mul3A_93, %mul3A_95 : i32
      "tpu.region"() ({
        %run_scoped3A = tpu.sem_alloc : memref<!tpu.dma_semaphore, #tpu.memory_space<semaphore_mem>>
        %dma_start3A_351 = arith.constant 0 : i32
        %dma_start3A_352 = arith.constant 0 : i32
        %dma_start3A_353 = tpu.memref_slice %arg3[%arg0, %add3A_96, %dma_start3A_351, %dma_start3A_352] : memref<2x10240x2x32xi32, #tpu.memory_space<hbm>> -> memref<1x8x2x32xi32, #tpu.memory_space<hbm>>
        %dma_start3A_354 = tpu.memref_squeeze %dma_start3A_353 : memref<1x8x2x32xi32, #tpu.memory_space<hbm>> -> memref<8x2x32xi32, #tpu.memory_space<hbm>>
        %dma_start3A_355 = arith.constant 0 : i32
        %dma_start3A_356 = arith.constant 0 : i32
        %dma_start3A_357 = tpu.memref_slice %arg3[%arg0, %add3A_96, %dma_start3A_355, %dma_start3A_356] : memref<2x10240x2x32xi32, #tpu.memory_space<hbm>> -> memref<1x8x2x32xi32, #tpu.memory_space<hbm>>
        %dma_start3A_358 = tpu.memref_squeeze %dma_start3A_357 : memref<1x8x2x32xi32, #tpu.memory_space<hbm>> -> memref<8x2x32xi32, #tpu.memory_space<hbm>>
        tpu.enqueue_dma source(%dma_start3A_358 : memref<8x2x32xi32, #tpu.memory_space<hbm>>) target(%arg7 : memref<8x2x32xi32, #tpu.memory_space<vmem>>) target_semaphore(%run_scoped3A : memref<!tpu.dma_semaphore, #tpu.memory_space<semaphore_mem>>)
        %dma_wait3A_359 = arith.constant 0 : i32
        %dma_wait3A_360 = arith.constant 0 : i32
        %dma_wait3A_361 = tpu.memref_slice %arg3[%arg0, %add3A_96, %dma_wait3A_359, %dma_wait3A_360] : memref<2x10240x2x32xi32, #tpu.memory_space<hbm>> -> memref<1x8x2x32xi32, #tpu.memory_space<hbm>>
        %dma_wait3A_362 = tpu.memref_squeeze %dma_wait3A_361 : memref<1x8x2x32xi32, #tpu.memory_space<hbm>> -> memref<8x2x32xi32, #tpu.memory_space<hbm>>
        %dma_wait3A_363 = arith.constant 0 : i32
        %dma_wait3A_364 = arith.constant 0 : i32
        %dma_wait3A_365 = tpu.memref_slice %arg3[%arg0, %add3A_96, %dma_wait3A_363, %dma_wait3A_364] : memref<2x10240x2x32xi32, #tpu.memory_space<hbm>> -> memref<1x8x2x32xi32, #tpu.memory_space<hbm>>
        %dma_wait3A_366 = tpu.memref_squeeze %dma_wait3A_365 : memref<1x8x2x32xi32, #tpu.memory_space<hbm>> -> memref<8x2x32xi32, #tpu.memory_space<hbm>>
        tpu.wait_dma2 semaphore(%run_scoped3A : memref<!tpu.dma_semaphore, #tpu.memory_space<semaphore_mem>>) src(%dma_wait3A_366 : memref<8x2x32xi32, #tpu.memory_space<hbm>>) dst(%arg7 : memref<8x2x32xi32, #tpu.memory_space<vmem>>)
        tpu.yield
      }) : () -> ()
      %dma_start3A = arith.constant 0 : i32
      %dma_start3A_97 = arith.constant 0 : i32
      %dma_start3A_98 = arith.constant 0 : i32
      %dma_start3A_99 = tpu.memref_slice %arg7[%dma_start3A, %dma_start3A_97, %dma_start3A_98] : memref<8x2x32xi32, #tpu.memory_space<vmem>> -> memref<1x1x32xi32, #tpu.memory_space<vmem>>
      %dma_start3A_100 = tpu.memref_squeeze %dma_start3A_99 : memref<1x1x32xi32, #tpu.memory_space<vmem>> -> memref<32xi32, #tpu.memory_space<vmem>>
      %dma_start3A_101 = arith.constant 0 : i32
      %dma_start3A_102 = arith.constant 0 : i32
      %dma_start3A_103 = tpu.memref_slice %arg5[%dma_start3A_101, %dma_start3A_102] : memref<10000x128xf32, #tpu.memory_space<vmem_shared>> -> memref<10000x128xf32, #tpu.memory_space<vmem_shared>>
      tpu.enqueue_indirect_dma source(%dma_start3A_103 : memref<10000x128xf32, #tpu.memory_space<vmem_shared>>) target(%arg8 : memref<32x128xf32, #tpu.memory_space<vmem>>) offsets(%dma_start3A_100 : memref<32xi32, #tpu.memory_space<vmem>>) semaphore(%arg10 : memref<!tpu.dma_semaphore, #tpu.memory_space<semaphore_mem>>)
      %dma_wait3A = arith.constant 0 : i32
      %dma_wait3A_104 = arith.constant 0 : i32
      %dma_wait3A_105 = arith.constant 0 : i32
      %dma_wait3A_106 = tpu.memref_slice %arg7[%dma_wait3A, %dma_wait3A_104, %dma_wait3A_105] : memref<8x2x32xi32, #tpu.memory_space<vmem>> -> memref<1x1x32xi32, #tpu.memory_space<vmem>>
      %dma_wait3A_107 = tpu.memref_squeeze %dma_wait3A_106 : memref<1x1x32xi32, #tpu.memory_space<vmem>> -> memref<32xi32, #tpu.memory_space<vmem>>
      %dma_wait3A_108 = arith.constant 0 : i32
      %dma_wait3A_109 = arith.constant 0 : i32
      %dma_wait3A_110 = tpu.memref_slice %arg5[%dma_wait3A_108, %dma_wait3A_109] : memref<10000x128xf32, #tpu.memory_space<vmem_shared>> -> memref<10000x128xf32, #tpu.memory_space<vmem_shared>>
      tpu.wait_indirect_dma semaphore(%arg10 : memref<!tpu.dma_semaphore, #tpu.memory_space<semaphore_mem>>) src(%dma_wait3A_110 : memref<10000x128xf32, #tpu.memory_space<vmem_shared>>) dst(%arg8 : memref<32x128xf32, #tpu.memory_space<vmem>>)
      %dma_start3A_111 = arith.constant 0 : i32
      %dma_start3A_112 = arith.constant 1 : i32
      %dma_start3A_113 = arith.constant 0 : i32
      %dma_start3A_114 = tpu.memref_slice %arg7[%dma_start3A_111, %dma_start3A_112, %dma_start3A_113] : memref<8x2x32xi32, #tpu.memory_space<vmem>> -> memref<1x1x32xi32, #tpu.memory_space<vmem>>
      %dma_start3A_115 = tpu.memref_squeeze %dma_start3A_114 : memref<1x1x32xi32, #tpu.memory_space<vmem>> -> memref<32xi32, #tpu.memory_space<vmem>>
      %dma_start3A_116 = arith.constant 0 : i32
      %dma_start3A_117 = arith.constant 0 : i32
      %dma_start3A_118 = tpu.memref_slice %arg6[%dma_start3A_116, %dma_start3A_117] : memref<5088x128xf32, #tpu.memory_space<vmem_shared>> -> memref<5088x128xf32, #tpu.memory_space<vmem_shared>>
      tpu.enqueue_indirect_dma source(%arg8 : memref<32x128xf32, #tpu.memory_space<vmem>>) target(%dma_start3A_118 : memref<5088x128xf32, #tpu.memory_space<vmem_shared>>) offsets(%dma_start3A_115 : memref<32xi32, #tpu.memory_space<vmem>>) semaphore(%arg12 : memref<!tpu.dma_semaphore, #tpu.memory_space<semaphore_mem>>) {add = true}
      %dma_start3A_119 = arith.constant 1 : i32
      %dma_start3A_120 = arith.constant 0 : i32
      %dma_start3A_121 = arith.constant 0 : i32
      %dma_start3A_122 = tpu.memref_slice %arg7[%dma_start3A_119, %dma_start3A_120, %dma_start3A_121] : memref<8x2x32xi32, #tpu.memory_space<vmem>> -> memref<1x1x32xi32, #tpu.memory_space<vmem>>
      %dma_start3A_123 = tpu.memref_squeeze %dma_start3A_122 : memref<1x1x32xi32, #tpu.memory_space<vmem>> -> memref<32xi32, #tpu.memory_space<vmem>>
      %dma_start3A_124 = arith.constant 0 : i32
      %dma_start3A_125 = arith.constant 0 : i32
      %dma_start3A_126 = tpu.memref_slice %arg5[%dma_start3A_124, %dma_start3A_125] : memref<10000x128xf32, #tpu.memory_space<vmem_shared>> -> memref<10000x128xf32, #tpu.memory_space<vmem_shared>>
      tpu.enqueue_indirect_dma source(%dma_start3A_126 : memref<10000x128xf32, #tpu.memory_space<vmem_shared>>) target(%arg9 : memref<32x128xf32, #tpu.memory_space<vmem>>) offsets(%dma_start3A_123 : memref<32xi32, #tpu.memory_space<vmem>>) semaphore(%arg11 : memref<!tpu.dma_semaphore, #tpu.memory_space<semaphore_mem>>)
      %dma_wait3A_127 = arith.constant 1 : i32
      %dma_wait3A_128 = arith.constant 0 : i32
      %dma_wait3A_129 = arith.constant 0 : i32
      %dma_wait3A_130 = tpu.memref_slice %arg7[%dma_wait3A_127, %dma_wait3A_128, %dma_wait3A_129] : memref<8x2x32xi32, #tpu.memory_space<vmem>> -> memref<1x1x32xi32, #tpu.memory_space<vmem>>
      %dma_wait3A_131 = tpu.memref_squeeze %dma_wait3A_130 : memref<1x1x32xi32, #tpu.memory_space<vmem>> -> memref<32xi32, #tpu.memory_space<vmem>>
      %dma_wait3A_132 = arith.constant 0 : i32
      %dma_wait3A_133 = arith.constant 0 : i32
      %dma_wait3A_134 = tpu.memref_slice %arg5[%dma_wait3A_132, %dma_wait3A_133] : memref<10000x128xf32, #tpu.memory_space<vmem_shared>> -> memref<10000x128xf32, #tpu.memory_space<vmem_shared>>
      tpu.wait_indirect_dma semaphore(%arg11 : memref<!tpu.dma_semaphore, #tpu.memory_space<semaphore_mem>>) src(%dma_wait3A_134 : memref<10000x128xf32, #tpu.memory_space<vmem_shared>>) dst(%arg9 : memref<32x128xf32, #tpu.memory_space<vmem>>)
      %dma_start3A_135 = arith.constant 1 : i32
      %dma_start3A_136 = arith.constant 1 : i32
      %dma_start3A_137 = arith.constant 0 : i32
      %dma_start3A_138 = tpu.memref_slice %arg7[%dma_start3A_135, %dma_start3A_136, %dma_start3A_137] : memref<8x2x32xi32, #tpu.memory_space<vmem>> -> memref<1x1x32xi32, #tpu.memory_space<vmem>>
      %dma_start3A_139 = tpu.memref_squeeze %dma_start3A_138 : memref<1x1x32xi32, #tpu.memory_space<vmem>> -> memref<32xi32, #tpu.memory_space<vmem>>
      %dma_start3A_140 = arith.constant 0 : i32
      %dma_start3A_141 = arith.constant 0 : i32
      %dma_start3A_142 = tpu.memref_slice %arg6[%dma_start3A_140, %dma_start3A_141] : memref<5088x128xf32, #tpu.memory_space<vmem_shared>> -> memref<5088x128xf32, #tpu.memory_space<vmem_shared>>
      tpu.enqueue_indirect_dma source(%arg9 : memref<32x128xf32, #tpu.memory_space<vmem>>) target(%dma_start3A_142 : memref<5088x128xf32, #tpu.memory_space<vmem_shared>>) offsets(%dma_start3A_139 : memref<32xi32, #tpu.memory_space<vmem>>) semaphore(%arg13 : memref<!tpu.dma_semaphore, #tpu.memory_space<semaphore_mem>>) {add = true}
      %dma_wait3A_143 = arith.constant 0 : i32
      %dma_wait3A_144 = arith.constant 1 : i32
      %dma_wait3A_145 = arith.constant 0 : i32
      %dma_wait3A_146 = tpu.memref_slice %arg7[%dma_wait3A_143, %dma_wait3A_144, %dma_wait3A_145] : memref<8x2x32xi32, #tpu.memory_space<vmem>> -> memref<1x1x32xi32, #tpu.memory_space<vmem>>
      %dma_wait3A_147 = tpu.memref_squeeze %dma_wait3A_146 : memref<1x1x32xi32, #tpu.memory_space<vmem>> -> memref<32xi32, #tpu.memory_space<vmem>>
      %dma_wait3A_148 = arith.constant 0 : i32
      %dma_wait3A_149 = arith.constant 0 : i32
      %dma_wait3A_150 = tpu.memref_slice %arg6[%dma_wait3A_148, %dma_wait3A_149] : memref<5088x128xf32, #tpu.memory_space<vmem_shared>> -> memref<5088x128xf32, #tpu.memory_space<vmem_shared>>
      tpu.wait_indirect_dma semaphore(%arg12 : memref<!tpu.dma_semaphore, #tpu.memory_space<semaphore_mem>>) src(%arg8 : memref<32x128xf32, #tpu.memory_space<vmem>>) dst(%dma_wait3A_150 : memref<5088x128xf32, #tpu.memory_space<vmem_shared>>)
      %dma_start3A_151 = arith.constant 2 : i32
      %dma_start3A_152 = arith.constant 0 : i32
      %dma_start3A_153 = arith.constant 0 : i32
      %dma_start3A_154 = tpu.memref_slice %arg7[%dma_start3A_151, %dma_start3A_152, %dma_start3A_153] : memref<8x2x32xi32, #tpu.memory_space<vmem>> -> memref<1x1x32xi32, #tpu.memory_space<vmem>>
      %dma_start3A_155 = tpu.memref_squeeze %dma_start3A_154 : memref<1x1x32xi32, #tpu.memory_space<vmem>> -> memref<32xi32, #tpu.memory_space<vmem>>
      %dma_start3A_156 = arith.constant 0 : i32
      %dma_start3A_157 = arith.constant 0 : i32
      %dma_start3A_158 = tpu.memref_slice %arg5[%dma_start3A_156, %dma_start3A_157] : memref<10000x128xf32, #tpu.memory_space<vmem_shared>> -> memref<10000x128xf32, #tpu.memory_space<vmem_shared>>
      tpu.enqueue_indirect_dma source(%dma_start3A_158 : memref<10000x128xf32, #tpu.memory_space<vmem_shared>>) target(%arg8 : memref<32x128xf32, #tpu.memory_space<vmem>>) offsets(%dma_start3A_155 : memref<32xi32, #tpu.memory_space<vmem>>) semaphore(%arg10 : memref<!tpu.dma_semaphore, #tpu.memory_space<semaphore_mem>>)
      %dma_wait3A_159 = arith.constant 2 : i32
      %dma_wait3A_160 = arith.constant 0 : i32
      %dma_wait3A_161 = arith.constant 0 : i32
      %dma_wait3A_162 = tpu.memref_slice %arg7[%dma_wait3A_159, %dma_wait3A_160, %dma_wait3A_161] : memref<8x2x32xi32, #tpu.memory_space<vmem>> -> memref<1x1x32xi32, #tpu.memory_space<vmem>>
      %dma_wait3A_163 = tpu.memref_squeeze %dma_wait3A_162 : memref<1x1x32xi32, #tpu.memory_space<vmem>> -> memref<32xi32, #tpu.memory_space<vmem>>
      %dma_wait3A_164 = arith.constant 0 : i32
      %dma_wait3A_165 = arith.constant 0 : i32
      %dma_wait3A_166 = tpu.memref_slice %arg5[%dma_wait3A_164, %dma_wait3A_165] : memref<10000x128xf32, #tpu.memory_space<vmem_shared>> -> memref<10000x128xf32, #tpu.memory_space<vmem_shared>>
      tpu.wait_indirect_dma semaphore(%arg10 : memref<!tpu.dma_semaphore, #tpu.memory_space<semaphore_mem>>) src(%dma_wait3A_166 : memref<10000x128xf32, #tpu.memory_space<vmem_shared>>) dst(%arg8 : memref<32x128xf32, #tpu.memory_space<vmem>>)
      %dma_start3A_167 = arith.constant 2 : i32
      %dma_start3A_168 = arith.constant 1 : i32
      %dma_start3A_169 = arith.constant 0 : i32
      %dma_start3A_170 = tpu.memref_slice %arg7[%dma_start3A_167, %dma_start3A_168, %dma_start3A_169] : memref<8x2x32xi32, #tpu.memory_space<vmem>> -> memref<1x1x32xi32, #tpu.memory_space<vmem>>
      %dma_start3A_171 = tpu.memref_squeeze %dma_start3A_170 : memref<1x1x32xi32, #tpu.memory_space<vmem>> -> memref<32xi32, #tpu.memory_space<vmem>>
      %dma_start3A_172 = arith.constant 0 : i32
      %dma_start3A_173 = arith.constant 0 : i32
      %dma_start3A_174 = tpu.memref_slice %arg6[%dma_start3A_172, %dma_start3A_173] : memref<5088x128xf32, #tpu.memory_space<vmem_shared>> -> memref<5088x128xf32, #tpu.memory_space<vmem_shared>>
      tpu.enqueue_indirect_dma source(%arg8 : memref<32x128xf32, #tpu.memory_space<vmem>>) target(%dma_start3A_174 : memref<5088x128xf32, #tpu.memory_space<vmem_shared>>) offsets(%dma_start3A_171 : memref<32xi32, #tpu.memory_space<vmem>>) semaphore(%arg12 : memref<!tpu.dma_semaphore, #tpu.memory_space<semaphore_mem>>) {add = true}
      %dma_wait3A_175 = arith.constant 1 : i32
      %dma_wait3A_176 = arith.constant 1 : i32
      %dma_wait3A_177 = arith.constant 0 : i32
      %dma_wait3A_178 = tpu.memref_slice %arg7[%dma_wait3A_175, %dma_wait3A_176, %dma_wait3A_177] : memref<8x2x32xi32, #tpu.memory_space<vmem>> -> memref<1x1x32xi32, #tpu.memory_space<vmem>>
      %dma_wait3A_179 = tpu.memref_squeeze %dma_wait3A_178 : memref<1x1x32xi32, #tpu.memory_space<vmem>> -> memref<32xi32, #tpu.memory_space<vmem>>
      %dma_wait3A_180 = arith.constant 0 : i32
      %dma_wait3A_181 = arith.constant 0 : i32
      %dma_wait3A_182 = tpu.memref_slice %arg6[%dma_wait3A_180, %dma_wait3A_181] : memref<5088x128xf32, #tpu.memory_space<vmem_shared>> -> memref<5088x128xf32, #tpu.memory_space<vmem_shared>>
      tpu.wait_indirect_dma semaphore(%arg13 : memref<!tpu.dma_semaphore, #tpu.memory_space<semaphore_mem>>) src(%arg9 : memref<32x128xf32, #tpu.memory_space<vmem>>) dst(%dma_wait3A_182 : memref<5088x128xf32, #tpu.memory_space<vmem_shared>>)
      %dma_start3A_183 = arith.constant 3 : i32
      %dma_start3A_184 = arith.constant 0 : i32
      %dma_start3A_185 = arith.constant 0 : i32
      %dma_start3A_186 = tpu.memref_slice %arg7[%dma_start3A_183, %dma_start3A_184, %dma_start3A_185] : memref<8x2x32xi32, #tpu.memory_space<vmem>> -> memref<1x1x32xi32, #tpu.memory_space<vmem>>
      %dma_start3A_187 = tpu.memref_squeeze %dma_start3A_186 : memref<1x1x32xi32, #tpu.memory_space<vmem>> -> memref<32xi32, #tpu.memory_space<vmem>>
      %dma_start3A_188 = arith.constant 0 : i32
      %dma_start3A_189 = arith.constant 0 : i32
      %dma_start3A_190 = tpu.memref_slice %arg5[%dma_start3A_188, %dma_start3A_189] : memref<10000x128xf32, #tpu.memory_space<vmem_shared>> -> memref<10000x128xf32, #tpu.memory_space<vmem_shared>>
      tpu.enqueue_indirect_dma source(%dma_start3A_190 : memref<10000x128xf32, #tpu.memory_space<vmem_shared>>) target(%arg9 : memref<32x128xf32, #tpu.memory_space<vmem>>) offsets(%dma_start3A_187 : memref<32xi32, #tpu.memory_space<vmem>>) semaphore(%arg11 : memref<!tpu.dma_semaphore, #tpu.memory_space<semaphore_mem>>)
      %dma_wait3A_191 = arith.constant 3 : i32
      %dma_wait3A_192 = arith.constant 0 : i32
      %dma_wait3A_193 = arith.constant 0 : i32
      %dma_wait3A_194 = tpu.memref_slice %arg7[%dma_wait3A_191, %dma_wait3A_192, %dma_wait3A_193] : memref<8x2x32xi32, #tpu.memory_space<vmem>> -> memref<1x1x32xi32, #tpu.memory_space<vmem>>
      %dma_wait3A_195 = tpu.memref_squeeze %dma_wait3A_194 : memref<1x1x32xi32, #tpu.memory_space<vmem>> -> memref<32xi32, #tpu.memory_space<vmem>>
      %dma_wait3A_196 = arith.constant 0 : i32
      %dma_wait3A_197 = arith.constant 0 : i32
      %dma_wait3A_198 = tpu.memref_slice %arg5[%dma_wait3A_196, %dma_wait3A_197] : memref<10000x128xf32, #tpu.memory_space<vmem_shared>> -> memref<10000x128xf32, #tpu.memory_space<vmem_shared>>
      tpu.wait_indirect_dma semaphore(%arg11 : memref<!tpu.dma_semaphore, #tpu.memory_space<semaphore_mem>>) src(%dma_wait3A_198 : memref<10000x128xf32, #tpu.memory_space<vmem_shared>>) dst(%arg9 : memref<32x128xf32, #tpu.memory_space<vmem>>)
      %dma_start3A_199 = arith.constant 3 : i32
      %dma_start3A_200 = arith.constant 1 : i32
      %dma_start3A_201 = arith.constant 0 : i32
      %dma_start3A_202 = tpu.memref_slice %arg7[%dma_start3A_199, %dma_start3A_200, %dma_start3A_201] : memref<8x2x32xi32, #tpu.memory_space<vmem>> -> memref<1x1x32xi32, #tpu.memory_space<vmem>>
      %dma_start3A_203 = tpu.memref_squeeze %dma_start3A_202 : memref<1x1x32xi32, #tpu.memory_space<vmem>> -> memref<32xi32, #tpu.memory_space<vmem>>
      %dma_start3A_204 = arith.constant 0 : i32
      %dma_start3A_205 = arith.constant 0 : i32
      %dma_start3A_206 = tpu.memref_slice %arg6[%dma_start3A_204, %dma_start3A_205] : memref<5088x128xf32, #tpu.memory_space<vmem_shared>> -> memref<5088x128xf32, #tpu.memory_space<vmem_shared>>
      tpu.enqueue_indirect_dma source(%arg9 : memref<32x128xf32, #tpu.memory_space<vmem>>) target(%dma_start3A_206 : memref<5088x128xf32, #tpu.memory_space<vmem_shared>>) offsets(%dma_start3A_203 : memref<32xi32, #tpu.memory_space<vmem>>) semaphore(%arg13 : memref<!tpu.dma_semaphore, #tpu.memory_space<semaphore_mem>>) {add = true}
      %dma_wait3A_207 = arith.constant 2 : i32
      %dma_wait3A_208 = arith.constant 1 : i32
      %dma_wait3A_209 = arith.constant 0 : i32
      %dma_wait3A_210 = tpu.memref_slice %arg7[%dma_wait3A_207, %dma_wait3A_208, %dma_wait3A_209] : memref<8x2x32xi32, #tpu.memory_space<vmem>> -> memref<1x1x32xi32, #tpu.memory_space<vmem>>
      %dma_wait3A_211 = tpu.memref_squeeze %dma_wait3A_210 : memref<1x1x32xi32, #tpu.memory_space<vmem>> -> memref<32xi32, #tpu.memory_space<vmem>>
      %dma_wait3A_212 = arith.constant 0 : i32
      %dma_wait3A_213 = arith.constant 0 : i32
      %dma_wait3A_214 = tpu.memref_slice %arg6[%dma_wait3A_212, %dma_wait3A_213] : memref<5088x128xf32, #tpu.memory_space<vmem_shared>> -> memref<5088x128xf32, #tpu.memory_space<vmem_shared>>
      tpu.wait_indirect_dma semaphore(%arg12 : memref<!tpu.dma_semaphore, #tpu.memory_space<semaphore_mem>>) src(%arg8 : memref<32x128xf32, #tpu.memory_space<vmem>>) dst(%dma_wait3A_214 : memref<5088x128xf32, #tpu.memory_space<vmem_shared>>)
      %dma_start3A_215 = arith.constant 4 : i32
      %dma_start3A_216 = arith.constant 0 : i32
      %dma_start3A_217 = arith.constant 0 : i32
      %dma_start3A_218 = tpu.memref_slice %arg7[%dma_start3A_215, %dma_start3A_216, %dma_start3A_217] : memref<8x2x32xi32, #tpu.memory_space<vmem>> -> memref<1x1x32xi32, #tpu.memory_space<vmem>>
      %dma_start3A_219 = tpu.memref_squeeze %dma_start3A_218 : memref<1x1x32xi32, #tpu.memory_space<vmem>> -> memref<32xi32, #tpu.memory_space<vmem>>
      %dma_start3A_220 = arith.constant 0 : i32
      %dma_start3A_221 = arith.constant 0 : i32
      %dma_start3A_222 = tpu.memref_slice %arg5[%dma_start3A_220, %dma_start3A_221] : memref<10000x128xf32, #tpu.memory_space<vmem_shared>> -> memref<10000x128xf32, #tpu.memory_space<vmem_shared>>
      tpu.enqueue_indirect_dma source(%dma_start3A_222 : memref<10000x128xf32, #tpu.memory_space<vmem_shared>>) target(%arg8 : memref<32x128xf32, #tpu.memory_space<vmem>>) offsets(%dma_start3A_219 : memref<32xi32, #tpu.memory_space<vmem>>) semaphore(%arg10 : memref<!tpu.dma_semaphore, #tpu.memory_space<semaphore_mem>>)
      %dma_wait3A_223 = arith.constant 4 : i32
      %dma_wait3A_224 = arith.constant 0 : i32
      %dma_wait3A_225 = arith.constant 0 : i32
      %dma_wait3A_226 = tpu.memref_slice %arg7[%dma_wait3A_223, %dma_wait3A_224, %dma_wait3A_225] : memref<8x2x32xi32, #tpu.memory_space<vmem>> -> memref<1x1x32xi32, #tpu.memory_space<vmem>>
      %dma_wait3A_227 = tpu.memref_squeeze %dma_wait3A_226 : memref<1x1x32xi32, #tpu.memory_space<vmem>> -> memref<32xi32, #tpu.memory_space<vmem>>
      %dma_wait3A_228 = arith.constant 0 : i32
      %dma_wait3A_229 = arith.constant 0 : i32
      %dma_wait3A_230 = tpu.memref_slice %arg5[%dma_wait3A_228, %dma_wait3A_229] : memref<10000x128xf32, #tpu.memory_space<vmem_shared>> -> memref<10000x128xf32, #tpu.memory_space<vmem_shared>>
      tpu.wait_indirect_dma semaphore(%arg10 : memref<!tpu.dma_semaphore, #tpu.memory_space<semaphore_mem>>) src(%dma_wait3A_230 : memref<10000x128xf32, #tpu.memory_space<vmem_shared>>) dst(%arg8 : memref<32x128xf32, #tpu.memory_space<vmem>>)
      %dma_start3A_231 = arith.constant 4 : i32
      %dma_start3A_232 = arith.constant 1 : i32
      %dma_start3A_233 = arith.constant 0 : i32
      %dma_start3A_234 = tpu.memref_slice %arg7[%dma_start3A_231, %dma_start3A_232, %dma_start3A_233] : memref<8x2x32xi32, #tpu.memory_space<vmem>> -> memref<1x1x32xi32, #tpu.memory_space<vmem>>
      %dma_start3A_235 = tpu.memref_squeeze %dma_start3A_234 : memref<1x1x32xi32, #tpu.memory_space<vmem>> -> memref<32xi32, #tpu.memory_space<vmem>>
      %dma_start3A_236 = arith.constant 0 : i32
      %dma_start3A_237 = arith.constant 0 : i32
      %dma_start3A_238 = tpu.memref_slice %arg6[%dma_start3A_236, %dma_start3A_237] : memref<5088x128xf32, #tpu.memory_space<vmem_shared>> -> memref<5088x128xf32, #tpu.memory_space<vmem_shared>>
      tpu.enqueue_indirect_dma source(%arg8 : memref<32x128xf32, #tpu.memory_space<vmem>>) target(%dma_start3A_238 : memref<5088x128xf32, #tpu.memory_space<vmem_shared>>) offsets(%dma_start3A_235 : memref<32xi32, #tpu.memory_space<vmem>>) semaphore(%arg12 : memref<!tpu.dma_semaphore, #tpu.memory_space<semaphore_mem>>) {add = true}
      %dma_wait3A_239 = arith.constant 3 : i32
      %dma_wait3A_240 = arith.constant 1 : i32
      %dma_wait3A_241 = arith.constant 0 : i32
      %dma_wait3A_242 = tpu.memref_slice %arg7[%dma_wait3A_239, %dma_wait3A_240, %dma_wait3A_241] : memref<8x2x32xi32, #tpu.memory_space<vmem>> -> memref<1x1x32xi32, #tpu.memory_space<vmem>>
      %dma_wait3A_243 = tpu.memref_squeeze %dma_wait3A_242 : memref<1x1x32xi32, #tpu.memory_space<vmem>> -> memref<32xi32, #tpu.memory_space<vmem>>
      %dma_wait3A_244 = arith.constant 0 : i32
      %dma_wait3A_245 = arith.constant 0 : i32
      %dma_wait3A_246 = tpu.memref_slice %arg6[%dma_wait3A_244, %dma_wait3A_245] : memref<5088x128xf32, #tpu.memory_space<vmem_shared>> -> memref<5088x128xf32, #tpu.memory_space<vmem_shared>>
      tpu.wait_indirect_dma semaphore(%arg13 : memref<!tpu.dma_semaphore, #tpu.memory_space<semaphore_mem>>) src(%arg9 : memref<32x128xf32, #tpu.memory_space<vmem>>) dst(%dma_wait3A_246 : memref<5088x128xf32, #tpu.memory_space<vmem_shared>>)
      %dma_start3A_247 = arith.constant 5 : i32
      %dma_start3A_248 = arith.constant 0 : i32
      %dma_start3A_249 = arith.constant 0 : i32
      %dma_start3A_250 = tpu.memref_slice %arg7[%dma_start3A_247, %dma_start3A_248, %dma_start3A_249] : memref<8x2x32xi32, #tpu.memory_space<vmem>> -> memref<1x1x32xi32, #tpu.memory_space<vmem>>
      %dma_start3A_251 = tpu.memref_squeeze %dma_start3A_250 : memref<1x1x32xi32, #tpu.memory_space<vmem>> -> memref<32xi32, #tpu.memory_space<vmem>>
      %dma_start3A_252 = arith.constant 0 : i32
      %dma_start3A_253 = arith.constant 0 : i32
      %dma_start3A_254 = tpu.memref_slice %arg5[%dma_start3A_252, %dma_start3A_253] : memref<10000x128xf32, #tpu.memory_space<vmem_shared>> -> memref<10000x128xf32, #tpu.memory_space<vmem_shared>>
      tpu.enqueue_indirect_dma source(%dma_start3A_254 : memref<10000x128xf32, #tpu.memory_space<vmem_shared>>) target(%arg9 : memref<32x128xf32, #tpu.memory_space<vmem>>) offsets(%dma_start3A_251 : memref<32xi32, #tpu.memory_space<vmem>>) semaphore(%arg11 : memref<!tpu.dma_semaphore, #tpu.memory_space<semaphore_mem>>)
      %dma_wait3A_255 = arith.constant 5 : i32
      %dma_wait3A_256 = arith.constant 0 : i32
      %dma_wait3A_257 = arith.constant 0 : i32
      %dma_wait3A_258 = tpu.memref_slice %arg7[%dma_wait3A_255, %dma_wait3A_256, %dma_wait3A_257] : memref<8x2x32xi32, #tpu.memory_space<vmem>> -> memref<1x1x32xi32, #tpu.memory_space<vmem>>
      %dma_wait3A_259 = tpu.memref_squeeze %dma_wait3A_258 : memref<1x1x32xi32, #tpu.memory_space<vmem>> -> memref<32xi32, #tpu.memory_space<vmem>>
      %dma_wait3A_260 = arith.constant 0 : i32
      %dma_wait3A_261 = arith.constant 0 : i32
      %dma_wait3A_262 = tpu.memref_slice %arg5[%dma_wait3A_260, %dma_wait3A_261] : memref<10000x128xf32, #tpu.memory_space<vmem_shared>> -> memref<10000x128xf32, #tpu.memory_space<vmem_shared>>
      tpu.wait_indirect_dma semaphore(%arg11 : memref<!tpu.dma_semaphore, #tpu.memory_space<semaphore_mem>>) src(%dma_wait3A_262 : memref<10000x128xf32, #tpu.memory_space<vmem_shared>>) dst(%arg9 : memref<32x128xf32, #tpu.memory_space<vmem>>)
      %dma_start3A_263 = arith.constant 5 : i32
      %dma_start3A_264 = arith.constant 1 : i32
      %dma_start3A_265 = arith.constant 0 : i32
      %dma_start3A_266 = tpu.memref_slice %arg7[%dma_start3A_263, %dma_start3A_264, %dma_start3A_265] : memref<8x2x32xi32, #tpu.memory_space<vmem>> -> memref<1x1x32xi32, #tpu.memory_space<vmem>>
      %dma_start3A_267 = tpu.memref_squeeze %dma_start3A_266 : memref<1x1x32xi32, #tpu.memory_space<vmem>> -> memref<32xi32, #tpu.memory_space<vmem>>
      %dma_start3A_268 = arith.constant 0 : i32
      %dma_start3A_269 = arith.constant 0 : i32
      %dma_start3A_270 = tpu.memref_slice %arg6[%dma_start3A_268, %dma_start3A_269] : memref<5088x128xf32, #tpu.memory_space<vmem_shared>> -> memref<5088x128xf32, #tpu.memory_space<vmem_shared>>
      tpu.enqueue_indirect_dma source(%arg9 : memref<32x128xf32, #tpu.memory_space<vmem>>) target(%dma_start3A_270 : memref<5088x128xf32, #tpu.memory_space<vmem_shared>>) offsets(%dma_start3A_267 : memref<32xi32, #tpu.memory_space<vmem>>) semaphore(%arg13 : memref<!tpu.dma_semaphore, #tpu.memory_space<semaphore_mem>>) {add = true}
      %dma_wait3A_271 = arith.constant 4 : i32
      %dma_wait3A_272 = arith.constant 1 : i32
      %dma_wait3A_273 = arith.constant 0 : i32
      %dma_wait3A_274 = tpu.memref_slice %arg7[%dma_wait3A_271, %dma_wait3A_272, %dma_wait3A_273] : memref<8x2x32xi32, #tpu.memory_space<vmem>> -> memref<1x1x32xi32, #tpu.memory_space<vmem>>
      %dma_wait3A_275 = tpu.memref_squeeze %dma_wait3A_274 : memref<1x1x32xi32, #tpu.memory_space<vmem>> -> memref<32xi32, #tpu.memory_space<vmem>>
      %dma_wait3A_276 = arith.constant 0 : i32
      %dma_wait3A_277 = arith.constant 0 : i32
      %dma_wait3A_278 = tpu.memref_slice %arg6[%dma_wait3A_276, %dma_wait3A_277] : memref<5088x128xf32, #tpu.memory_space<vmem_shared>> -> memref<5088x128xf32, #tpu.memory_space<vmem_shared>>
      tpu.wait_indirect_dma semaphore(%arg12 : memref<!tpu.dma_semaphore, #tpu.memory_space<semaphore_mem>>) src(%arg8 : memref<32x128xf32, #tpu.memory_space<vmem>>) dst(%dma_wait3A_278 : memref<5088x128xf32, #tpu.memory_space<vmem_shared>>)
      %dma_start3A_279 = arith.constant 6 : i32
      %dma_start3A_280 = arith.constant 0 : i32
      %dma_start3A_281 = arith.constant 0 : i32
      %dma_start3A_282 = tpu.memref_slice %arg7[%dma_start3A_279, %dma_start3A_280, %dma_start3A_281] : memref<8x2x32xi32, #tpu.memory_space<vmem>> -> memref<1x1x32xi32, #tpu.memory_space<vmem>>
      %dma_start3A_283 = tpu.memref_squeeze %dma_start3A_282 : memref<1x1x32xi32, #tpu.memory_space<vmem>> -> memref<32xi32, #tpu.memory_space<vmem>>
      %dma_start3A_284 = arith.constant 0 : i32
      %dma_start3A_285 = arith.constant 0 : i32
      %dma_start3A_286 = tpu.memref_slice %arg5[%dma_start3A_284, %dma_start3A_285] : memref<10000x128xf32, #tpu.memory_space<vmem_shared>> -> memref<10000x128xf32, #tpu.memory_space<vmem_shared>>
      tpu.enqueue_indirect_dma source(%dma_start3A_286 : memref<10000x128xf32, #tpu.memory_space<vmem_shared>>) target(%arg8 : memref<32x128xf32, #tpu.memory_space<vmem>>) offsets(%dma_start3A_283 : memref<32xi32, #tpu.memory_space<vmem>>) semaphore(%arg10 : memref<!tpu.dma_semaphore, #tpu.memory_space<semaphore_mem>>)
      %dma_wait3A_287 = arith.constant 6 : i32
      %dma_wait3A_288 = arith.constant 0 : i32
      %dma_wait3A_289 = arith.constant 0 : i32
      %dma_wait3A_290 = tpu.memref_slice %arg7[%dma_wait3A_287, %dma_wait3A_288, %dma_wait3A_289] : memref<8x2x32xi32, #tpu.memory_space<vmem>> -> memref<1x1x32xi32, #tpu.memory_space<vmem>>
      %dma_wait3A_291 = tpu.memref_squeeze %dma_wait3A_290 : memref<1x1x32xi32, #tpu.memory_space<vmem>> -> memref<32xi32, #tpu.memory_space<vmem>>
      %dma_wait3A_292 = arith.constant 0 : i32
      %dma_wait3A_293 = arith.constant 0 : i32
      %dma_wait3A_294 = tpu.memref_slice %arg5[%dma_wait3A_292, %dma_wait3A_293] : memref<10000x128xf32, #tpu.memory_space<vmem_shared>> -> memref<10000x128xf32, #tpu.memory_space<vmem_shared>>
      tpu.wait_indirect_dma semaphore(%arg10 : memref<!tpu.dma_semaphore, #tpu.memory_space<semaphore_mem>>) src(%dma_wait3A_294 : memref<10000x128xf32, #tpu.memory_space<vmem_shared>>) dst(%arg8 : memref<32x128xf32, #tpu.memory_space<vmem>>)
      %dma_start3A_295 = arith.constant 6 : i32
      %dma_start3A_296 = arith.constant 1 : i32
      %dma_start3A_297 = arith.constant 0 : i32
      %dma_start3A_298 = tpu.memref_slice %arg7[%dma_start3A_295, %dma_start3A_296, %dma_start3A_297] : memref<8x2x32xi32, #tpu.memory_space<vmem>> -> memref<1x1x32xi32, #tpu.memory_space<vmem>>
      %dma_start3A_299 = tpu.memref_squeeze %dma_start3A_298 : memref<1x1x32xi32, #tpu.memory_space<vmem>> -> memref<32xi32, #tpu.memory_space<vmem>>
      %dma_start3A_300 = arith.constant 0 : i32
      %dma_start3A_301 = arith.constant 0 : i32
      %dma_start3A_302 = tpu.memref_slice %arg6[%dma_start3A_300, %dma_start3A_301] : memref<5088x128xf32, #tpu.memory_space<vmem_shared>> -> memref<5088x128xf32, #tpu.memory_space<vmem_shared>>
      tpu.enqueue_indirect_dma source(%arg8 : memref<32x128xf32, #tpu.memory_space<vmem>>) target(%dma_start3A_302 : memref<5088x128xf32, #tpu.memory_space<vmem_shared>>) offsets(%dma_start3A_299 : memref<32xi32, #tpu.memory_space<vmem>>) semaphore(%arg12 : memref<!tpu.dma_semaphore, #tpu.memory_space<semaphore_mem>>) {add = true}
      %dma_wait3A_303 = arith.constant 5 : i32
      %dma_wait3A_304 = arith.constant 1 : i32
      %dma_wait3A_305 = arith.constant 0 : i32
      %dma_wait3A_306 = tpu.memref_slice %arg7[%dma_wait3A_303, %dma_wait3A_304, %dma_wait3A_305] : memref<8x2x32xi32, #tpu.memory_space<vmem>> -> memref<1x1x32xi32, #tpu.memory_space<vmem>>
      %dma_wait3A_307 = tpu.memref_squeeze %dma_wait3A_306 : memref<1x1x32xi32, #tpu.memory_space<vmem>> -> memref<32xi32, #tpu.memory_space<vmem>>
      %dma_wait3A_308 = arith.constant 0 : i32
      %dma_wait3A_309 = arith.constant 0 : i32
      %dma_wait3A_310 = tpu.memref_slice %arg6[%dma_wait3A_308, %dma_wait3A_309] : memref<5088x128xf32, #tpu.memory_space<vmem_shared>> -> memref<5088x128xf32, #tpu.memory_space<vmem_shared>>
      tpu.wait_indirect_dma semaphore(%arg13 : memref<!tpu.dma_semaphore, #tpu.memory_space<semaphore_mem>>) src(%arg9 : memref<32x128xf32, #tpu.memory_space<vmem>>) dst(%dma_wait3A_310 : memref<5088x128xf32, #tpu.memory_space<vmem_shared>>)
      %dma_start3A_311 = arith.constant 7 : i32
      %dma_start3A_312 = arith.constant 0 : i32
      %dma_start3A_313 = arith.constant 0 : i32
      %dma_start3A_314 = tpu.memref_slice %arg7[%dma_start3A_311, %dma_start3A_312, %dma_start3A_313] : memref<8x2x32xi32, #tpu.memory_space<vmem>> -> memref<1x1x32xi32, #tpu.memory_space<vmem>>
      %dma_start3A_315 = tpu.memref_squeeze %dma_start3A_314 : memref<1x1x32xi32, #tpu.memory_space<vmem>> -> memref<32xi32, #tpu.memory_space<vmem>>
      %dma_start3A_316 = arith.constant 0 : i32
      %dma_start3A_317 = arith.constant 0 : i32
      %dma_start3A_318 = tpu.memref_slice %arg5[%dma_start3A_316, %dma_start3A_317] : memref<10000x128xf32, #tpu.memory_space<vmem_shared>> -> memref<10000x128xf32, #tpu.memory_space<vmem_shared>>
      tpu.enqueue_indirect_dma source(%dma_start3A_318 : memref<10000x128xf32, #tpu.memory_space<vmem_shared>>) target(%arg9 : memref<32x128xf32, #tpu.memory_space<vmem>>) offsets(%dma_start3A_315 : memref<32xi32, #tpu.memory_space<vmem>>) semaphore(%arg11 : memref<!tpu.dma_semaphore, #tpu.memory_space<semaphore_mem>>)
      %dma_wait3A_319 = arith.constant 7 : i32
      %dma_wait3A_320 = arith.constant 0 : i32
      %dma_wait3A_321 = arith.constant 0 : i32
      %dma_wait3A_322 = tpu.memref_slice %arg7[%dma_wait3A_319, %dma_wait3A_320, %dma_wait3A_321] : memref<8x2x32xi32, #tpu.memory_space<vmem>> -> memref<1x1x32xi32, #tpu.memory_space<vmem>>
      %dma_wait3A_323 = tpu.memref_squeeze %dma_wait3A_322 : memref<1x1x32xi32, #tpu.memory_space<vmem>> -> memref<32xi32, #tpu.memory_space<vmem>>
      %dma_wait3A_324 = arith.constant 0 : i32
      %dma_wait3A_325 = arith.constant 0 : i32
      %dma_wait3A_326 = tpu.memref_slice %arg5[%dma_wait3A_324, %dma_wait3A_325] : memref<10000x128xf32, #tpu.memory_space<vmem_shared>> -> memref<10000x128xf32, #tpu.memory_space<vmem_shared>>
      tpu.wait_indirect_dma semaphore(%arg11 : memref<!tpu.dma_semaphore, #tpu.memory_space<semaphore_mem>>) src(%dma_wait3A_326 : memref<10000x128xf32, #tpu.memory_space<vmem_shared>>) dst(%arg9 : memref<32x128xf32, #tpu.memory_space<vmem>>)
      %dma_start3A_327 = arith.constant 7 : i32
      %dma_start3A_328 = arith.constant 1 : i32
      %dma_start3A_329 = arith.constant 0 : i32
      %dma_start3A_330 = tpu.memref_slice %arg7[%dma_start3A_327, %dma_start3A_328, %dma_start3A_329] : memref<8x2x32xi32, #tpu.memory_space<vmem>> -> memref<1x1x32xi32, #tpu.memory_space<vmem>>
      %dma_start3A_331 = tpu.memref_squeeze %dma_start3A_330 : memref<1x1x32xi32, #tpu.memory_space<vmem>> -> memref<32xi32, #tpu.memory_space<vmem>>
      %dma_start3A_332 = arith.constant 0 : i32
      %dma_start3A_333 = arith.constant 0 : i32
      %dma_start3A_334 = tpu.memref_slice %arg6[%dma_start3A_332, %dma_start3A_333] : memref<5088x128xf32, #tpu.memory_space<vmem_shared>> -> memref<5088x128xf32, #tpu.memory_space<vmem_shared>>
      tpu.enqueue_indirect_dma source(%arg9 : memref<32x128xf32, #tpu.memory_space<vmem>>) target(%dma_start3A_334 : memref<5088x128xf32, #tpu.memory_space<vmem_shared>>) offsets(%dma_start3A_331 : memref<32xi32, #tpu.memory_space<vmem>>) semaphore(%arg13 : memref<!tpu.dma_semaphore, #tpu.memory_space<semaphore_mem>>) {add = true}
      %dma_wait3A_335 = arith.constant 6 : i32
      %dma_wait3A_336 = arith.constant 1 : i32
      %dma_wait3A_337 = arith.constant 0 : i32
      %dma_wait3A_338 = tpu.memref_slice %arg7[%dma_wait3A_335, %dma_wait3A_336, %dma_wait3A_337] : memref<8x2x32xi32, #tpu.memory_space<vmem>> -> memref<1x1x32xi32, #tpu.memory_space<vmem>>
      %dma_wait3A_339 = tpu.memref_squeeze %dma_wait3A_338 : memref<1x1x32xi32, #tpu.memory_space<vmem>> -> memref<32xi32, #tpu.memory_space<vmem>>
      %dma_wait3A_340 = arith.constant 0 : i32
      %dma_wait3A_341 = arith.constant 0 : i32
      %dma_wait3A_342 = tpu.memref_slice %arg6[%dma_wait3A_340, %dma_wait3A_341] : memref<5088x128xf32, #tpu.memory_space<vmem_shared>> -> memref<5088x128xf32, #tpu.memory_space<vmem_shared>>
      tpu.wait_indirect_dma semaphore(%arg12 : memref<!tpu.dma_semaphore, #tpu.memory_space<semaphore_mem>>) src(%arg8 : memref<32x128xf32, #tpu.memory_space<vmem>>) dst(%dma_wait3A_342 : memref<5088x128xf32, #tpu.memory_space<vmem_shared>>)
      %dma_wait3A_343 = arith.constant 7 : i32
      %dma_wait3A_344 = arith.constant 1 : i32
      %dma_wait3A_345 = arith.constant 0 : i32
      %dma_wait3A_346 = tpu.memref_slice %arg7[%dma_wait3A_343, %dma_wait3A_344, %dma_wait3A_345] : memref<8x2x32xi32, #tpu.memory_space<vmem>> -> memref<1x1x32xi32, #tpu.memory_space<vmem>>
      %dma_wait3A_347 = tpu.memref_squeeze %dma_wait3A_346 : memref<1x1x32xi32, #tpu.memory_space<vmem>> -> memref<32xi32, #tpu.memory_space<vmem>>
      %dma_wait3A_348 = arith.constant 0 : i32
      %dma_wait3A_349 = arith.constant 0 : i32
      %dma_wait3A_350 = tpu.memref_slice %arg6[%dma_wait3A_348, %dma_wait3A_349] : memref<5088x128xf32, #tpu.memory_space<vmem_shared>> -> memref<5088x128xf32, #tpu.memory_space<vmem_shared>>
      tpu.wait_indirect_dma semaphore(%arg13 : memref<!tpu.dma_semaphore, #tpu.memory_space<semaphore_mem>>) src(%arg9 : memref<32x128xf32, #tpu.memory_space<vmem>>) dst(%dma_wait3A_350 : memref<5088x128xf32, #tpu.memory_space<vmem_shared>>)
    }
    %scan3A_48 = arith.constant 80 : i32
    %barrier3A_49 = arith.constant 0 : index
    tpu.barrier barrier_id(%barrier3A_49)
    %add3A_50 = arith.constant 0 : i32
    %add3A_51 = arith.addi %mul3A_6, %add3A_50 : i32
    %add3A_52 = arith.constant 0 : i32
    %add3A_53 = arith.addi %mul3A_6, %add3A_52 : i32
    "tpu.region"() ({
      %run_scoped3A = tpu.sem_alloc : memref<!tpu.dma_semaphore, #tpu.memory_space<semaphore_mem>>
      %dma_start3A = arith.constant 0 : i32
      %dma_start3A_91 = tpu.memref_slice %arg4[%arg0, %add3A_53, %dma_start3A] : memref<2x5088x128xf32, #tpu.memory_space<hbm>> -> memref<1x32x128xf32, #tpu.memory_space<hbm>>
      %dma_start3A_92 = tpu.memref_squeeze %dma_start3A_91 : memref<1x32x128xf32, #tpu.memory_space<hbm>> -> memref<32x128xf32, #tpu.memory_space<hbm>>
      %dma_start3A_93 = arith.constant 0 : i32
      %dma_start3A_94 = tpu.memref_slice %arg6[%add3A_51, %dma_start3A_93] : memref<5088x128xf32, #tpu.memory_space<vmem_shared>> -> memref<32x128xf32, #tpu.memory_space<vmem_shared>>
      tpu.enqueue_dma source(%dma_start3A_94 : memref<32x128xf32, #tpu.memory_space<vmem_shared>>) target(%dma_start3A_92 : memref<32x128xf32, #tpu.memory_space<hbm>>) target_semaphore(%run_scoped3A : memref<!tpu.dma_semaphore, #tpu.memory_space<semaphore_mem>>)
      %dma_wait3A = arith.constant 0 : i32
      %dma_wait3A_95 = tpu.memref_slice %arg4[%arg0, %add3A_53, %dma_wait3A] : memref<2x5088x128xf32, #tpu.memory_space<hbm>> -> memref<1x32x128xf32, #tpu.memory_space<hbm>>
      %dma_wait3A_96 = tpu.memref_squeeze %dma_wait3A_95 : memref<1x32x128xf32, #tpu.memory_space<hbm>> -> memref<32x128xf32, #tpu.memory_space<hbm>>
      %dma_wait3A_97 = arith.constant 0 : i32
      %dma_wait3A_98 = tpu.memref_slice %arg6[%add3A_51, %dma_wait3A_97] : memref<5088x128xf32, #tpu.memory_space<vmem_shared>> -> memref<32x128xf32, #tpu.memory_space<vmem_shared>>
      tpu.wait_dma2 semaphore(%run_scoped3A : memref<!tpu.dma_semaphore, #tpu.memory_space<semaphore_mem>>) src(%dma_wait3A_98 : memref<32x128xf32, #tpu.memory_space<vmem_shared>>) dst(%dma_wait3A_96 : memref<32x128xf32, #tpu.memory_space<hbm>>)
      tpu.yield
    }) : () -> ()
    %add3A_54 = arith.constant 32 : i32
    %add3A_55 = arith.addi %mul3A_6, %add3A_54 : i32
    %add3A_56 = arith.constant 32 : i32
    %add3A_57 = arith.addi %mul3A_6, %add3A_56 : i32
    "tpu.region"() ({
      %run_scoped3A = tpu.sem_alloc : memref<!tpu.dma_semaphore, #tpu.memory_space<semaphore_mem>>
      %dma_start3A = arith.constant 0 : i32
      %dma_start3A_91 = tpu.memref_slice %arg4[%arg0, %add3A_57, %dma_start3A] : memref<2x5088x128xf32, #tpu.memory_space<hbm>> -> memref<1x32x128xf32, #tpu.memory_space<hbm>>
      %dma_start3A_92 = tpu.memref_squeeze %dma_start3A_91 : memref<1x32x128xf32, #tpu.memory_space<hbm>> -> memref<32x128xf32, #tpu.memory_space<hbm>>
      %dma_start3A_93 = arith.constant 0 : i32
      %dma_start3A_94 = tpu.memref_slice %arg6[%add3A_55, %dma_start3A_93] : memref<5088x128xf32, #tpu.memory_space<vmem_shared>> -> memref<32x128xf32, #tpu.memory_space<vmem_shared>>
      tpu.enqueue_dma source(%dma_start3A_94 : memref<32x128xf32, #tpu.memory_space<vmem_shared>>) target(%dma_start3A_92 : memref<32x128xf32, #tpu.memory_space<hbm>>) target_semaphore(%run_scoped3A : memref<!tpu.dma_semaphore, #tpu.memory_space<semaphore_mem>>)
      %dma_wait3A = arith.constant 0 : i32
      %dma_wait3A_95 = tpu.memref_slice %arg4[%arg0, %add3A_57, %dma_wait3A] : memref<2x5088x128xf32, #tpu.memory_space<hbm>> -> memref<1x32x128xf32, #tpu.memory_space<hbm>>
      %dma_wait3A_96 = tpu.memref_squeeze %dma_wait3A_95 : memref<1x32x128xf32, #tpu.memory_space<hbm>> -> memref<32x128xf32, #tpu.memory_space<hbm>>
      %dma_wait3A_97 = arith.constant 0 : i32
      %dma_wait3A_98 = tpu.memref_slice %arg6[%add3A_55, %dma_wait3A_97] : memref<5088x128xf32, #tpu.memory_space<vmem_shared>> -> memref<32x128xf32, #tpu.memory_space<vmem_shared>>
      tpu.wait_dma2 semaphore(%run_scoped3A : memref<!tpu.dma_semaphore, #tpu.memory_space<semaphore_mem>>) src(%dma_wait3A_98 : memref<32x128xf32, #tpu.memory_space<vmem_shared>>) dst(%dma_wait3A_96 : memref<32x128xf32, #tpu.memory_space<hbm>>)
      tpu.yield
    }) : () -> ()
    %add3A_58 = arith.constant 64 : i32
    %add3A_59 = arith.addi %mul3A_6, %add3A_58 : i32
    %add3A_60 = arith.constant 64 : i32
    %add3A_61 = arith.addi %mul3A_6, %add3A_60 : i32
    "tpu.region"() ({
      %run_scoped3A = tpu.sem_alloc : memref<!tpu.dma_semaphore, #tpu.memory_space<semaphore_mem>>
      %dma_start3A = arith.constant 0 : i32
      %dma_start3A_91 = tpu.memref_slice %arg4[%arg0, %add3A_61, %dma_start3A] : memref<2x5088x128xf32, #tpu.memory_space<hbm>> -> memref<1x32x128xf32, #tpu.memory_space<hbm>>
      %dma_start3A_92 = tpu.memref_squeeze %dma_start3A_91 : memref<1x32x128xf32, #tpu.memory_space<hbm>> -> memref<32x128xf32, #tpu.memory_space<hbm>>
      %dma_start3A_93 = arith.constant 0 : i32
      %dma_start3A_94 = tpu.memref_slice %arg6[%add3A_59, %dma_start3A_93] : memref<5088x128xf32, #tpu.memory_space<vmem_shared>> -> memref<32x128xf32, #tpu.memory_space<vmem_shared>>
      tpu.enqueue_dma source(%dma_start3A_94 : memref<32x128xf32, #tpu.memory_space<vmem_shared>>) target(%dma_start3A_92 : memref<32x128xf32, #tpu.memory_space<hbm>>) target_semaphore(%run_scoped3A : memref<!tpu.dma_semaphore, #tpu.memory_space<semaphore_mem>>)
      %dma_wait3A = arith.constant 0 : i32
      %dma_wait3A_95 = tpu.memref_slice %arg4[%arg0, %add3A_61, %dma_wait3A] : memref<2x5088x128xf32, #tpu.memory_space<hbm>> -> memref<1x32x128xf32, #tpu.memory_space<hbm>>
      %dma_wait3A_96 = tpu.memref_squeeze %dma_wait3A_95 : memref<1x32x128xf32, #tpu.memory_space<hbm>> -> memref<32x128xf32, #tpu.memory_space<hbm>>
      %dma_wait3A_97 = arith.constant 0 : i32
      %dma_wait3A_98 = tpu.memref_slice %arg6[%add3A_59, %dma_wait3A_97] : memref<5088x128xf32, #tpu.memory_space<vmem_shared>> -> memref<32x128xf32, #tpu.memory_space<vmem_shared>>
      tpu.wait_dma2 semaphore(%run_scoped3A : memref<!tpu.dma_semaphore, #tpu.memory_space<semaphore_mem>>) src(%dma_wait3A_98 : memref<32x128xf32, #tpu.memory_space<vmem_shared>>) dst(%dma_wait3A_96 : memref<32x128xf32, #tpu.memory_space<hbm>>)
      tpu.yield
    }) : () -> ()
    %add3A_62 = arith.constant 96 : i32
    %add3A_63 = arith.addi %mul3A_6, %add3A_62 : i32
    %add3A_64 = arith.constant 96 : i32
    %add3A_65 = arith.addi %mul3A_6, %add3A_64 : i32
    "tpu.region"() ({
      %run_scoped3A = tpu.sem_alloc : memref<!tpu.dma_semaphore, #tpu.memory_space<semaphore_mem>>
      %dma_start3A = arith.constant 0 : i32
      %dma_start3A_91 = tpu.memref_slice %arg4[%arg0, %add3A_65, %dma_start3A] : memref<2x5088x128xf32, #tpu.memory_space<hbm>> -> memref<1x32x128xf32, #tpu.memory_space<hbm>>
      %dma_start3A_92 = tpu.memref_squeeze %dma_start3A_91 : memref<1x32x128xf32, #tpu.memory_space<hbm>> -> memref<32x128xf32, #tpu.memory_space<hbm>>
      %dma_start3A_93 = arith.constant 0 : i32
      %dma_start3A_94 = tpu.memref_slice %arg6[%add3A_63, %dma_start3A_93] : memref<5088x128xf32, #tpu.memory_space<vmem_shared>> -> memref<32x128xf32, #tpu.memory_space<vmem_shared>>
      tpu.enqueue_dma source(%dma_start3A_94 : memref<32x128xf32, #tpu.memory_space<vmem_shared>>) target(%dma_start3A_92 : memref<32x128xf32, #tpu.memory_space<hbm>>) target_semaphore(%run_scoped3A : memref<!tpu.dma_semaphore, #tpu.memory_space<semaphore_mem>>)
      %dma_wait3A = arith.constant 0 : i32
      %dma_wait3A_95 = tpu.memref_slice %arg4[%arg0, %add3A_65, %dma_wait3A] : memref<2x5088x128xf32, #tpu.memory_space<hbm>> -> memref<1x32x128xf32, #tpu.memory_space<hbm>>
      %dma_wait3A_96 = tpu.memref_squeeze %dma_wait3A_95 : memref<1x32x128xf32, #tpu.memory_space<hbm>> -> memref<32x128xf32, #tpu.memory_space<hbm>>
      %dma_wait3A_97 = arith.constant 0 : i32
      %dma_wait3A_98 = tpu.memref_slice %arg6[%add3A_63, %dma_wait3A_97] : memref<5088x128xf32, #tpu.memory_space<vmem_shared>> -> memref<32x128xf32, #tpu.memory_space<vmem_shared>>
      tpu.wait_dma2 semaphore(%run_scoped3A : memref<!tpu.dma_semaphore, #tpu.memory_space<semaphore_mem>>) src(%dma_wait3A_98 : memref<32x128xf32, #tpu.memory_space<vmem_shared>>) dst(%dma_wait3A_96 : memref<32x128xf32, #tpu.memory_space<hbm>>)
      tpu.yield
    }) : () -> ()
    %add3A_66 = arith.constant 128 : i32
    %add3A_67 = arith.addi %mul3A_6, %add3A_66 : i32
    %add3A_68 = arith.constant 128 : i32
    %add3A_69 = arith.addi %mul3A_6, %add3A_68 : i32
    "tpu.region"() ({
      %run_scoped3A = tpu.sem_alloc : memref<!tpu.dma_semaphore, #tpu.memory_space<semaphore_mem>>
      %dma_start3A = arith.constant 0 : i32
      %dma_start3A_91 = tpu.memref_slice %arg4[%arg0, %add3A_69, %dma_start3A] : memref<2x5088x128xf32, #tpu.memory_space<hbm>> -> memref<1x32x128xf32, #tpu.memory_space<hbm>>
      %dma_start3A_92 = tpu.memref_squeeze %dma_start3A_91 : memref<1x32x128xf32, #tpu.memory_space<hbm>> -> memref<32x128xf32, #tpu.memory_space<hbm>>
      %dma_start3A_93 = arith.constant 0 : i32
      %dma_start3A_94 = tpu.memref_slice %arg6[%add3A_67, %dma_start3A_93] : memref<5088x128xf32, #tpu.memory_space<vmem_shared>> -> memref<32x128xf32, #tpu.memory_space<vmem_shared>>
      tpu.enqueue_dma source(%dma_start3A_94 : memref<32x128xf32, #tpu.memory_space<vmem_shared>>) target(%dma_start3A_92 : memref<32x128xf32, #tpu.memory_space<hbm>>) target_semaphore(%run_scoped3A : memref<!tpu.dma_semaphore, #tpu.memory_space<semaphore_mem>>)
      %dma_wait3A = arith.constant 0 : i32
      %dma_wait3A_95 = tpu.memref_slice %arg4[%arg0, %add3A_69, %dma_wait3A] : memref<2x5088x128xf32, #tpu.memory_space<hbm>> -> memref<1x32x128xf32, #tpu.memory_space<hbm>>
      %dma_wait3A_96 = tpu.memref_squeeze %dma_wait3A_95 : memref<1x32x128xf32, #tpu.memory_space<hbm>> -> memref<32x128xf32, #tpu.memory_space<hbm>>
      %dma_wait3A_97 = arith.constant 0 : i32
      %dma_wait3A_98 = tpu.memref_slice %arg6[%add3A_67, %dma_wait3A_97] : memref<5088x128xf32, #tpu.memory_space<vmem_shared>> -> memref<32x128xf32, #tpu.memory_space<vmem_shared>>
      tpu.wait_dma2 semaphore(%run_scoped3A : memref<!tpu.dma_semaphore, #tpu.memory_space<semaphore_mem>>) src(%dma_wait3A_98 : memref<32x128xf32, #tpu.memory_space<vmem_shared>>) dst(%dma_wait3A_96 : memref<32x128xf32, #tpu.memory_space<hbm>>)
      tpu.yield
    }) : () -> ()
    %add3A_70 = arith.constant 160 : i32
    %add3A_71 = arith.addi %mul3A_6, %add3A_70 : i32
    %add3A_72 = arith.constant 160 : i32
    %add3A_73 = arith.addi %mul3A_6, %add3A_72 : i32
    "tpu.region"() ({
      %run_scoped3A = tpu.sem_alloc : memref<!tpu.dma_semaphore, #tpu.memory_space<semaphore_mem>>
      %dma_start3A = arith.constant 0 : i32
      %dma_start3A_91 = tpu.memref_slice %arg4[%arg0, %add3A_73, %dma_start3A] : memref<2x5088x128xf32, #tpu.memory_space<hbm>> -> memref<1x32x128xf32, #tpu.memory_space<hbm>>
      %dma_start3A_92 = tpu.memref_squeeze %dma_start3A_91 : memref<1x32x128xf32, #tpu.memory_space<hbm>> -> memref<32x128xf32, #tpu.memory_space<hbm>>
      %dma_start3A_93 = arith.constant 0 : i32
      %dma_start3A_94 = tpu.memref_slice %arg6[%add3A_71, %dma_start3A_93] : memref<5088x128xf32, #tpu.memory_space<vmem_shared>> -> memref<32x128xf32, #tpu.memory_space<vmem_shared>>
      tpu.enqueue_dma source(%dma_start3A_94 : memref<32x128xf32, #tpu.memory_space<vmem_shared>>) target(%dma_start3A_92 : memref<32x128xf32, #tpu.memory_space<hbm>>) target_semaphore(%run_scoped3A : memref<!tpu.dma_semaphore, #tpu.memory_space<semaphore_mem>>)
      %dma_wait3A = arith.constant 0 : i32
      %dma_wait3A_95 = tpu.memref_slice %arg4[%arg0, %add3A_73, %dma_wait3A] : memref<2x5088x128xf32, #tpu.memory_space<hbm>> -> memref<1x32x128xf32, #tpu.memory_space<hbm>>
      %dma_wait3A_96 = tpu.memref_squeeze %dma_wait3A_95 : memref<1x32x128xf32, #tpu.memory_space<hbm>> -> memref<32x128xf32, #tpu.memory_space<hbm>>
      %dma_wait3A_97 = arith.constant 0 : i32
      %dma_wait3A_98 = tpu.memref_slice %arg6[%add3A_71, %dma_wait3A_97] : memref<5088x128xf32, #tpu.memory_space<vmem_shared>> -> memref<32x128xf32, #tpu.memory_space<vmem_shared>>
      tpu.wait_dma2 semaphore(%run_scoped3A : memref<!tpu.dma_semaphore, #tpu.memory_space<semaphore_mem>>) src(%dma_wait3A_98 : memref<32x128xf32, #tpu.memory_space<vmem_shared>>) dst(%dma_wait3A_96 : memref<32x128xf32, #tpu.memory_space<hbm>>)
      tpu.yield
    }) : () -> ()
    %add3A_74 = arith.constant 192 : i32
    %add3A_75 = arith.addi %mul3A_6, %add3A_74 : i32
    %add3A_76 = arith.constant 192 : i32
    %add3A_77 = arith.addi %mul3A_6, %add3A_76 : i32
    "tpu.region"() ({
      %run_scoped3A = tpu.sem_alloc : memref<!tpu.dma_semaphore, #tpu.memory_space<semaphore_mem>>
      %dma_start3A = arith.constant 0 : i32
      %dma_start3A_91 = tpu.memref_slice %arg4[%arg0, %add3A_77, %dma_start3A] : memref<2x5088x128xf32, #tpu.memory_space<hbm>> -> memref<1x32x128xf32, #tpu.memory_space<hbm>>
      %dma_start3A_92 = tpu.memref_squeeze %dma_start3A_91 : memref<1x32x128xf32, #tpu.memory_space<hbm>> -> memref<32x128xf32, #tpu.memory_space<hbm>>
      %dma_start3A_93 = arith.constant 0 : i32
      %dma_start3A_94 = tpu.memref_slice %arg6[%add3A_75, %dma_start3A_93] : memref<5088x128xf32, #tpu.memory_space<vmem_shared>> -> memref<32x128xf32, #tpu.memory_space<vmem_shared>>
      tpu.enqueue_dma source(%dma_start3A_94 : memref<32x128xf32, #tpu.memory_space<vmem_shared>>) target(%dma_start3A_92 : memref<32x128xf32, #tpu.memory_space<hbm>>) target_semaphore(%run_scoped3A : memref<!tpu.dma_semaphore, #tpu.memory_space<semaphore_mem>>)
      %dma_wait3A = arith.constant 0 : i32
      %dma_wait3A_95 = tpu.memref_slice %arg4[%arg0, %add3A_77, %dma_wait3A] : memref<2x5088x128xf32, #tpu.memory_space<hbm>> -> memref<1x32x128xf32, #tpu.memory_space<hbm>>
      %dma_wait3A_96 = tpu.memref_squeeze %dma_wait3A_95 : memref<1x32x128xf32, #tpu.memory_space<hbm>> -> memref<32x128xf32, #tpu.memory_space<hbm>>
      %dma_wait3A_97 = arith.constant 0 : i32
      %dma_wait3A_98 = tpu.memref_slice %arg6[%add3A_75, %dma_wait3A_97] : memref<5088x128xf32, #tpu.memory_space<vmem_shared>> -> memref<32x128xf32, #tpu.memory_space<vmem_shared>>
      tpu.wait_dma2 semaphore(%run_scoped3A : memref<!tpu.dma_semaphore, #tpu.memory_space<semaphore_mem>>) src(%dma_wait3A_98 : memref<32x128xf32, #tpu.memory_space<vmem_shared>>) dst(%dma_wait3A_96 : memref<32x128xf32, #tpu.memory_space<hbm>>)
      tpu.yield
    }) : () -> ()
    %add3A_78 = arith.constant 224 : i32
    %add3A_79 = arith.addi %mul3A_6, %add3A_78 : i32
    %add3A_80 = arith.constant 224 : i32
    %add3A_81 = arith.addi %mul3A_6, %add3A_80 : i32
    "tpu.region"() ({
      %run_scoped3A = tpu.sem_alloc : memref<!tpu.dma_semaphore, #tpu.memory_space<semaphore_mem>>
      %dma_start3A = arith.constant 0 : i32
      %dma_start3A_91 = tpu.memref_slice %arg4[%arg0, %add3A_81, %dma_start3A] : memref<2x5088x128xf32, #tpu.memory_space<hbm>> -> memref<1x32x128xf32, #tpu.memory_space<hbm>>
      %dma_start3A_92 = tpu.memref_squeeze %dma_start3A_91 : memref<1x32x128xf32, #tpu.memory_space<hbm>> -> memref<32x128xf32, #tpu.memory_space<hbm>>
      %dma_start3A_93 = arith.constant 0 : i32
      %dma_start3A_94 = tpu.memref_slice %arg6[%add3A_79, %dma_start3A_93] : memref<5088x128xf32, #tpu.memory_space<vmem_shared>> -> memref<32x128xf32, #tpu.memory_space<vmem_shared>>
      tpu.enqueue_dma source(%dma_start3A_94 : memref<32x128xf32, #tpu.memory_space<vmem_shared>>) target(%dma_start3A_92 : memref<32x128xf32, #tpu.memory_space<hbm>>) target_semaphore(%run_scoped3A : memref<!tpu.dma_semaphore, #tpu.memory_space<semaphore_mem>>)
      %dma_wait3A = arith.constant 0 : i32
      %dma_wait3A_95 = tpu.memref_slice %arg4[%arg0, %add3A_81, %dma_wait3A] : memref<2x5088x128xf32, #tpu.memory_space<hbm>> -> memref<1x32x128xf32, #tpu.memory_space<hbm>>
      %dma_wait3A_96 = tpu.memref_squeeze %dma_wait3A_95 : memref<1x32x128xf32, #tpu.memory_space<hbm>> -> memref<32x128xf32, #tpu.memory_space<hbm>>
      %dma_wait3A_97 = arith.constant 0 : i32
      %dma_wait3A_98 = tpu.memref_slice %arg6[%add3A_79, %dma_wait3A_97] : memref<5088x128xf32, #tpu.memory_space<vmem_shared>> -> memref<32x128xf32, #tpu.memory_space<vmem_shared>>
      tpu.wait_dma2 semaphore(%run_scoped3A : memref<!tpu.dma_semaphore, #tpu.memory_space<semaphore_mem>>) src(%dma_wait3A_98 : memref<32x128xf32, #tpu.memory_space<vmem_shared>>) dst(%dma_wait3A_96 : memref<32x128xf32, #tpu.memory_space<hbm>>)
      tpu.yield
    }) : () -> ()
    %add3A_82 = arith.constant 256 : i32
    %add3A_83 = arith.addi %mul3A_6, %add3A_82 : i32
    %add3A_84 = arith.constant 256 : i32
    %add3A_85 = arith.addi %mul3A_6, %add3A_84 : i32
    "tpu.region"() ({
      %run_scoped3A = tpu.sem_alloc : memref<!tpu.dma_semaphore, #tpu.memory_space<semaphore_mem>>
      %dma_start3A = arith.constant 0 : i32
      %dma_start3A_91 = tpu.memref_slice %arg4[%arg0, %add3A_85, %dma_start3A] : memref<2x5088x128xf32, #tpu.memory_space<hbm>> -> memref<1x32x128xf32, #tpu.memory_space<hbm>>
      %dma_start3A_92 = tpu.memref_squeeze %dma_start3A_91 : memref<1x32x128xf32, #tpu.memory_space<hbm>> -> memref<32x128xf32, #tpu.memory_space<hbm>>
      %dma_start3A_93 = arith.constant 0 : i32
      %dma_start3A_94 = tpu.memref_slice %arg6[%add3A_83, %dma_start3A_93] : memref<5088x128xf32, #tpu.memory_space<vmem_shared>> -> memref<32x128xf32, #tpu.memory_space<vmem_shared>>
      tpu.enqueue_dma source(%dma_start3A_94 : memref<32x128xf32, #tpu.memory_space<vmem_shared>>) target(%dma_start3A_92 : memref<32x128xf32, #tpu.memory_space<hbm>>) target_semaphore(%run_scoped3A : memref<!tpu.dma_semaphore, #tpu.memory_space<semaphore_mem>>)
      %dma_wait3A = arith.constant 0 : i32
      %dma_wait3A_95 = tpu.memref_slice %arg4[%arg0, %add3A_85, %dma_wait3A] : memref<2x5088x128xf32, #tpu.memory_space<hbm>> -> memref<1x32x128xf32, #tpu.memory_space<hbm>>
      %dma_wait3A_96 = tpu.memref_squeeze %dma_wait3A_95 : memref<1x32x128xf32, #tpu.memory_space<hbm>> -> memref<32x128xf32, #tpu.memory_space<hbm>>
      %dma_wait3A_97 = arith.constant 0 : i32
      %dma_wait3A_98 = tpu.memref_slice %arg6[%add3A_83, %dma_wait3A_97] : memref<5088x128xf32, #tpu.memory_space<vmem_shared>> -> memref<32x128xf32, #tpu.memory_space<vmem_shared>>
      tpu.wait_dma2 semaphore(%run_scoped3A : memref<!tpu.dma_semaphore, #tpu.memory_space<semaphore_mem>>) src(%dma_wait3A_98 : memref<32x128xf32, #tpu.memory_space<vmem_shared>>) dst(%dma_wait3A_96 : memref<32x128xf32, #tpu.memory_space<hbm>>)
      tpu.yield
    }) : () -> ()
    %lt3A_86 = arith.constant 15 : i32
    %lt3A_87 = arith.cmpi slt, %arg1, %lt3A_86 : i32
    %convert_element_type3A_88 = arith.extui %lt3A_87 : i1 to i32
    %cond3A_89 = arith.constant 0 : i32
    %cond3A_90 = arith.cmpi ne, %convert_element_type3A_88, %cond3A_89 : i32
    scf.if %cond3A_90 {
      %add3A_91 = arith.constant 288 : i32
      %add3A_92 = arith.addi %mul3A_6, %add3A_91 : i32
      %add3A_93 = arith.constant 288 : i32
      %add3A_94 = arith.addi %mul3A_6, %add3A_93 : i32
      "tpu.region"() ({
        %run_scoped3A = tpu.sem_alloc : memref<!tpu.dma_semaphore, #tpu.memory_space<semaphore_mem>>
        %dma_start3A = arith.constant 0 : i32
        %dma_start3A_95 = tpu.memref_slice %arg4[%arg0, %add3A_94, %dma_start3A] : memref<2x5088x128xf32, #tpu.memory_space<hbm>> -> memref<1x32x128xf32, #tpu.memory_space<hbm>>
        %dma_start3A_96 = tpu.memref_squeeze %dma_start3A_95 : memref<1x32x128xf32, #tpu.memory_space<hbm>> -> memref<32x128xf32, #tpu.memory_space<hbm>>
        %dma_start3A_97 = arith.constant 0 : i32
        %dma_start3A_98 = tpu.memref_slice %arg6[%add3A_92, %dma_start3A_97] : memref<5088x128xf32, #tpu.memory_space<vmem_shared>> -> memref<32x128xf32, #tpu.memory_space<vmem_shared>>
        tpu.enqueue_dma source(%dma_start3A_98 : memref<32x128xf32, #tpu.memory_space<vmem_shared>>) target(%dma_start3A_96 : memref<32x128xf32, #tpu.memory_space<hbm>>) target_semaphore(%run_scoped3A : memref<!tpu.dma_semaphore, #tpu.memory_space<semaphore_mem>>)
        %dma_wait3A = arith.constant 0 : i32
        %dma_wait3A_99 = tpu.memref_slice %arg4[%arg0, %add3A_94, %dma_wait3A] : memref<2x5088x128xf32, #tpu.memory_space<hbm>> -> memref<1x32x128xf32, #tpu.memory_space<hbm>>
        %dma_wait3A_100 = tpu.memref_squeeze %dma_wait3A_99 : memref<1x32x128xf32, #tpu.memory_space<hbm>> -> memref<32x128xf32, #tpu.memory_space<hbm>>
        %dma_wait3A_101 = arith.constant 0 : i32
        %dma_wait3A_102 = tpu.memref_slice %arg6[%add3A_92, %dma_wait3A_101] : memref<5088x128xf32, #tpu.memory_space<vmem_shared>> -> memref<32x128xf32, #tpu.memory_space<vmem_shared>>
        tpu.wait_dma2 semaphore(%run_scoped3A : memref<!tpu.dma_semaphore, #tpu.memory_space<semaphore_mem>>) src(%dma_wait3A_102 : memref<32x128xf32, #tpu.memory_space<vmem_shared>>) dst(%dma_wait3A_100 : memref<32x128xf32, #tpu.memory_space<hbm>>)
        tpu.yield
      }) : () -> ()
    } else {
    }
    return
  }
}

#map = affine_map<(d0, d1) -> (0, 0)>
#map1 = affine_map<(d0, d1) -> (0, 0, 0, 0)>
#map2 = affine_map<(d0, d1) -> (0, 0, 0)>
module attributes {stable_mosaic.version = 14 : i64} {
  func.func @_sc_aggregate(%arg0: i32, %arg1: i32, %arg2: memref<10000x128xf32, #tpu.memory_space<hbm>>, %arg3: memref<2x10240x2x32xi32, #tpu.memory_space<hbm>>, %arg4: memref<2x5088x128xf32, #tpu.memory_space<hbm>>, %arg5: memref<10000x128xf32, #tpu.memory_space<vmem_shared>>, %arg6: memref<5088x128xf32, #tpu.memory_space<vmem_shared>>, %arg7: memref<8x2x32xi32, #tpu.memory_space<vmem>>, %arg8: memref<32x128xf32, #tpu.memory_space<vmem>>, %arg9: memref<32x128xf32, #tpu.memory_space<vmem>>, %arg10: memref<!tpu.dma_semaphore, #tpu.memory_space<semaphore_mem>>, %arg11: memref<!tpu.dma_semaphore, #tpu.memory_space<semaphore_mem>>, %arg12: memref<!tpu.dma_semaphore, #tpu.memory_space<semaphore_mem>>, %arg13: memref<!tpu.dma_semaphore, #tpu.memory_space<semaphore_mem>>) attributes {dimension_semantics = [#tpu.dimension_semantics<core_parallel>, #tpu.dimension_semantics<subcore_parallel>], iteration_bounds = array<i64: 2, 16>, scalar_prefetch = 0 : i64, scratch_operands = 9 : i64, tpu.core_type = #tpu.core_type<sc_vector_subcore>, window_params = [{transform_indices = #map}, {transform_indices = #map1}, {transform_indices = #map2}]} {
    %broadcast_in_dim3A = arith.constant 0.000000e+00 : f32
    %broadcast_in_dim3A_0 = vector.broadcast %broadcast_in_dim3A : f32 to vector<16xf32>
    %scan3A = arith.constant 0 : i32
    %scan3A_1 = arith.constant 0 : i32
    %scan3A_2 = arith.constant 32 : i32
    %scan3A_3 = arith.addi %scan3A_1, %scan3A_2 : i32
    %scan3A_4 = arith.constant 1 : i32
    scf.for %scan3A_91 = %scan3A_1 to %scan3A_3 step %scan3A_4  : i32 {
      %swap3A = arith.index_cast %scan3A_91 : i32 to index
      %swap3A_92 = arith.constant 0 : index
      %swap3A_93 = tpu.vector_load %arg8[%swap3A, %swap3A_92] {strides = array<i32>} : memref<32x128xf32, #tpu.memory_space<vmem>>, vector<1x16xf32>,
      %swap3A_94 = vector.shape_cast %swap3A_93 : vector<1x16xf32> to vector<16xf32>
      %swap3A_95 = vector.shape_cast %broadcast_in_dim3A_0 : vector<16xf32> to vector<1x16xf32>
      tpu.vector_store %arg8[%swap3A, %swap3A_92], %swap3A_95 {strides = array<i32>} : memref<32x128xf32, #tpu.memory_space<vmem>>, vector<1x16xf32>,
      %swap3A_96 = arith.index_cast %scan3A_91 : i32 to index
      %swap3A_97 = arith.constant 16 : index
      %swap3A_98 = tpu.vector_load %arg8[%swap3A_96, %swap3A_97] {strides = array<i32>} : memref<32x128xf32, #tpu.memory_space<vmem>>, vector<1x16xf32>,
      %swap3A_99 = vector.shape_cast %swap3A_98 : vector<1x16xf32> to vector<16xf32>
      %swap3A_100 = vector.shape_cast %broadcast_in_dim3A_0 : vector<16xf32> to vector<1x16xf32>
      tpu.vector_store %arg8[%swap3A_96, %swap3A_97], %swap3A_100 {strides = array<i32>} : memref<32x128xf32, #tpu.memory_space<vmem>>, vector<1x16xf32>,
      %swap3A_101 = arith.index_cast %scan3A_91 : i32 to index
      %swap3A_102 = arith.constant 32 : index
      %swap3A_103 = tpu.vector_load %arg8[%swap3A_101, %swap3A_102] {strides = array<i32>} : memref<32x128xf32, #tpu.memory_space<vmem>>, vector<1x16xf32>,
      %swap3A_104 = vector.shape_cast %swap3A_103 : vector<1x16xf32> to vector<16xf32>
      %swap3A_105 = vector.shape_cast %broadcast_in_dim3A_0 : vector<16xf32> to vector<1x16xf32>
      tpu.vector_store %arg8[%swap3A_101, %swap3A_102], %swap3A_105 {strides = array<i32>} : memref<32x128xf32, #tpu.memory_space<vmem>>, vector<1x16xf32>,
      %swap3A_106 = arith.index_cast %scan3A_91 : i32 to index
      %swap3A_107 = arith.constant 48 : index
      %swap3A_108 = tpu.vector_load %arg8[%swap3A_106, %swap3A_107] {strides = array<i32>} : memref<32x128xf32, #tpu.memory_space<vmem>>, vector<1x16xf32>,
      %swap3A_109 = vector.shape_cast %swap3A_108 : vector<1x16xf32> to vector<16xf32>
      %swap3A_110 = vector.shape_cast %broadcast_in_dim3A_0 : vector<16xf32> to vector<1x16xf32>
      tpu.vector_store %arg8[%swap3A_106, %swap3A_107], %swap3A_110 {strides = array<i32>} : memref<32x128xf32, #tpu.memory_space<vmem>>, vector<1x16xf32>,
      %swap3A_111 = arith.index_cast %scan3A_91 : i32 to index
      %swap3A_112 = arith.constant 64 : index
      %swap3A_113 = tpu.vector_load %arg8[%swap3A_111, %swap3A_112] {strides = array<i32>} : memref<32x128xf32, #tpu.memory_space<vmem>>, vector<1x16xf32>,
      %swap3A_114 = vector.shape_cast %swap3A_113 : vector<1x16xf32> to vector<16xf32>
      %swap3A_115 = vector.shape_cast %broadcast_in_dim3A_0 : vector<16xf32> to vector<1x16xf32>
      tpu.vector_store %arg8[%swap3A_111, %swap3A_112], %swap3A_115 {strides = array<i32>} : memref<32x128xf32, #tpu.memory_space<vmem>>, vector<1x16xf32>,
      %swap3A_116 = arith.index_cast %scan3A_91 : i32 to index
      %swap3A_117 = arith.constant 80 : index
      %swap3A_118 = tpu.vector_load %arg8[%swap3A_116, %swap3A_117] {strides = array<i32>} : memref<32x128xf32, #tpu.memory_space<vmem>>, vector<1x16xf32>,
      %swap3A_119 = vector.shape_cast %swap3A_118 : vector<1x16xf32> to vector<16xf32>
      %swap3A_120 = vector.shape_cast %broadcast_in_dim3A_0 : vector<16xf32> to vector<1x16xf32>
      tpu.vector_store %arg8[%swap3A_116, %swap3A_117], %swap3A_120 {strides = array<i32>} : memref<32x128xf32, #tpu.memory_space<vmem>>, vector<1x16xf32>,
      %swap3A_121 = arith.index_cast %scan3A_91 : i32 to index
      %swap3A_122 = arith.constant 96 : index
      %swap3A_123 = tpu.vector_load %arg8[%swap3A_121, %swap3A_122] {strides = array<i32>} : memref<32x128xf32, #tpu.memory_space<vmem>>, vector<1x16xf32>,
      %swap3A_124 = vector.shape_cast %swap3A_123 : vector<1x16xf32> to vector<16xf32>
      %swap3A_125 = vector.shape_cast %broadcast_in_dim3A_0 : vector<16xf32> to vector<1x16xf32>
      tpu.vector_store %arg8[%swap3A_121, %swap3A_122], %swap3A_125 {strides = array<i32>} : memref<32x128xf32, #tpu.memory_space<vmem>>, vector<1x16xf32>,
      %swap3A_126 = arith.index_cast %scan3A_91 : i32 to index
      %swap3A_127 = arith.constant 112 : index
      %swap3A_128 = tpu.vector_load %arg8[%swap3A_126, %swap3A_127] {strides = array<i32>} : memref<32x128xf32, #tpu.memory_space<vmem>>, vector<1x16xf32>,
      %swap3A_129 = vector.shape_cast %swap3A_128 : vector<1x16xf32> to vector<16xf32>
      %swap3A_130 = vector.shape_cast %broadcast_in_dim3A_0 : vector<16xf32> to vector<1x16xf32>
      tpu.vector_store %arg8[%swap3A_126, %swap3A_127], %swap3A_130 {strides = array<i32>} : memref<32x128xf32, #tpu.memory_space<vmem>>, vector<1x16xf32>,
    }
    %scan3A_5 = arith.constant 32 : i32
    %mul3A = arith.constant 320 : i32
    %mul3A_6 = arith.muli %arg1, %mul3A : i32
    %add3A = arith.constant 0 : i32
    %add3A_7 = arith.addi %mul3A_6, %add3A : i32
    "tpu.region"() ({
      %run_scoped3A = tpu.sem_alloc : memref<!tpu.dma_semaphore, #tpu.memory_space<semaphore_mem>>
      %dma_start3A = arith.constant 0 : i32
      %dma_start3A_91 = tpu.memref_slice %arg6[%add3A_7, %dma_start3A] : memref<5088x128xf32, #tpu.memory_space<vmem_shared>> -> memref<32x128xf32, #tpu.memory_space<vmem_shared>>
      %dma_start3A_92 = arith.constant 0 : i32
      %dma_start3A_93 = tpu.memref_slice %arg6[%add3A_7, %dma_start3A_92] : memref<5088x128xf32, #tpu.memory_space<vmem_shared>> -> memref<32x128xf32, #tpu.memory_space<vmem_shared>>
      tpu.enqueue_dma source(%arg8 : memref<32x128xf32, #tpu.memory_space<vmem>>) target(%dma_start3A_93 : memref<32x128xf32, #tpu.memory_space<vmem_shared>>) target_semaphore(%run_scoped3A : memref<!tpu.dma_semaphore, #tpu.memory_space<semaphore_mem>>)
      %dma_wait3A = arith.constant 0 : i32
      %dma_wait3A_94 = tpu.memref_slice %arg6[%add3A_7, %dma_wait3A] : memref<5088x128xf32, #tpu.memory_space<vmem_shared>> -> memref<32x128xf32, #tpu.memory_space<vmem_shared>>
      %dma_wait3A_95 = arith.constant 0 : i32
      %dma_wait3A_96 = tpu.memref_slice %arg6[%add3A_7, %dma_wait3A_95] : memref<5088x128xf32, #tpu.memory_space<vmem_shared>> -> memref<32x128xf32, #tpu.memory_space<vmem_shared>>
      tpu.wait_dma2 semaphore(%run_scoped3A : memref<!tpu.dma_semaphore, #tpu.memory_space<semaphore_mem>>) src(%arg8 : memref<32x128xf32, #tpu.memory_space<vmem>>) dst(%dma_wait3A_96 : memref<32x128xf32, #tpu.memory_space<vmem_shared>>)
      tpu.yield
    }) : () -> ()
    %add3A_8 = arith.constant 32 : i32
    %add3A_9 = arith.addi %mul3A_6, %add3A_8 : i32
    "tpu.region"() ({
      %run_scoped3A = tpu.sem_alloc : memref<!tpu.dma_semaphore, #tpu.memory_space<semaphore_mem>>
      %dma_start3A = arith.constant 0 : i32
      %dma_start3A_91 = tpu.memref_slice %arg6[%add3A_9, %dma_start3A] : memref<5088x128xf32, #tpu.memory_space<vmem_shared>> -> memref<32x128xf32, #tpu.memory_space<vmem_shared>>
      %dma_start3A_92 = arith.constant 0 : i32
      %dma_start3A_93 = tpu.memref_slice %arg6[%add3A_9, %dma_start3A_92] : memref<5088x128xf32, #tpu.memory_space<vmem_shared>> -> memref<32x128xf32, #tpu.memory_space<vmem_shared>>
      tpu.enqueue_dma source(%arg8 : memref<32x128xf32, #tpu.memory_space<vmem>>) target(%dma_start3A_93 : memref<32x128xf32, #tpu.memory_space<vmem_shared>>) target_semaphore(%run_scoped3A : memref<!tpu.dma_semaphore, #tpu.memory_space<semaphore_mem>>)
      %dma_wait3A = arith.constant 0 : i32
      %dma_wait3A_94 = tpu.memref_slice %arg6[%add3A_9, %dma_wait3A] : memref<5088x128xf32, #tpu.memory_space<vmem_shared>> -> memref<32x128xf32, #tpu.memory_space<vmem_shared>>
      %dma_wait3A_95 = arith.constant 0 : i32
      %dma_wait3A_96 = tpu.memref_slice %arg6[%add3A_9, %dma_wait3A_95] : memref<5088x128xf32, #tpu.memory_space<vmem_shared>> -> memref<32x128xf32, #tpu.memory_space<vmem_shared>>
      tpu.wait_dma2 semaphore(%run_scoped3A : memref<!tpu.dma_semaphore, #tpu.memory_space<semaphore_mem>>) src(%arg8 : memref<32x128xf32, #tpu.memory_space<vmem>>) dst(%dma_wait3A_96 : memref<32x128xf32, #tpu.memory_space<vmem_shared>>)
      tpu.yield
    }) : () -> ()
    %add3A_10 = arith.constant 64 : i32
    %add3A_11 = arith.addi %mul3A_6, %add3A_10 : i32
    "tpu.region"() ({
      %run_scoped3A = tpu.sem_alloc : memref<!tpu.dma_semaphore, #tpu.memory_space<semaphore_mem>>
      %dma_start3A = arith.constant 0 : i32
      %dma_start3A_91 = tpu.memref_slice %arg6[%add3A_11, %dma_start3A] : memref<5088x128xf32, #tpu.memory_space<vmem_shared>> -> memref<32x128xf32, #tpu.memory_space<vmem_shared>>
      %dma_start3A_92 = arith.constant 0 : i32
      %dma_start3A_93 = tpu.memref_slice %arg6[%add3A_11, %dma_start3A_92] : memref<5088x128xf32, #tpu.memory_space<vmem_shared>> -> memref<32x128xf32, #tpu.memory_space<vmem_shared>>
      tpu.enqueue_dma source(%arg8 : memref<32x128xf32, #tpu.memory_space<vmem>>) target(%dma_start3A_93 : memref<32x128xf32, #tpu.memory_space<vmem_shared>>) target_semaphore(%run_scoped3A : memref<!tpu.dma_semaphore, #tpu.memory_space<semaphore_mem>>)
      %dma_wait3A = arith.constant 0 : i32
      %dma_wait3A_94 = tpu.memref_slice %arg6[%add3A_11, %dma_wait3A] : memref<5088x128xf32, #tpu.memory_space<vmem_shared>> -> memref<32x128xf32, #tpu.memory_space<vmem_shared>>
      %dma_wait3A_95 = arith.constant 0 : i32
      %dma_wait3A_96 = tpu.memref_slice %arg6[%add3A_11, %dma_wait3A_95] : memref<5088x128xf32, #tpu.memory_space<vmem_shared>> -> memref<32x128xf32, #tpu.memory_space<vmem_shared>>
      tpu.wait_dma2 semaphore(%run_scoped3A : memref<!tpu.dma_semaphore, #tpu.memory_space<semaphore_mem>>) src(%arg8 : memref<32x128xf32, #tpu.memory_space<vmem>>) dst(%dma_wait3A_96 : memref<32x128xf32, #tpu.memory_space<vmem_shared>>)
      tpu.yield
    }) : () -> ()
    %add3A_12 = arith.constant 96 : i32
    %add3A_13 = arith.addi %mul3A_6, %add3A_12 : i32
    "tpu.region"() ({
      %run_scoped3A = tpu.sem_alloc : memref<!tpu.dma_semaphore, #tpu.memory_space<semaphore_mem>>
      %dma_start3A = arith.constant 0 : i32
      %dma_start3A_91 = tpu.memref_slice %arg6[%add3A_13, %dma_start3A] : memref<5088x128xf32, #tpu.memory_space<vmem_shared>> -> memref<32x128xf32, #tpu.memory_space<vmem_shared>>
      %dma_start3A_92 = arith.constant 0 : i32
      %dma_start3A_93 = tpu.memref_slice %arg6[%add3A_13, %dma_start3A_92] : memref<5088x128xf32, #tpu.memory_space<vmem_shared>> -> memref<32x128xf32, #tpu.memory_space<vmem_shared>>
      tpu.enqueue_dma source(%arg8 : memref<32x128xf32, #tpu.memory_space<vmem>>) target(%dma_start3A_93 : memref<32x128xf32, #tpu.memory_space<vmem_shared>>) target_semaphore(%run_scoped3A : memref<!tpu.dma_semaphore, #tpu.memory_space<semaphore_mem>>)
      %dma_wait3A = arith.constant 0 : i32
      %dma_wait3A_94 = tpu.memref_slice %arg6[%add3A_13, %dma_wait3A] : memref<5088x128xf32, #tpu.memory_space<vmem_shared>> -> memref<32x128xf32, #tpu.memory_space<vmem_shared>>
      %dma_wait3A_95 = arith.constant 0 : i32
      %dma_wait3A_96 = tpu.memref_slice %arg6[%add3A_13, %dma_wait3A_95] : memref<5088x128xf32, #tpu.memory_space<vmem_shared>> -> memref<32x128xf32, #tpu.memory_space<vmem_shared>>
      tpu.wait_dma2 semaphore(%run_scoped3A : memref<!tpu.dma_semaphore, #tpu.memory_space<semaphore_mem>>) src(%arg8 : memref<32x128xf32, #tpu.memory_space<vmem>>) dst(%dma_wait3A_96 : memref<32x128xf32, #tpu.memory_space<vmem_shared>>)
      tpu.yield
    }) : () -> ()
    %add3A_14 = arith.constant 128 : i32
    %add3A_15 = arith.addi %mul3A_6, %add3A_14 : i32
    "tpu.region"() ({
      %run_scoped3A = tpu.sem_alloc : memref<!tpu.dma_semaphore, #tpu.memory_space<semaphore_mem>>
      %dma_start3A = arith.constant 0 : i32
      %dma_start3A_91 = tpu.memref_slice %arg6[%add3A_15, %dma_start3A] : memref<5088x128xf32, #tpu.memory_space<vmem_shared>> -> memref<32x128xf32, #tpu.memory_space<vmem_shared>>
      %dma_start3A_92 = arith.constant 0 : i32
      %dma_start3A_93 = tpu.memref_slice %arg6[%add3A_15, %dma_start3A_92] : memref<5088x128xf32, #tpu.memory_space<vmem_shared>> -> memref<32x128xf32, #tpu.memory_space<vmem_shared>>
      tpu.enqueue_dma source(%arg8 : memref<32x128xf32, #tpu.memory_space<vmem>>) target(%dma_start3A_93 : memref<32x128xf32, #tpu.memory_space<vmem_shared>>) target_semaphore(%run_scoped3A : memref<!tpu.dma_semaphore, #tpu.memory_space<semaphore_mem>>)
      %dma_wait3A = arith.constant 0 : i32
      %dma_wait3A_94 = tpu.memref_slice %arg6[%add3A_15, %dma_wait3A] : memref<5088x128xf32, #tpu.memory_space<vmem_shared>> -> memref<32x128xf32, #tpu.memory_space<vmem_shared>>
      %dma_wait3A_95 = arith.constant 0 : i32
      %dma_wait3A_96 = tpu.memref_slice %arg6[%add3A_15, %dma_wait3A_95] : memref<5088x128xf32, #tpu.memory_space<vmem_shared>> -> memref<32x128xf32, #tpu.memory_space<vmem_shared>>
      tpu.wait_dma2 semaphore(%run_scoped3A : memref<!tpu.dma_semaphore, #tpu.memory_space<semaphore_mem>>) src(%arg8 : memref<32x128xf32, #tpu.memory_space<vmem>>) dst(%dma_wait3A_96 : memref<32x128xf32, #tpu.memory_space<vmem_shared>>)
      tpu.yield
    }) : () -> ()
    %add3A_16 = arith.constant 160 : i32
    %add3A_17 = arith.addi %mul3A_6, %add3A_16 : i32
    "tpu.region"() ({
      %run_scoped3A = tpu.sem_alloc : memref<!tpu.dma_semaphore, #tpu.memory_space<semaphore_mem>>
      %dma_start3A = arith.constant 0 : i32
      %dma_start3A_91 = tpu.memref_slice %arg6[%add3A_17, %dma_start3A] : memref<5088x128xf32, #tpu.memory_space<vmem_shared>> -> memref<32x128xf32, #tpu.memory_space<vmem_shared>>
      %dma_start3A_92 = arith.constant 0 : i32
      %dma_start3A_93 = tpu.memref_slice %arg6[%add3A_17, %dma_start3A_92] : memref<5088x128xf32, #tpu.memory_space<vmem_shared>> -> memref<32x128xf32, #tpu.memory_space<vmem_shared>>
      tpu.enqueue_dma source(%arg8 : memref<32x128xf32, #tpu.memory_space<vmem>>) target(%dma_start3A_93 : memref<32x128xf32, #tpu.memory_space<vmem_shared>>) target_semaphore(%run_scoped3A : memref<!tpu.dma_semaphore, #tpu.memory_space<semaphore_mem>>)
      %dma_wait3A = arith.constant 0 : i32
      %dma_wait3A_94 = tpu.memref_slice %arg6[%add3A_17, %dma_wait3A] : memref<5088x128xf32, #tpu.memory_space<vmem_shared>> -> memref<32x128xf32, #tpu.memory_space<vmem_shared>>
      %dma_wait3A_95 = arith.constant 0 : i32
      %dma_wait3A_96 = tpu.memref_slice %arg6[%add3A_17, %dma_wait3A_95] : memref<5088x128xf32, #tpu.memory_space<vmem_shared>> -> memref<32x128xf32, #tpu.memory_space<vmem_shared>>
      tpu.wait_dma2 semaphore(%run_scoped3A : memref<!tpu.dma_semaphore, #tpu.memory_space<semaphore_mem>>) src(%arg8 : memref<32x128xf32, #tpu.memory_space<vmem>>) dst(%dma_wait3A_96 : memref<32x128xf32, #tpu.memory_space<vmem_shared>>)
      tpu.yield
    }) : () -> ()
    %add3A_18 = arith.constant 192 : i32
    %add3A_19 = arith.addi %mul3A_6, %add3A_18 : i32
    "tpu.region"() ({
      %run_scoped3A = tpu.sem_alloc : memref<!tpu.dma_semaphore, #tpu.memory_space<semaphore_mem>>
      %dma_start3A = arith.constant 0 : i32
      %dma_start3A_91 = tpu.memref_slice %arg6[%add3A_19, %dma_start3A] : memref<5088x128xf32, #tpu.memory_space<vmem_shared>> -> memref<32x128xf32, #tpu.memory_space<vmem_shared>>
      %dma_start3A_92 = arith.constant 0 : i32
      %dma_start3A_93 = tpu.memref_slice %arg6[%add3A_19, %dma_start3A_92] : memref<5088x128xf32, #tpu.memory_space<vmem_shared>> -> memref<32x128xf32, #tpu.memory_space<vmem_shared>>
      tpu.enqueue_dma source(%arg8 : memref<32x128xf32, #tpu.memory_space<vmem>>) target(%dma_start3A_93 : memref<32x128xf32, #tpu.memory_space<vmem_shared>>) target_semaphore(%run_scoped3A : memref<!tpu.dma_semaphore, #tpu.memory_space<semaphore_mem>>)
      %dma_wait3A = arith.constant 0 : i32
      %dma_wait3A_94 = tpu.memref_slice %arg6[%add3A_19, %dma_wait3A] : memref<5088x128xf32, #tpu.memory_space<vmem_shared>> -> memref<32x128xf32, #tpu.memory_space<vmem_shared>>
      %dma_wait3A_95 = arith.constant 0 : i32
      %dma_wait3A_96 = tpu.memref_slice %arg6[%add3A_19, %dma_wait3A_95] : memref<5088x128xf32, #tpu.memory_space<vmem_shared>> -> memref<32x128xf32, #tpu.memory_space<vmem_shared>>
      tpu.wait_dma2 semaphore(%run_scoped3A : memref<!tpu.dma_semaphore, #tpu.memory_space<semaphore_mem>>) src(%arg8 : memref<32x128xf32, #tpu.memory_space<vmem>>) dst(%dma_wait3A_96 : memref<32x128xf32, #tpu.memory_space<vmem_shared>>)
      tpu.yield
    }) : () -> ()
    %add3A_20 = arith.constant 224 : i32
    %add3A_21 = arith.addi %mul3A_6, %add3A_20 : i32
    "tpu.region"() ({
      %run_scoped3A = tpu.sem_alloc : memref<!tpu.dma_semaphore, #tpu.memory_space<semaphore_mem>>
      %dma_start3A = arith.constant 0 : i32
      %dma_start3A_91 = tpu.memref_slice %arg6[%add3A_21, %dma_start3A] : memref<5088x128xf32, #tpu.memory_space<vmem_shared>> -> memref<32x128xf32, #tpu.memory_space<vmem_shared>>
      %dma_start3A_92 = arith.constant 0 : i32
      %dma_start3A_93 = tpu.memref_slice %arg6[%add3A_21, %dma_start3A_92] : memref<5088x128xf32, #tpu.memory_space<vmem_shared>> -> memref<32x128xf32, #tpu.memory_space<vmem_shared>>
      tpu.enqueue_dma source(%arg8 : memref<32x128xf32, #tpu.memory_space<vmem>>) target(%dma_start3A_93 : memref<32x128xf32, #tpu.memory_space<vmem_shared>>) target_semaphore(%run_scoped3A : memref<!tpu.dma_semaphore, #tpu.memory_space<semaphore_mem>>)
      %dma_wait3A = arith.constant 0 : i32
      %dma_wait3A_94 = tpu.memref_slice %arg6[%add3A_21, %dma_wait3A] : memref<5088x128xf32, #tpu.memory_space<vmem_shared>> -> memref<32x128xf32, #tpu.memory_space<vmem_shared>>
      %dma_wait3A_95 = arith.constant 0 : i32
      %dma_wait3A_96 = tpu.memref_slice %arg6[%add3A_21, %dma_wait3A_95] : memref<5088x128xf32, #tpu.memory_space<vmem_shared>> -> memref<32x128xf32, #tpu.memory_space<vmem_shared>>
      tpu.wait_dma2 semaphore(%run_scoped3A : memref<!tpu.dma_semaphore, #tpu.memory_space<semaphore_mem>>) src(%arg8 : memref<32x128xf32, #tpu.memory_space<vmem>>) dst(%dma_wait3A_96 : memref<32x128xf32, #tpu.memory_space<vmem_shared>>)
      tpu.yield
    }) : () -> ()
    %add3A_22 = arith.constant 256 : i32
    %add3A_23 = arith.addi %mul3A_6, %add3A_22 : i32
    "tpu.region"() ({
      %run_scoped3A = tpu.sem_alloc : memref<!tpu.dma_semaphore, #tpu.memory_space<semaphore_mem>>
      %dma_start3A = arith.constant 0 : i32
      %dma_start3A_91 = tpu.memref_slice %arg6[%add3A_23, %dma_start3A] : memref<5088x128xf32, #tpu.memory_space<vmem_shared>> -> memref<32x128xf32, #tpu.memory_space<vmem_shared>>
      %dma_start3A_92 = arith.constant 0 : i32
      %dma_start3A_93 = tpu.memref_slice %arg6[%add3A_23, %dma_start3A_92] : memref<5088x128xf32, #tpu.memory_space<vmem_shared>> -> memref<32x128xf32, #tpu.memory_space<vmem_shared>>
      tpu.enqueue_dma source(%arg8 : memref<32x128xf32, #tpu.memory_space<vmem>>) target(%dma_start3A_93 : memref<32x128xf32, #tpu.memory_space<vmem_shared>>) target_semaphore(%run_scoped3A : memref<!tpu.dma_semaphore, #tpu.memory_space<semaphore_mem>>)
      %dma_wait3A = arith.constant 0 : i32
      %dma_wait3A_94 = tpu.memref_slice %arg6[%add3A_23, %dma_wait3A] : memref<5088x128xf32, #tpu.memory_space<vmem_shared>> -> memref<32x128xf32, #tpu.memory_space<vmem_shared>>
      %dma_wait3A_95 = arith.constant 0 : i32
      %dma_wait3A_96 = tpu.memref_slice %arg6[%add3A_23, %dma_wait3A_95] : memref<5088x128xf32, #tpu.memory_space<vmem_shared>> -> memref<32x128xf32, #tpu.memory_space<vmem_shared>>
      tpu.wait_dma2 semaphore(%run_scoped3A : memref<!tpu.dma_semaphore, #tpu.memory_space<semaphore_mem>>) src(%arg8 : memref<32x128xf32, #tpu.memory_space<vmem>>) dst(%dma_wait3A_96 : memref<32x128xf32, #tpu.memory_space<vmem_shared>>)
      tpu.yield
    }) : () -> ()
    %lt3A = arith.constant 15 : i32
    %lt3A_24 = arith.cmpi slt, %arg1, %lt3A : i32
    %convert_element_type3A = arith.extui %lt3A_24 : i1 to i32
    %cond3A = arith.constant 0 : i32
    %cond3A_25 = arith.cmpi ne, %convert_element_type3A, %cond3A : i32
    scf.if %cond3A_25 {
      %add3A_91 = arith.constant 288 : i32
      %add3A_92 = arith.addi %mul3A_6, %add3A_91 : i32
      "tpu.region"() ({
        %run_scoped3A = tpu.sem_alloc : memref<!tpu.dma_semaphore, #tpu.memory_space<semaphore_mem>>
        %dma_start3A = arith.constant 0 : i32
        %dma_start3A_93 = tpu.memref_slice %arg6[%add3A_92, %dma_start3A] : memref<5088x128xf32, #tpu.memory_space<vmem_shared>> -> memref<32x128xf32, #tpu.memory_space<vmem_shared>>
        %dma_start3A_94 = arith.constant 0 : i32
        %dma_start3A_95 = tpu.memref_slice %arg6[%add3A_92, %dma_start3A_94] : memref<5088x128xf32, #tpu.memory_space<vmem_shared>> -> memref<32x128xf32, #tpu.memory_space<vmem_shared>>
        tpu.enqueue_dma source(%arg8 : memref<32x128xf32, #tpu.memory_space<vmem>>) target(%dma_start3A_95 : memref<32x128xf32, #tpu.memory_space<vmem_shared>>) target_semaphore(%run_scoped3A : memref<!tpu.dma_semaphore, #tpu.memory_space<semaphore_mem>>)
        %dma_wait3A = arith.constant 0 : i32
        %dma_wait3A_96 = tpu.memref_slice %arg6[%add3A_92, %dma_wait3A] : memref<5088x128xf32, #tpu.memory_space<vmem_shared>> -> memref<32x128xf32, #tpu.memory_space<vmem_shared>>
        %dma_wait3A_97 = arith.constant 0 : i32
        %dma_wait3A_98 = tpu.memref_slice %arg6[%add3A_92, %dma_wait3A_97] : memref<5088x128xf32, #tpu.memory_space<vmem_shared>> -> memref<32x128xf32, #tpu.memory_space<vmem_shared>>
        tpu.wait_dma2 semaphore(%run_scoped3A : memref<!tpu.dma_semaphore, #tpu.memory_space<semaphore_mem>>) src(%arg8 : memref<32x128xf32, #tpu.memory_space<vmem>>) dst(%dma_wait3A_98 : memref<32x128xf32, #tpu.memory_space<vmem_shared>>)
        tpu.yield
      }) : () -> ()
    } else {
    }
    %add3A_26 = arith.constant 0 : i32
    %add3A_27 = arith.addi %arg1, %add3A_26 : i32
    %mul3A_28 = arith.constant 200 : i32
    %mul3A_29 = arith.muli %add3A_27, %mul3A_28 : i32
    "tpu.region"() ({
      %run_scoped3A = tpu.sem_alloc : memref<!tpu.dma_semaphore, #tpu.memory_space<semaphore_mem>>
      %dma_start3A = arith.constant 0 : i32
      %dma_start3A_91 = tpu.memref_slice %arg5[%mul3A_29, %dma_start3A] : memref<10000x128xf32, #tpu.memory_space<vmem_shared>> -> memref<200x128xf32, #tpu.memory_space<vmem_shared>>
      %dma_start3A_92 = arith.constant 0 : i32
      %dma_start3A_93 = tpu.memref_slice %arg2[%mul3A_29, %dma_start3A_92] : memref<10000x128xf32, #tpu.memory_space<hbm>> -> memref<200x128xf32, #tpu.memory_space<hbm>>
      tpu.enqueue_dma source(%dma_start3A_93 : memref<200x128xf32, #tpu.memory_space<hbm>>) target(%dma_start3A_91 : memref<200x128xf32, #tpu.memory_space<vmem_shared>>) target_semaphore(%run_scoped3A : memref<!tpu.dma_semaphore, #tpu.memory_space<semaphore_mem>>)
      %dma_wait3A = arith.constant 0 : i32
      %dma_wait3A_94 = tpu.memref_slice %arg5[%mul3A_29, %dma_wait3A] : memref<10000x128xf32, #tpu.memory_space<vmem_shared>> -> memref<200x128xf32, #tpu.memory_space<vmem_shared>>
      %dma_wait3A_95 = arith.constant 0 : i32
      %dma_wait3A_96 = tpu.memref_slice %arg2[%mul3A_29, %dma_wait3A_95] : memref<10000x128xf32, #tpu.memory_space<hbm>> -> memref<200x128xf32, #tpu.memory_space<hbm>>
      tpu.wait_dma2 semaphore(%run_scoped3A : memref<!tpu.dma_semaphore, #tpu.memory_space<semaphore_mem>>) src(%dma_wait3A_96 : memref<200x128xf32, #tpu.memory_space<hbm>>) dst(%dma_wait3A_94 : memref<200x128xf32, #tpu.memory_space<vmem_shared>>)
      tpu.yield
    }) : () -> ()
    %add3A_30 = arith.constant 16 : i32
    %add3A_31 = arith.addi %arg1, %add3A_30 : i32
    %mul3A_32 = arith.constant 200 : i32
    %mul3A_33 = arith.muli %add3A_31, %mul3A_32 : i32
    "tpu.region"() ({
      %run_scoped3A = tpu.sem_alloc : memref<!tpu.dma_semaphore, #tpu.memory_space<semaphore_mem>>
      %dma_start3A = arith.constant 0 : i32
      %dma_start3A_91 = tpu.memref_slice %arg5[%mul3A_33, %dma_start3A] : memref<10000x128xf32, #tpu.memory_space<vmem_shared>> -> memref<200x128xf32, #tpu.memory_space<vmem_shared>>
      %dma_start3A_92 = arith.constant 0 : i32
      %dma_start3A_93 = tpu.memref_slice %arg2[%mul3A_33, %dma_start3A_92] : memref<10000x128xf32, #tpu.memory_space<hbm>> -> memref<200x128xf32, #tpu.memory_space<hbm>>
      tpu.enqueue_dma source(%dma_start3A_93 : memref<200x128xf32, #tpu.memory_space<hbm>>) target(%dma_start3A_91 : memref<200x128xf32, #tpu.memory_space<vmem_shared>>) target_semaphore(%run_scoped3A : memref<!tpu.dma_semaphore, #tpu.memory_space<semaphore_mem>>)
      %dma_wait3A = arith.constant 0 : i32
      %dma_wait3A_94 = tpu.memref_slice %arg5[%mul3A_33, %dma_wait3A] : memref<10000x128xf32, #tpu.memory_space<vmem_shared>> -> memref<200x128xf32, #tpu.memory_space<vmem_shared>>
      %dma_wait3A_95 = arith.constant 0 : i32
      %dma_wait3A_96 = tpu.memref_slice %arg2[%mul3A_33, %dma_wait3A_95] : memref<10000x128xf32, #tpu.memory_space<hbm>> -> memref<200x128xf32, #tpu.memory_space<hbm>>
      tpu.wait_dma2 semaphore(%run_scoped3A : memref<!tpu.dma_semaphore, #tpu.memory_space<semaphore_mem>>) src(%dma_wait3A_96 : memref<200x128xf32, #tpu.memory_space<hbm>>) dst(%dma_wait3A_94 : memref<200x128xf32, #tpu.memory_space<vmem_shared>>)
      tpu.yield
    }) : () -> ()
    %add3A_34 = arith.constant 32 : i32
    %add3A_35 = arith.addi %arg1, %add3A_34 : i32
    %mul3A_36 = arith.constant 200 : i32
    %mul3A_37 = arith.muli %add3A_35, %mul3A_36 : i32
    "tpu.region"() ({
      %run_scoped3A = tpu.sem_alloc : memref<!tpu.dma_semaphore, #tpu.memory_space<semaphore_mem>>
      %dma_start3A = arith.constant 0 : i32
      %dma_start3A_91 = tpu.memref_slice %arg5[%mul3A_37, %dma_start3A] : memref<10000x128xf32, #tpu.memory_space<vmem_shared>> -> memref<200x128xf32, #tpu.memory_space<vmem_shared>>
      %dma_start3A_92 = arith.constant 0 : i32
      %dma_start3A_93 = tpu.memref_slice %arg2[%mul3A_37, %dma_start3A_92] : memref<10000x128xf32, #tpu.memory_space<hbm>> -> memref<200x128xf32, #tpu.memory_space<hbm>>
      tpu.enqueue_dma source(%dma_start3A_93 : memref<200x128xf32, #tpu.memory_space<hbm>>) target(%dma_start3A_91 : memref<200x128xf32, #tpu.memory_space<vmem_shared>>) target_semaphore(%run_scoped3A : memref<!tpu.dma_semaphore, #tpu.memory_space<semaphore_mem>>)
      %dma_wait3A = arith.constant 0 : i32
      %dma_wait3A_94 = tpu.memref_slice %arg5[%mul3A_37, %dma_wait3A] : memref<10000x128xf32, #tpu.memory_space<vmem_shared>> -> memref<200x128xf32, #tpu.memory_space<vmem_shared>>
      %dma_wait3A_95 = arith.constant 0 : i32
      %dma_wait3A_96 = tpu.memref_slice %arg2[%mul3A_37, %dma_wait3A_95] : memref<10000x128xf32, #tpu.memory_space<hbm>> -> memref<200x128xf32, #tpu.memory_space<hbm>>
      tpu.wait_dma2 semaphore(%run_scoped3A : memref<!tpu.dma_semaphore, #tpu.memory_space<semaphore_mem>>) src(%dma_wait3A_96 : memref<200x128xf32, #tpu.memory_space<hbm>>) dst(%dma_wait3A_94 : memref<200x128xf32, #tpu.memory_space<vmem_shared>>)
      tpu.yield
    }) : () -> ()
    %lt3A_38 = arith.constant 2 : i32
    %lt3A_39 = arith.cmpi slt, %arg1, %lt3A_38 : i32
    %convert_element_type3A_40 = arith.extui %lt3A_39 : i1 to i32
    %cond3A_41 = arith.constant 0 : i32
    %cond3A_42 = arith.cmpi ne, %convert_element_type3A_40, %cond3A_41 : i32
    scf.if %cond3A_42 {
      %add3A_91 = arith.constant 48 : i32
      %add3A_92 = arith.addi %add3A_91, %arg1 : i32
      %mul3A_93 = arith.constant 200 : i32
      %mul3A_94 = arith.muli %add3A_92, %mul3A_93 : i32
      "tpu.region"() ({
        %run_scoped3A = tpu.sem_alloc : memref<!tpu.dma_semaphore, #tpu.memory_space<semaphore_mem>>
        %dma_start3A = arith.constant 0 : i32
        %dma_start3A_95 = tpu.memref_slice %arg5[%mul3A_94, %dma_start3A] : memref<10000x128xf32, #tpu.memory_space<vmem_shared>> -> memref<200x128xf32, #tpu.memory_space<vmem_shared>>
        %dma_start3A_96 = arith.constant 0 : i32
        %dma_start3A_97 = tpu.memref_slice %arg2[%mul3A_94, %dma_start3A_96] : memref<10000x128xf32, #tpu.memory_space<hbm>> -> memref<200x128xf32, #tpu.memory_space<hbm>>
        tpu.enqueue_dma source(%dma_start3A_97 : memref<200x128xf32, #tpu.memory_space<hbm>>) target(%dma_start3A_95 : memref<200x128xf32, #tpu.memory_space<vmem_shared>>) target_semaphore(%run_scoped3A : memref<!tpu.dma_semaphore, #tpu.memory_space<semaphore_mem>>)
        %dma_wait3A = arith.constant 0 : i32
        %dma_wait3A_98 = tpu.memref_slice %arg5[%mul3A_94, %dma_wait3A] : memref<10000x128xf32, #tpu.memory_space<vmem_shared>> -> memref<200x128xf32, #tpu.memory_space<vmem_shared>>
        %dma_wait3A_99 = arith.constant 0 : i32
        %dma_wait3A_100 = tpu.memref_slice %arg2[%mul3A_94, %dma_wait3A_99] : memref<10000x128xf32, #tpu.memory_space<hbm>> -> memref<200x128xf32, #tpu.memory_space<hbm>>
        tpu.wait_dma2 semaphore(%run_scoped3A : memref<!tpu.dma_semaphore, #tpu.memory_space<semaphore_mem>>) src(%dma_wait3A_100 : memref<200x128xf32, #tpu.memory_space<hbm>>) dst(%dma_wait3A_98 : memref<200x128xf32, #tpu.memory_space<vmem_shared>>)
        tpu.yield
      }) : () -> ()
    } else {
    }
    %barrier3A = arith.constant 0 : index
    tpu.barrier barrier_id(%barrier3A)
    %scan3A_43 = arith.constant 0 : i32
    %scan3A_44 = arith.constant 0 : i32
    %scan3A_45 = arith.constant 80 : i32
    %scan3A_46 = arith.addi %scan3A_44, %scan3A_45 : i32
    %scan3A_47 = arith.constant 1 : i32
    scf.for %scan3A_91 = %scan3A_44 to %scan3A_46 step %scan3A_47  : i32 {
      %mul3A_92 = arith.constant 640 : i32
      %mul3A_93 = arith.muli %arg1, %mul3A_92 : i32
      %mul3A_94 = arith.constant 8 : i32
      %mul3A_95 = arith.muli %scan3A_91, %mul3A_94 : i32
      %add3A_96 = arith.addi %mul3A_93, %mul3A_95 : i32
      "tpu.region"() ({
        %run_scoped3A = tpu.sem_alloc : memref<!tpu.dma_semaphore, #tpu.memory_space<semaphore_mem>>
        %dma_start3A_351 = arith.constant 0 : i32
        %dma_start3A_352 = arith.constant 0 : i32
        %dma_start3A_353 = tpu.memref_slice %arg3[%arg0, %add3A_96, %dma_start3A_351, %dma_start3A_352] : memref<2x10240x2x32xi32, #tpu.memory_space<hbm>> -> memref<1x8x2x32xi32, #tpu.memory_space<hbm>>
        %dma_start3A_354 = tpu.memref_squeeze %dma_start3A_353 : memref<1x8x2x32xi32, #tpu.memory_space<hbm>> -> memref<8x2x32xi32, #tpu.memory_space<hbm>>
        %dma_start3A_355 = arith.constant 0 : i32
        %dma_start3A_356 = arith.constant 0 : i32
        %dma_start3A_357 = tpu.memref_slice %arg3[%arg0, %add3A_96, %dma_start3A_355, %dma_start3A_356] : memref<2x10240x2x32xi32, #tpu.memory_space<hbm>> -> memref<1x8x2x32xi32, #tpu.memory_space<hbm>>
        %dma_start3A_358 = tpu.memref_squeeze %dma_start3A_357 : memref<1x8x2x32xi32, #tpu.memory_space<hbm>> -> memref<8x2x32xi32, #tpu.memory_space<hbm>>
        tpu.enqueue_dma source(%dma_start3A_358 : memref<8x2x32xi32, #tpu.memory_space<hbm>>) target(%arg7 : memref<8x2x32xi32, #tpu.memory_space<vmem>>) target_semaphore(%run_scoped3A : memref<!tpu.dma_semaphore, #tpu.memory_space<semaphore_mem>>)
        %dma_wait3A_359 = arith.constant 0 : i32
        %dma_wait3A_360 = arith.constant 0 : i32
        %dma_wait3A_361 = tpu.memref_slice %arg3[%arg0, %add3A_96, %dma_wait3A_359, %dma_wait3A_360] : memref<2x10240x2x32xi32, #tpu.memory_space<hbm>> -> memref<1x8x2x32xi32, #tpu.memory_space<hbm>>
        %dma_wait3A_362 = tpu.memref_squeeze %dma_wait3A_361 : memref<1x8x2x32xi32, #tpu.memory_space<hbm>> -> memref<8x2x32xi32, #tpu.memory_space<hbm>>
        %dma_wait3A_363 = arith.constant 0 : i32
        %dma_wait3A_364 = arith.constant 0 : i32
        %dma_wait3A_365 = tpu.memref_slice %arg3[%arg0, %add3A_96, %dma_wait3A_363, %dma_wait3A_364] : memref<2x10240x2x32xi32, #tpu.memory_space<hbm>> -> memref<1x8x2x32xi32, #tpu.memory_space<hbm>>
        %dma_wait3A_366 = tpu.memref_squeeze %dma_wait3A_365 : memref<1x8x2x32xi32, #tpu.memory_space<hbm>> -> memref<8x2x32xi32, #tpu.memory_space<hbm>>
        tpu.wait_dma2 semaphore(%run_scoped3A : memref<!tpu.dma_semaphore, #tpu.memory_space<semaphore_mem>>) src(%dma_wait3A_366 : memref<8x2x32xi32, #tpu.memory_space<hbm>>) dst(%arg7 : memref<8x2x32xi32, #tpu.memory_space<vmem>>)
        tpu.yield
      }) : () -> ()
      %dma_start3A = arith.constant 0 : i32
      %dma_start3A_97 = arith.constant 0 : i32
      %dma_start3A_98 = arith.constant 0 : i32
      %dma_start3A_99 = tpu.memref_slice %arg7[%dma_start3A, %dma_start3A_97, %dma_start3A_98] : memref<8x2x32xi32, #tpu.memory_space<vmem>> -> memref<1x1x32xi32, #tpu.memory_space<vmem>>
      %dma_start3A_100 = tpu.memref_squeeze %dma_start3A_99 : memref<1x1x32xi32, #tpu.memory_space<vmem>> -> memref<32xi32, #tpu.memory_space<vmem>>
      %dma_start3A_101 = arith.constant 0 : i32
      %dma_start3A_102 = arith.constant 0 : i32
      %dma_start3A_103 = tpu.memref_slice %arg5[%dma_start3A_101, %dma_start3A_102] : memref<10000x128xf32, #tpu.memory_space<vmem_shared>> -> memref<10000x128xf32, #tpu.memory_space<vmem_shared>>
      tpu.enqueue_indirect_dma source(%dma_start3A_103 : memref<10000x128xf32, #tpu.memory_space<vmem_shared>>) target(%arg8 : memref<32x128xf32, #tpu.memory_space<vmem>>) offsets(%dma_start3A_100 : memref<32xi32, #tpu.memory_space<vmem>>) semaphore(%arg10 : memref<!tpu.dma_semaphore, #tpu.memory_space<semaphore_mem>>)
      %dma_wait3A = arith.constant 0 : i32
      %dma_wait3A_104 = arith.constant 0 : i32
      %dma_wait3A_105 = arith.constant 0 : i32
      %dma_wait3A_106 = tpu.memref_slice %arg7[%dma_wait3A, %dma_wait3A_104, %dma_wait3A_105] : memref<8x2x32xi32, #tpu.memory_space<vmem>> -> memref<1x1x32xi32, #tpu.memory_space<vmem>>
      %dma_wait3A_107 = tpu.memref_squeeze %dma_wait3A_106 : memref<1x1x32xi32, #tpu.memory_space<vmem>> -> memref<32xi32, #tpu.memory_space<vmem>>
      %dma_wait3A_108 = arith.constant 0 : i32
      %dma_wait3A_109 = arith.constant 0 : i32
      %dma_wait3A_110 = tpu.memref_slice %arg5[%dma_wait3A_108, %dma_wait3A_109] : memref<10000x128xf32, #tpu.memory_space<vmem_shared>> -> memref<10000x128xf32, #tpu.memory_space<vmem_shared>>
      tpu.wait_indirect_dma semaphore(%arg10 : memref<!tpu.dma_semaphore, #tpu.memory_space<semaphore_mem>>) src(%dma_wait3A_110 : memref<10000x128xf32, #tpu.memory_space<vmem_shared>>) dst(%arg8 : memref<32x128xf32, #tpu.memory_space<vmem>>)
      %dma_start3A_111 = arith.constant 0 : i32
      %dma_start3A_112 = arith.constant 1 : i32
      %dma_start3A_113 = arith.constant 0 : i32
      %dma_start3A_114 = tpu.memref_slice %arg7[%dma_start3A_111, %dma_start3A_112, %dma_start3A_113] : memref<8x2x32xi32, #tpu.memory_space<vmem>> -> memref<1x1x32xi32, #tpu.memory_space<vmem>>
      %dma_start3A_115 = tpu.memref_squeeze %dma_start3A_114 : memref<1x1x32xi32, #tpu.memory_space<vmem>> -> memref<32xi32, #tpu.memory_space<vmem>>
      %dma_start3A_116 = arith.constant 0 : i32
      %dma_start3A_117 = arith.constant 0 : i32
      %dma_start3A_118 = tpu.memref_slice %arg6[%dma_start3A_116, %dma_start3A_117] : memref<5088x128xf32, #tpu.memory_space<vmem_shared>> -> memref<5088x128xf32, #tpu.memory_space<vmem_shared>>
      tpu.enqueue_indirect_dma source(%arg8 : memref<32x128xf32, #tpu.memory_space<vmem>>) target(%dma_start3A_118 : memref<5088x128xf32, #tpu.memory_space<vmem_shared>>) offsets(%dma_start3A_115 : memref<32xi32, #tpu.memory_space<vmem>>) semaphore(%arg12 : memref<!tpu.dma_semaphore, #tpu.memory_space<semaphore_mem>>) {add = true}
      %dma_start3A_119 = arith.constant 1 : i32
      %dma_start3A_120 = arith.constant 0 : i32
      %dma_start3A_121 = arith.constant 0 : i32
      %dma_start3A_122 = tpu.memref_slice %arg7[%dma_start3A_119, %dma_start3A_120, %dma_start3A_121] : memref<8x2x32xi32, #tpu.memory_space<vmem>> -> memref<1x1x32xi32, #tpu.memory_space<vmem>>
      %dma_start3A_123 = tpu.memref_squeeze %dma_start3A_122 : memref<1x1x32xi32, #tpu.memory_space<vmem>> -> memref<32xi32, #tpu.memory_space<vmem>>
      %dma_start3A_124 = arith.constant 0 : i32
      %dma_start3A_125 = arith.constant 0 : i32
      %dma_start3A_126 = tpu.memref_slice %arg5[%dma_start3A_124, %dma_start3A_125] : memref<10000x128xf32, #tpu.memory_space<vmem_shared>> -> memref<10000x128xf32, #tpu.memory_space<vmem_shared>>
      tpu.enqueue_indirect_dma source(%dma_start3A_126 : memref<10000x128xf32, #tpu.memory_space<vmem_shared>>) target(%arg9 : memref<32x128xf32, #tpu.memory_space<vmem>>) offsets(%dma_start3A_123 : memref<32xi32, #tpu.memory_space<vmem>>) semaphore(%arg11 : memref<!tpu.dma_semaphore, #tpu.memory_space<semaphore_mem>>)
      %dma_wait3A_127 = arith.constant 1 : i32
      %dma_wait3A_128 = arith.constant 0 : i32
      %dma_wait3A_129 = arith.constant 0 : i32
      %dma_wait3A_130 = tpu.memref_slice %arg7[%dma_wait3A_127, %dma_wait3A_128, %dma_wait3A_129] : memref<8x2x32xi32, #tpu.memory_space<vmem>> -> memref<1x1x32xi32, #tpu.memory_space<vmem>>
      %dma_wait3A_131 = tpu.memref_squeeze %dma_wait3A_130 : memref<1x1x32xi32, #tpu.memory_space<vmem>> -> memref<32xi32, #tpu.memory_space<vmem>>
      %dma_wait3A_132 = arith.constant 0 : i32
      %dma_wait3A_133 = arith.constant 0 : i32
      %dma_wait3A_134 = tpu.memref_slice %arg5[%dma_wait3A_132, %dma_wait3A_133] : memref<10000x128xf32, #tpu.memory_space<vmem_shared>> -> memref<10000x128xf32, #tpu.memory_space<vmem_shared>>
      tpu.wait_indirect_dma semaphore(%arg11 : memref<!tpu.dma_semaphore, #tpu.memory_space<semaphore_mem>>) src(%dma_wait3A_134 : memref<10000x128xf32, #tpu.memory_space<vmem_shared>>) dst(%arg9 : memref<32x128xf32, #tpu.memory_space<vmem>>)
      %dma_start3A_135 = arith.constant 1 : i32
      %dma_start3A_136 = arith.constant 1 : i32
      %dma_start3A_137 = arith.constant 0 : i32
      %dma_start3A_138 = tpu.memref_slice %arg7[%dma_start3A_135, %dma_start3A_136, %dma_start3A_137] : memref<8x2x32xi32, #tpu.memory_space<vmem>> -> memref<1x1x32xi32, #tpu.memory_space<vmem>>
      %dma_start3A_139 = tpu.memref_squeeze %dma_start3A_138 : memref<1x1x32xi32, #tpu.memory_space<vmem>> -> memref<32xi32, #tpu.memory_space<vmem>>
      %dma_start3A_140 = arith.constant 0 : i32
      %dma_start3A_141 = arith.constant 0 : i32
      %dma_start3A_142 = tpu.memref_slice %arg6[%dma_start3A_140, %dma_start3A_141] : memref<5088x128xf32, #tpu.memory_space<vmem_shared>> -> memref<5088x128xf32, #tpu.memory_space<vmem_shared>>
      tpu.enqueue_indirect_dma source(%arg9 : memref<32x128xf32, #tpu.memory_space<vmem>>) target(%dma_start3A_142 : memref<5088x128xf32, #tpu.memory_space<vmem_shared>>) offsets(%dma_start3A_139 : memref<32xi32, #tpu.memory_space<vmem>>) semaphore(%arg13 : memref<!tpu.dma_semaphore, #tpu.memory_space<semaphore_mem>>) {add = true}
      %dma_wait3A_143 = arith.constant 0 : i32
      %dma_wait3A_144 = arith.constant 1 : i32
      %dma_wait3A_145 = arith.constant 0 : i32
      %dma_wait3A_146 = tpu.memref_slice %arg7[%dma_wait3A_143, %dma_wait3A_144, %dma_wait3A_145] : memref<8x2x32xi32, #tpu.memory_space<vmem>> -> memref<1x1x32xi32, #tpu.memory_space<vmem>>
      %dma_wait3A_147 = tpu.memref_squeeze %dma_wait3A_146 : memref<1x1x32xi32, #tpu.memory_space<vmem>> -> memref<32xi32, #tpu.memory_space<vmem>>
      %dma_wait3A_148 = arith.constant 0 : i32
      %dma_wait3A_149 = arith.constant 0 : i32
      %dma_wait3A_150 = tpu.memref_slice %arg6[%dma_wait3A_148, %dma_wait3A_149] : memref<5088x128xf32, #tpu.memory_space<vmem_shared>> -> memref<5088x128xf32, #tpu.memory_space<vmem_shared>>
      tpu.wait_indirect_dma semaphore(%arg12 : memref<!tpu.dma_semaphore, #tpu.memory_space<semaphore_mem>>) src(%arg8 : memref<32x128xf32, #tpu.memory_space<vmem>>) dst(%dma_wait3A_150 : memref<5088x128xf32, #tpu.memory_space<vmem_shared>>)
      %dma_start3A_151 = arith.constant 2 : i32
      %dma_start3A_152 = arith.constant 0 : i32
      %dma_start3A_153 = arith.constant 0 : i32
      %dma_start3A_154 = tpu.memref_slice %arg7[%dma_start3A_151, %dma_start3A_152, %dma_start3A_153] : memref<8x2x32xi32, #tpu.memory_space<vmem>> -> memref<1x1x32xi32, #tpu.memory_space<vmem>>
      %dma_start3A_155 = tpu.memref_squeeze %dma_start3A_154 : memref<1x1x32xi32, #tpu.memory_space<vmem>> -> memref<32xi32, #tpu.memory_space<vmem>>
      %dma_start3A_156 = arith.constant 0 : i32
      %dma_start3A_157 = arith.constant 0 : i32
      %dma_start3A_158 = tpu.memref_slice %arg5[%dma_start3A_156, %dma_start3A_157] : memref<10000x128xf32, #tpu.memory_space<vmem_shared>> -> memref<10000x128xf32, #tpu.memory_space<vmem_shared>>
      tpu.enqueue_indirect_dma source(%dma_start3A_158 : memref<10000x128xf32, #tpu.memory_space<vmem_shared>>) target(%arg8 : memref<32x128xf32, #tpu.memory_space<vmem>>) offsets(%dma_start3A_155 : memref<32xi32, #tpu.memory_space<vmem>>) semaphore(%arg10 : memref<!tpu.dma_semaphore, #tpu.memory_space<semaphore_mem>>)
      %dma_wait3A_159 = arith.constant 2 : i32
      %dma_wait3A_160 = arith.constant 0 : i32
      %dma_wait3A_161 = arith.constant 0 : i32
      %dma_wait3A_162 = tpu.memref_slice %arg7[%dma_wait3A_159, %dma_wait3A_160, %dma_wait3A_161] : memref<8x2x32xi32, #tpu.memory_space<vmem>> -> memref<1x1x32xi32, #tpu.memory_space<vmem>>
      %dma_wait3A_163 = tpu.memref_squeeze %dma_wait3A_162 : memref<1x1x32xi32, #tpu.memory_space<vmem>> -> memref<32xi32, #tpu.memory_space<vmem>>
      %dma_wait3A_164 = arith.constant 0 : i32
      %dma_wait3A_165 = arith.constant 0 : i32
      %dma_wait3A_166 = tpu.memref_slice %arg5[%dma_wait3A_164, %dma_wait3A_165] : memref<10000x128xf32, #tpu.memory_space<vmem_shared>> -> memref<10000x128xf32, #tpu.memory_space<vmem_shared>>
      tpu.wait_indirect_dma semaphore(%arg10 : memref<!tpu.dma_semaphore, #tpu.memory_space<semaphore_mem>>) src(%dma_wait3A_166 : memref<10000x128xf32, #tpu.memory_space<vmem_shared>>) dst(%arg8 : memref<32x128xf32, #tpu.memory_space<vmem>>)
      %dma_start3A_167 = arith.constant 2 : i32
      %dma_start3A_168 = arith.constant 1 : i32
      %dma_start3A_169 = arith.constant 0 : i32
      %dma_start3A_170 = tpu.memref_slice %arg7[%dma_start3A_167, %dma_start3A_168, %dma_start3A_169] : memref<8x2x32xi32, #tpu.memory_space<vmem>> -> memref<1x1x32xi32, #tpu.memory_space<vmem>>
      %dma_start3A_171 = tpu.memref_squeeze %dma_start3A_170 : memref<1x1x32xi32, #tpu.memory_space<vmem>> -> memref<32xi32, #tpu.memory_space<vmem>>
      %dma_start3A_172 = arith.constant 0 : i32
      %dma_start3A_173 = arith.constant 0 : i32
      %dma_start3A_174 = tpu.memref_slice %arg6[%dma_start3A_172, %dma_start3A_173] : memref<5088x128xf32, #tpu.memory_space<vmem_shared>> -> memref<5088x128xf32, #tpu.memory_space<vmem_shared>>
      tpu.enqueue_indirect_dma source(%arg8 : memref<32x128xf32, #tpu.memory_space<vmem>>) target(%dma_start3A_174 : memref<5088x128xf32, #tpu.memory_space<vmem_shared>>) offsets(%dma_start3A_171 : memref<32xi32, #tpu.memory_space<vmem>>) semaphore(%arg12 : memref<!tpu.dma_semaphore, #tpu.memory_space<semaphore_mem>>) {add = true}
      %dma_wait3A_175 = arith.constant 1 : i32
      %dma_wait3A_176 = arith.constant 1 : i32
      %dma_wait3A_177 = arith.constant 0 : i32
      %dma_wait3A_178 = tpu.memref_slice %arg7[%dma_wait3A_175, %dma_wait3A_176, %dma_wait3A_177] : memref<8x2x32xi32, #tpu.memory_space<vmem>> -> memref<1x1x32xi32, #tpu.memory_space<vmem>>
      %dma_wait3A_179 = tpu.memref_squeeze %dma_wait3A_178 : memref<1x1x32xi32, #tpu.memory_space<vmem>> -> memref<32xi32, #tpu.memory_space<vmem>>
      %dma_wait3A_180 = arith.constant 0 : i32
      %dma_wait3A_181 = arith.constant 0 : i32
      %dma_wait3A_182 = tpu.memref_slice %arg6[%dma_wait3A_180, %dma_wait3A_181] : memref<5088x128xf32, #tpu.memory_space<vmem_shared>> -> memref<5088x128xf32, #tpu.memory_space<vmem_shared>>
      tpu.wait_indirect_dma semaphore(%arg13 : memref<!tpu.dma_semaphore, #tpu.memory_space<semaphore_mem>>) src(%arg9 : memref<32x128xf32, #tpu.memory_space<vmem>>) dst(%dma_wait3A_182 : memref<5088x128xf32, #tpu.memory_space<vmem_shared>>)
      %dma_start3A_183 = arith.constant 3 : i32
      %dma_start3A_184 = arith.constant 0 : i32
      %dma_start3A_185 = arith.constant 0 : i32
      %dma_start3A_186 = tpu.memref_slice %arg7[%dma_start3A_183, %dma_start3A_184, %dma_start3A_185] : memref<8x2x32xi32, #tpu.memory_space<vmem>> -> memref<1x1x32xi32, #tpu.memory_space<vmem>>
      %dma_start3A_187 = tpu.memref_squeeze %dma_start3A_186 : memref<1x1x32xi32, #tpu.memory_space<vmem>> -> memref<32xi32, #tpu.memory_space<vmem>>
      %dma_start3A_188 = arith.constant 0 : i32
      %dma_start3A_189 = arith.constant 0 : i32
      %dma_start3A_190 = tpu.memref_slice %arg5[%dma_start3A_188, %dma_start3A_189] : memref<10000x128xf32, #tpu.memory_space<vmem_shared>> -> memref<10000x128xf32, #tpu.memory_space<vmem_shared>>
      tpu.enqueue_indirect_dma source(%dma_start3A_190 : memref<10000x128xf32, #tpu.memory_space<vmem_shared>>) target(%arg9 : memref<32x128xf32, #tpu.memory_space<vmem>>) offsets(%dma_start3A_187 : memref<32xi32, #tpu.memory_space<vmem>>) semaphore(%arg11 : memref<!tpu.dma_semaphore, #tpu.memory_space<semaphore_mem>>)
      %dma_wait3A_191 = arith.constant 3 : i32
      %dma_wait3A_192 = arith.constant 0 : i32
      %dma_wait3A_193 = arith.constant 0 : i32
      %dma_wait3A_194 = tpu.memref_slice %arg7[%dma_wait3A_191, %dma_wait3A_192, %dma_wait3A_193] : memref<8x2x32xi32, #tpu.memory_space<vmem>> -> memref<1x1x32xi32, #tpu.memory_space<vmem>>
      %dma_wait3A_195 = tpu.memref_squeeze %dma_wait3A_194 : memref<1x1x32xi32, #tpu.memory_space<vmem>> -> memref<32xi32, #tpu.memory_space<vmem>>
      %dma_wait3A_196 = arith.constant 0 : i32
      %dma_wait3A_197 = arith.constant 0 : i32
      %dma_wait3A_198 = tpu.memref_slice %arg5[%dma_wait3A_196, %dma_wait3A_197] : memref<10000x128xf32, #tpu.memory_space<vmem_shared>> -> memref<10000x128xf32, #tpu.memory_space<vmem_shared>>
      tpu.wait_indirect_dma semaphore(%arg11 : memref<!tpu.dma_semaphore, #tpu.memory_space<semaphore_mem>>) src(%dma_wait3A_198 : memref<10000x128xf32, #tpu.memory_space<vmem_shared>>) dst(%arg9 : memref<32x128xf32, #tpu.memory_space<vmem>>)
      %dma_start3A_199 = arith.constant 3 : i32
      %dma_start3A_200 = arith.constant 1 : i32
      %dma_start3A_201 = arith.constant 0 : i32
      %dma_start3A_202 = tpu.memref_slice %arg7[%dma_start3A_199, %dma_start3A_200, %dma_start3A_201] : memref<8x2x32xi32, #tpu.memory_space<vmem>> -> memref<1x1x32xi32, #tpu.memory_space<vmem>>
      %dma_start3A_203 = tpu.memref_squeeze %dma_start3A_202 : memref<1x1x32xi32, #tpu.memory_space<vmem>> -> memref<32xi32, #tpu.memory_space<vmem>>
      %dma_start3A_204 = arith.constant 0 : i32
      %dma_start3A_205 = arith.constant 0 : i32
      %dma_start3A_206 = tpu.memref_slice %arg6[%dma_start3A_204, %dma_start3A_205] : memref<5088x128xf32, #tpu.memory_space<vmem_shared>> -> memref<5088x128xf32, #tpu.memory_space<vmem_shared>>
      tpu.enqueue_indirect_dma source(%arg9 : memref<32x128xf32, #tpu.memory_space<vmem>>) target(%dma_start3A_206 : memref<5088x128xf32, #tpu.memory_space<vmem_shared>>) offsets(%dma_start3A_203 : memref<32xi32, #tpu.memory_space<vmem>>) semaphore(%arg13 : memref<!tpu.dma_semaphore, #tpu.memory_space<semaphore_mem>>) {add = true}
      %dma_wait3A_207 = arith.constant 2 : i32
      %dma_wait3A_208 = arith.constant 1 : i32
      %dma_wait3A_209 = arith.constant 0 : i32
      %dma_wait3A_210 = tpu.memref_slice %arg7[%dma_wait3A_207, %dma_wait3A_208, %dma_wait3A_209] : memref<8x2x32xi32, #tpu.memory_space<vmem>> -> memref<1x1x32xi32, #tpu.memory_space<vmem>>
      %dma_wait3A_211 = tpu.memref_squeeze %dma_wait3A_210 : memref<1x1x32xi32, #tpu.memory_space<vmem>> -> memref<32xi32, #tpu.memory_space<vmem>>
      %dma_wait3A_212 = arith.constant 0 : i32
      %dma_wait3A_213 = arith.constant 0 : i32
      %dma_wait3A_214 = tpu.memref_slice %arg6[%dma_wait3A_212, %dma_wait3A_213] : memref<5088x128xf32, #tpu.memory_space<vmem_shared>> -> memref<5088x128xf32, #tpu.memory_space<vmem_shared>>
      tpu.wait_indirect_dma semaphore(%arg12 : memref<!tpu.dma_semaphore, #tpu.memory_space<semaphore_mem>>) src(%arg8 : memref<32x128xf32, #tpu.memory_space<vmem>>) dst(%dma_wait3A_214 : memref<5088x128xf32, #tpu.memory_space<vmem_shared>>)
      %dma_start3A_215 = arith.constant 4 : i32
      %dma_start3A_216 = arith.constant 0 : i32
      %dma_start3A_217 = arith.constant 0 : i32
      %dma_start3A_218 = tpu.memref_slice %arg7[%dma_start3A_215, %dma_start3A_216, %dma_start3A_217] : memref<8x2x32xi32, #tpu.memory_space<vmem>> -> memref<1x1x32xi32, #tpu.memory_space<vmem>>
      %dma_start3A_219 = tpu.memref_squeeze %dma_start3A_218 : memref<1x1x32xi32, #tpu.memory_space<vmem>> -> memref<32xi32, #tpu.memory_space<vmem>>
      %dma_start3A_220 = arith.constant 0 : i32
      %dma_start3A_221 = arith.constant 0 : i32
      %dma_start3A_222 = tpu.memref_slice %arg5[%dma_start3A_220, %dma_start3A_221] : memref<10000x128xf32, #tpu.memory_space<vmem_shared>> -> memref<10000x128xf32, #tpu.memory_space<vmem_shared>>
      tpu.enqueue_indirect_dma source(%dma_start3A_222 : memref<10000x128xf32, #tpu.memory_space<vmem_shared>>) target(%arg8 : memref<32x128xf32, #tpu.memory_space<vmem>>) offsets(%dma_start3A_219 : memref<32xi32, #tpu.memory_space<vmem>>) semaphore(%arg10 : memref<!tpu.dma_semaphore, #tpu.memory_space<semaphore_mem>>)
      %dma_wait3A_223 = arith.constant 4 : i32
      %dma_wait3A_224 = arith.constant 0 : i32
      %dma_wait3A_225 = arith.constant 0 : i32
      %dma_wait3A_226 = tpu.memref_slice %arg7[%dma_wait3A_223, %dma_wait3A_224, %dma_wait3A_225] : memref<8x2x32xi32, #tpu.memory_space<vmem>> -> memref<1x1x32xi32, #tpu.memory_space<vmem>>
      %dma_wait3A_227 = tpu.memref_squeeze %dma_wait3A_226 : memref<1x1x32xi32, #tpu.memory_space<vmem>> -> memref<32xi32, #tpu.memory_space<vmem>>
      %dma_wait3A_228 = arith.constant 0 : i32
      %dma_wait3A_229 = arith.constant 0 : i32
      %dma_wait3A_230 = tpu.memref_slice %arg5[%dma_wait3A_228, %dma_wait3A_229] : memref<10000x128xf32, #tpu.memory_space<vmem_shared>> -> memref<10000x128xf32, #tpu.memory_space<vmem_shared>>
      tpu.wait_indirect_dma semaphore(%arg10 : memref<!tpu.dma_semaphore, #tpu.memory_space<semaphore_mem>>) src(%dma_wait3A_230 : memref<10000x128xf32, #tpu.memory_space<vmem_shared>>) dst(%arg8 : memref<32x128xf32, #tpu.memory_space<vmem>>)
      %dma_start3A_231 = arith.constant 4 : i32
      %dma_start3A_232 = arith.constant 1 : i32
      %dma_start3A_233 = arith.constant 0 : i32
      %dma_start3A_234 = tpu.memref_slice %arg7[%dma_start3A_231, %dma_start3A_232, %dma_start3A_233] : memref<8x2x32xi32, #tpu.memory_space<vmem>> -> memref<1x1x32xi32, #tpu.memory_space<vmem>>
      %dma_start3A_235 = tpu.memref_squeeze %dma_start3A_234 : memref<1x1x32xi32, #tpu.memory_space<vmem>> -> memref<32xi32, #tpu.memory_space<vmem>>
      %dma_start3A_236 = arith.constant 0 : i32
      %dma_start3A_237 = arith.constant 0 : i32
      %dma_start3A_238 = tpu.memref_slice %arg6[%dma_start3A_236, %dma_start3A_237] : memref<5088x128xf32, #tpu.memory_space<vmem_shared>> -> memref<5088x128xf32, #tpu.memory_space<vmem_shared>>
      tpu.enqueue_indirect_dma source(%arg8 : memref<32x128xf32, #tpu.memory_space<vmem>>) target(%dma_start3A_238 : memref<5088x128xf32, #tpu.memory_space<vmem_shared>>) offsets(%dma_start3A_235 : memref<32xi32, #tpu.memory_space<vmem>>) semaphore(%arg12 : memref<!tpu.dma_semaphore, #tpu.memory_space<semaphore_mem>>) {add = true}
      %dma_wait3A_239 = arith.constant 3 : i32
      %dma_wait3A_240 = arith.constant 1 : i32
      %dma_wait3A_241 = arith.constant 0 : i32
      %dma_wait3A_242 = tpu.memref_slice %arg7[%dma_wait3A_239, %dma_wait3A_240, %dma_wait3A_241] : memref<8x2x32xi32, #tpu.memory_space<vmem>> -> memref<1x1x32xi32, #tpu.memory_space<vmem>>
      %dma_wait3A_243 = tpu.memref_squeeze %dma_wait3A_242 : memref<1x1x32xi32, #tpu.memory_space<vmem>> -> memref<32xi32, #tpu.memory_space<vmem>>
      %dma_wait3A_244 = arith.constant 0 : i32
      %dma_wait3A_245 = arith.constant 0 : i32
      %dma_wait3A_246 = tpu.memref_slice %arg6[%dma_wait3A_244, %dma_wait3A_245] : memref<5088x128xf32, #tpu.memory_space<vmem_shared>> -> memref<5088x128xf32, #tpu.memory_space<vmem_shared>>
      tpu.wait_indirect_dma semaphore(%arg13 : memref<!tpu.dma_semaphore, #tpu.memory_space<semaphore_mem>>) src(%arg9 : memref<32x128xf32, #tpu.memory_space<vmem>>) dst(%dma_wait3A_246 : memref<5088x128xf32, #tpu.memory_space<vmem_shared>>)
      %dma_start3A_247 = arith.constant 5 : i32
      %dma_start3A_248 = arith.constant 0 : i32
      %dma_start3A_249 = arith.constant 0 : i32
      %dma_start3A_250 = tpu.memref_slice %arg7[%dma_start3A_247, %dma_start3A_248, %dma_start3A_249] : memref<8x2x32xi32, #tpu.memory_space<vmem>> -> memref<1x1x32xi32, #tpu.memory_space<vmem>>
      %dma_start3A_251 = tpu.memref_squeeze %dma_start3A_250 : memref<1x1x32xi32, #tpu.memory_space<vmem>> -> memref<32xi32, #tpu.memory_space<vmem>>
      %dma_start3A_252 = arith.constant 0 : i32
      %dma_start3A_253 = arith.constant 0 : i32
      %dma_start3A_254 = tpu.memref_slice %arg5[%dma_start3A_252, %dma_start3A_253] : memref<10000x128xf32, #tpu.memory_space<vmem_shared>> -> memref<10000x128xf32, #tpu.memory_space<vmem_shared>>
      tpu.enqueue_indirect_dma source(%dma_start3A_254 : memref<10000x128xf32, #tpu.memory_space<vmem_shared>>) target(%arg9 : memref<32x128xf32, #tpu.memory_space<vmem>>) offsets(%dma_start3A_251 : memref<32xi32, #tpu.memory_space<vmem>>) semaphore(%arg11 : memref<!tpu.dma_semaphore, #tpu.memory_space<semaphore_mem>>)
      %dma_wait3A_255 = arith.constant 5 : i32
      %dma_wait3A_256 = arith.constant 0 : i32
      %dma_wait3A_257 = arith.constant 0 : i32
      %dma_wait3A_258 = tpu.memref_slice %arg7[%dma_wait3A_255, %dma_wait3A_256, %dma_wait3A_257] : memref<8x2x32xi32, #tpu.memory_space<vmem>> -> memref<1x1x32xi32, #tpu.memory_space<vmem>>
      %dma_wait3A_259 = tpu.memref_squeeze %dma_wait3A_258 : memref<1x1x32xi32, #tpu.memory_space<vmem>> -> memref<32xi32, #tpu.memory_space<vmem>>
      %dma_wait3A_260 = arith.constant 0 : i32
      %dma_wait3A_261 = arith.constant 0 : i32
      %dma_wait3A_262 = tpu.memref_slice %arg5[%dma_wait3A_260, %dma_wait3A_261] : memref<10000x128xf32, #tpu.memory_space<vmem_shared>> -> memref<10000x128xf32, #tpu.memory_space<vmem_shared>>
      tpu.wait_indirect_dma semaphore(%arg11 : memref<!tpu.dma_semaphore, #tpu.memory_space<semaphore_mem>>) src(%dma_wait3A_262 : memref<10000x128xf32, #tpu.memory_space<vmem_shared>>) dst(%arg9 : memref<32x128xf32, #tpu.memory_space<vmem>>)
      %dma_start3A_263 = arith.constant 5 : i32
      %dma_start3A_264 = arith.constant 1 : i32
      %dma_start3A_265 = arith.constant 0 : i32
      %dma_start3A_266 = tpu.memref_slice %arg7[%dma_start3A_263, %dma_start3A_264, %dma_start3A_265] : memref<8x2x32xi32, #tpu.memory_space<vmem>> -> memref<1x1x32xi32, #tpu.memory_space<vmem>>
      %dma_start3A_267 = tpu.memref_squeeze %dma_start3A_266 : memref<1x1x32xi32, #tpu.memory_space<vmem>> -> memref<32xi32, #tpu.memory_space<vmem>>
      %dma_start3A_268 = arith.constant 0 : i32
      %dma_start3A_269 = arith.constant 0 : i32
      %dma_start3A_270 = tpu.memref_slice %arg6[%dma_start3A_268, %dma_start3A_269] : memref<5088x128xf32, #tpu.memory_space<vmem_shared>> -> memref<5088x128xf32, #tpu.memory_space<vmem_shared>>
      tpu.enqueue_indirect_dma source(%arg9 : memref<32x128xf32, #tpu.memory_space<vmem>>) target(%dma_start3A_270 : memref<5088x128xf32, #tpu.memory_space<vmem_shared>>) offsets(%dma_start3A_267 : memref<32xi32, #tpu.memory_space<vmem>>) semaphore(%arg13 : memref<!tpu.dma_semaphore, #tpu.memory_space<semaphore_mem>>) {add = true}
      %dma_wait3A_271 = arith.constant 4 : i32
      %dma_wait3A_272 = arith.constant 1 : i32
      %dma_wait3A_273 = arith.constant 0 : i32
      %dma_wait3A_274 = tpu.memref_slice %arg7[%dma_wait3A_271, %dma_wait3A_272, %dma_wait3A_273] : memref<8x2x32xi32, #tpu.memory_space<vmem>> -> memref<1x1x32xi32, #tpu.memory_space<vmem>>
      %dma_wait3A_275 = tpu.memref_squeeze %dma_wait3A_274 : memref<1x1x32xi32, #tpu.memory_space<vmem>> -> memref<32xi32, #tpu.memory_space<vmem>>
      %dma_wait3A_276 = arith.constant 0 : i32
      %dma_wait3A_277 = arith.constant 0 : i32
      %dma_wait3A_278 = tpu.memref_slice %arg6[%dma_wait3A_276, %dma_wait3A_277] : memref<5088x128xf32, #tpu.memory_space<vmem_shared>> -> memref<5088x128xf32, #tpu.memory_space<vmem_shared>>
      tpu.wait_indirect_dma semaphore(%arg12 : memref<!tpu.dma_semaphore, #tpu.memory_space<semaphore_mem>>) src(%arg8 : memref<32x128xf32, #tpu.memory_space<vmem>>) dst(%dma_wait3A_278 : memref<5088x128xf32, #tpu.memory_space<vmem_shared>>)
      %dma_start3A_279 = arith.constant 6 : i32
      %dma_start3A_280 = arith.constant 0 : i32
      %dma_start3A_281 = arith.constant 0 : i32
      %dma_start3A_282 = tpu.memref_slice %arg7[%dma_start3A_279, %dma_start3A_280, %dma_start3A_281] : memref<8x2x32xi32, #tpu.memory_space<vmem>> -> memref<1x1x32xi32, #tpu.memory_space<vmem>>
      %dma_start3A_283 = tpu.memref_squeeze %dma_start3A_282 : memref<1x1x32xi32, #tpu.memory_space<vmem>> -> memref<32xi32, #tpu.memory_space<vmem>>
      %dma_start3A_284 = arith.constant 0 : i32
      %dma_start3A_285 = arith.constant 0 : i32
      %dma_start3A_286 = tpu.memref_slice %arg5[%dma_start3A_284, %dma_start3A_285] : memref<10000x128xf32, #tpu.memory_space<vmem_shared>> -> memref<10000x128xf32, #tpu.memory_space<vmem_shared>>
      tpu.enqueue_indirect_dma source(%dma_start3A_286 : memref<10000x128xf32, #tpu.memory_space<vmem_shared>>) target(%arg8 : memref<32x128xf32, #tpu.memory_space<vmem>>) offsets(%dma_start3A_283 : memref<32xi32, #tpu.memory_space<vmem>>) semaphore(%arg10 : memref<!tpu.dma_semaphore, #tpu.memory_space<semaphore_mem>>)
      %dma_wait3A_287 = arith.constant 6 : i32
      %dma_wait3A_288 = arith.constant 0 : i32
      %dma_wait3A_289 = arith.constant 0 : i32
      %dma_wait3A_290 = tpu.memref_slice %arg7[%dma_wait3A_287, %dma_wait3A_288, %dma_wait3A_289] : memref<8x2x32xi32, #tpu.memory_space<vmem>> -> memref<1x1x32xi32, #tpu.memory_space<vmem>>
      %dma_wait3A_291 = tpu.memref_squeeze %dma_wait3A_290 : memref<1x1x32xi32, #tpu.memory_space<vmem>> -> memref<32xi32, #tpu.memory_space<vmem>>
      %dma_wait3A_292 = arith.constant 0 : i32
      %dma_wait3A_293 = arith.constant 0 : i32
      %dma_wait3A_294 = tpu.memref_slice %arg5[%dma_wait3A_292, %dma_wait3A_293] : memref<10000x128xf32, #tpu.memory_space<vmem_shared>> -> memref<10000x128xf32, #tpu.memory_space<vmem_shared>>
      tpu.wait_indirect_dma semaphore(%arg10 : memref<!tpu.dma_semaphore, #tpu.memory_space<semaphore_mem>>) src(%dma_wait3A_294 : memref<10000x128xf32, #tpu.memory_space<vmem_shared>>) dst(%arg8 : memref<32x128xf32, #tpu.memory_space<vmem>>)
      %dma_start3A_295 = arith.constant 6 : i32
      %dma_start3A_296 = arith.constant 1 : i32
      %dma_start3A_297 = arith.constant 0 : i32
      %dma_start3A_298 = tpu.memref_slice %arg7[%dma_start3A_295, %dma_start3A_296, %dma_start3A_297] : memref<8x2x32xi32, #tpu.memory_space<vmem>> -> memref<1x1x32xi32, #tpu.memory_space<vmem>>
      %dma_start3A_299 = tpu.memref_squeeze %dma_start3A_298 : memref<1x1x32xi32, #tpu.memory_space<vmem>> -> memref<32xi32, #tpu.memory_space<vmem>>
      %dma_start3A_300 = arith.constant 0 : i32
      %dma_start3A_301 = arith.constant 0 : i32
      %dma_start3A_302 = tpu.memref_slice %arg6[%dma_start3A_300, %dma_start3A_301] : memref<5088x128xf32, #tpu.memory_space<vmem_shared>> -> memref<5088x128xf32, #tpu.memory_space<vmem_shared>>
      tpu.enqueue_indirect_dma source(%arg8 : memref<32x128xf32, #tpu.memory_space<vmem>>) target(%dma_start3A_302 : memref<5088x128xf32, #tpu.memory_space<vmem_shared>>) offsets(%dma_start3A_299 : memref<32xi32, #tpu.memory_space<vmem>>) semaphore(%arg12 : memref<!tpu.dma_semaphore, #tpu.memory_space<semaphore_mem>>) {add = true}
      %dma_wait3A_303 = arith.constant 5 : i32
      %dma_wait3A_304 = arith.constant 1 : i32
      %dma_wait3A_305 = arith.constant 0 : i32
      %dma_wait3A_306 = tpu.memref_slice %arg7[%dma_wait3A_303, %dma_wait3A_304, %dma_wait3A_305] : memref<8x2x32xi32, #tpu.memory_space<vmem>> -> memref<1x1x32xi32, #tpu.memory_space<vmem>>
      %dma_wait3A_307 = tpu.memref_squeeze %dma_wait3A_306 : memref<1x1x32xi32, #tpu.memory_space<vmem>> -> memref<32xi32, #tpu.memory_space<vmem>>
      %dma_wait3A_308 = arith.constant 0 : i32
      %dma_wait3A_309 = arith.constant 0 : i32
      %dma_wait3A_310 = tpu.memref_slice %arg6[%dma_wait3A_308, %dma_wait3A_309] : memref<5088x128xf32, #tpu.memory_space<vmem_shared>> -> memref<5088x128xf32, #tpu.memory_space<vmem_shared>>
      tpu.wait_indirect_dma semaphore(%arg13 : memref<!tpu.dma_semaphore, #tpu.memory_space<semaphore_mem>>) src(%arg9 : memref<32x128xf32, #tpu.memory_space<vmem>>) dst(%dma_wait3A_310 : memref<5088x128xf32, #tpu.memory_space<vmem_shared>>)
      %dma_start3A_311 = arith.constant 7 : i32
      %dma_start3A_312 = arith.constant 0 : i32
      %dma_start3A_313 = arith.constant 0 : i32
      %dma_start3A_314 = tpu.memref_slice %arg7[%dma_start3A_311, %dma_start3A_312, %dma_start3A_313] : memref<8x2x32xi32, #tpu.memory_space<vmem>> -> memref<1x1x32xi32, #tpu.memory_space<vmem>>
      %dma_start3A_315 = tpu.memref_squeeze %dma_start3A_314 : memref<1x1x32xi32, #tpu.memory_space<vmem>> -> memref<32xi32, #tpu.memory_space<vmem>>
      %dma_start3A_316 = arith.constant 0 : i32
      %dma_start3A_317 = arith.constant 0 : i32
      %dma_start3A_318 = tpu.memref_slice %arg5[%dma_start3A_316, %dma_start3A_317] : memref<10000x128xf32, #tpu.memory_space<vmem_shared>> -> memref<10000x128xf32, #tpu.memory_space<vmem_shared>>
      tpu.enqueue_indirect_dma source(%dma_start3A_318 : memref<10000x128xf32, #tpu.memory_space<vmem_shared>>) target(%arg9 : memref<32x128xf32, #tpu.memory_space<vmem>>) offsets(%dma_start3A_315 : memref<32xi32, #tpu.memory_space<vmem>>) semaphore(%arg11 : memref<!tpu.dma_semaphore, #tpu.memory_space<semaphore_mem>>)
      %dma_wait3A_319 = arith.constant 7 : i32
      %dma_wait3A_320 = arith.constant 0 : i32
      %dma_wait3A_321 = arith.constant 0 : i32
      %dma_wait3A_322 = tpu.memref_slice %arg7[%dma_wait3A_319, %dma_wait3A_320, %dma_wait3A_321] : memref<8x2x32xi32, #tpu.memory_space<vmem>> -> memref<1x1x32xi32, #tpu.memory_space<vmem>>
      %dma_wait3A_323 = tpu.memref_squeeze %dma_wait3A_322 : memref<1x1x32xi32, #tpu.memory_space<vmem>> -> memref<32xi32, #tpu.memory_space<vmem>>
      %dma_wait3A_324 = arith.constant 0 : i32
      %dma_wait3A_325 = arith.constant 0 : i32
      %dma_wait3A_326 = tpu.memref_slice %arg5[%dma_wait3A_324, %dma_wait3A_325] : memref<10000x128xf32, #tpu.memory_space<vmem_shared>> -> memref<10000x128xf32, #tpu.memory_space<vmem_shared>>
      tpu.wait_indirect_dma semaphore(%arg11 : memref<!tpu.dma_semaphore, #tpu.memory_space<semaphore_mem>>) src(%dma_wait3A_326 : memref<10000x128xf32, #tpu.memory_space<vmem_shared>>) dst(%arg9 : memref<32x128xf32, #tpu.memory_space<vmem>>)
      %dma_start3A_327 = arith.constant 7 : i32
      %dma_start3A_328 = arith.constant 1 : i32
      %dma_start3A_329 = arith.constant 0 : i32
      %dma_start3A_330 = tpu.memref_slice %arg7[%dma_start3A_327, %dma_start3A_328, %dma_start3A_329] : memref<8x2x32xi32, #tpu.memory_space<vmem>> -> memref<1x1x32xi32, #tpu.memory_space<vmem>>
      %dma_start3A_331 = tpu.memref_squeeze %dma_start3A_330 : memref<1x1x32xi32, #tpu.memory_space<vmem>> -> memref<32xi32, #tpu.memory_space<vmem>>
      %dma_start3A_332 = arith.constant 0 : i32
      %dma_start3A_333 = arith.constant 0 : i32
      %dma_start3A_334 = tpu.memref_slice %arg6[%dma_start3A_332, %dma_start3A_333] : memref<5088x128xf32, #tpu.memory_space<vmem_shared>> -> memref<5088x128xf32, #tpu.memory_space<vmem_shared>>
      tpu.enqueue_indirect_dma source(%arg9 : memref<32x128xf32, #tpu.memory_space<vmem>>) target(%dma_start3A_334 : memref<5088x128xf32, #tpu.memory_space<vmem_shared>>) offsets(%dma_start3A_331 : memref<32xi32, #tpu.memory_space<vmem>>) semaphore(%arg13 : memref<!tpu.dma_semaphore, #tpu.memory_space<semaphore_mem>>) {add = true}
      %dma_wait3A_335 = arith.constant 6 : i32
      %dma_wait3A_336 = arith.constant 1 : i32
      %dma_wait3A_337 = arith.constant 0 : i32
      %dma_wait3A_338 = tpu.memref_slice %arg7[%dma_wait3A_335, %dma_wait3A_336, %dma_wait3A_337] : memref<8x2x32xi32, #tpu.memory_space<vmem>> -> memref<1x1x32xi32, #tpu.memory_space<vmem>>
      %dma_wait3A_339 = tpu.memref_squeeze %dma_wait3A_338 : memref<1x1x32xi32, #tpu.memory_space<vmem>> -> memref<32xi32, #tpu.memory_space<vmem>>
      %dma_wait3A_340 = arith.constant 0 : i32
      %dma_wait3A_341 = arith.constant 0 : i32
      %dma_wait3A_342 = tpu.memref_slice %arg6[%dma_wait3A_340, %dma_wait3A_341] : memref<5088x128xf32, #tpu.memory_space<vmem_shared>> -> memref<5088x128xf32, #tpu.memory_space<vmem_shared>>
      tpu.wait_indirect_dma semaphore(%arg12 : memref<!tpu.dma_semaphore, #tpu.memory_space<semaphore_mem>>) src(%arg8 : memref<32x128xf32, #tpu.memory_space<vmem>>) dst(%dma_wait3A_342 : memref<5088x128xf32, #tpu.memory_space<vmem_shared>>)
      %dma_wait3A_343 = arith.constant 7 : i32
      %dma_wait3A_344 = arith.constant 1 : i32
      %dma_wait3A_345 = arith.constant 0 : i32
      %dma_wait3A_346 = tpu.memref_slice %arg7[%dma_wait3A_343, %dma_wait3A_344, %dma_wait3A_345] : memref<8x2x32xi32, #tpu.memory_space<vmem>> -> memref<1x1x32xi32, #tpu.memory_space<vmem>>
      %dma_wait3A_347 = tpu.memref_squeeze %dma_wait3A_346 : memref<1x1x32xi32, #tpu.memory_space<vmem>> -> memref<32xi32, #tpu.memory_space<vmem>>
      %dma_wait3A_348 = arith.constant 0 : i32
      %dma_wait3A_349 = arith.constant 0 : i32
      %dma_wait3A_350 = tpu.memref_slice %arg6[%dma_wait3A_348, %dma_wait3A_349] : memref<5088x128xf32, #tpu.memory_space<vmem_shared>> -> memref<5088x128xf32, #tpu.memory_space<vmem_shared>>
      tpu.wait_indirect_dma semaphore(%arg13 : memref<!tpu.dma_semaphore, #tpu.memory_space<semaphore_mem>>) src(%arg9 : memref<32x128xf32, #tpu.memory_space<vmem>>) dst(%dma_wait3A_350 : memref<5088x128xf32, #tpu.memory_space<vmem_shared>>)
    }
    %scan3A_48 = arith.constant 80 : i32
    %barrier3A_49 = arith.constant 0 : index
    tpu.barrier barrier_id(%barrier3A_49)
    %add3A_50 = arith.constant 0 : i32
    %add3A_51 = arith.addi %mul3A_6, %add3A_50 : i32
    %add3A_52 = arith.constant 0 : i32
    %add3A_53 = arith.addi %mul3A_6, %add3A_52 : i32
    "tpu.region"() ({
      %run_scoped3A = tpu.sem_alloc : memref<!tpu.dma_semaphore, #tpu.memory_space<semaphore_mem>>
      %dma_start3A = arith.constant 0 : i32
      %dma_start3A_91 = tpu.memref_slice %arg4[%arg0, %add3A_53, %dma_start3A] : memref<2x5088x128xf32, #tpu.memory_space<hbm>> -> memref<1x32x128xf32, #tpu.memory_space<hbm>>
      %dma_start3A_92 = tpu.memref_squeeze %dma_start3A_91 : memref<1x32x128xf32, #tpu.memory_space<hbm>> -> memref<32x128xf32, #tpu.memory_space<hbm>>
      %dma_start3A_93 = arith.constant 0 : i32
      %dma_start3A_94 = tpu.memref_slice %arg6[%add3A_51, %dma_start3A_93] : memref<5088x128xf32, #tpu.memory_space<vmem_shared>> -> memref<32x128xf32, #tpu.memory_space<vmem_shared>>
      tpu.enqueue_dma source(%dma_start3A_94 : memref<32x128xf32, #tpu.memory_space<vmem_shared>>) target(%dma_start3A_92 : memref<32x128xf32, #tpu.memory_space<hbm>>) target_semaphore(%run_scoped3A : memref<!tpu.dma_semaphore, #tpu.memory_space<semaphore_mem>>)
      %dma_wait3A = arith.constant 0 : i32
      %dma_wait3A_95 = tpu.memref_slice %arg4[%arg0, %add3A_53, %dma_wait3A] : memref<2x5088x128xf32, #tpu.memory_space<hbm>> -> memref<1x32x128xf32, #tpu.memory_space<hbm>>
      %dma_wait3A_96 = tpu.memref_squeeze %dma_wait3A_95 : memref<1x32x128xf32, #tpu.memory_space<hbm>> -> memref<32x128xf32, #tpu.memory_space<hbm>>
      %dma_wait3A_97 = arith.constant 0 : i32
      %dma_wait3A_98 = tpu.memref_slice %arg6[%add3A_51, %dma_wait3A_97] : memref<5088x128xf32, #tpu.memory_space<vmem_shared>> -> memref<32x128xf32, #tpu.memory_space<vmem_shared>>
      tpu.wait_dma2 semaphore(%run_scoped3A : memref<!tpu.dma_semaphore, #tpu.memory_space<semaphore_mem>>) src(%dma_wait3A_98 : memref<32x128xf32, #tpu.memory_space<vmem_shared>>) dst(%dma_wait3A_96 : memref<32x128xf32, #tpu.memory_space<hbm>>)
      tpu.yield
    }) : () -> ()
    %add3A_54 = arith.constant 32 : i32
    %add3A_55 = arith.addi %mul3A_6, %add3A_54 : i32
    %add3A_56 = arith.constant 32 : i32
    %add3A_57 = arith.addi %mul3A_6, %add3A_56 : i32
    "tpu.region"() ({
      %run_scoped3A = tpu.sem_alloc : memref<!tpu.dma_semaphore, #tpu.memory_space<semaphore_mem>>
      %dma_start3A = arith.constant 0 : i32
      %dma_start3A_91 = tpu.memref_slice %arg4[%arg0, %add3A_57, %dma_start3A] : memref<2x5088x128xf32, #tpu.memory_space<hbm>> -> memref<1x32x128xf32, #tpu.memory_space<hbm>>
      %dma_start3A_92 = tpu.memref_squeeze %dma_start3A_91 : memref<1x32x128xf32, #tpu.memory_space<hbm>> -> memref<32x128xf32, #tpu.memory_space<hbm>>
      %dma_start3A_93 = arith.constant 0 : i32
      %dma_start3A_94 = tpu.memref_slice %arg6[%add3A_55, %dma_start3A_93] : memref<5088x128xf32, #tpu.memory_space<vmem_shared>> -> memref<32x128xf32, #tpu.memory_space<vmem_shared>>
      tpu.enqueue_dma source(%dma_start3A_94 : memref<32x128xf32, #tpu.memory_space<vmem_shared>>) target(%dma_start3A_92 : memref<32x128xf32, #tpu.memory_space<hbm>>) target_semaphore(%run_scoped3A : memref<!tpu.dma_semaphore, #tpu.memory_space<semaphore_mem>>)
      %dma_wait3A = arith.constant 0 : i32
      %dma_wait3A_95 = tpu.memref_slice %arg4[%arg0, %add3A_57, %dma_wait3A] : memref<2x5088x128xf32, #tpu.memory_space<hbm>> -> memref<1x32x128xf32, #tpu.memory_space<hbm>>
      %dma_wait3A_96 = tpu.memref_squeeze %dma_wait3A_95 : memref<1x32x128xf32, #tpu.memory_space<hbm>> -> memref<32x128xf32, #tpu.memory_space<hbm>>
      %dma_wait3A_97 = arith.constant 0 : i32
      %dma_wait3A_98 = tpu.memref_slice %arg6[%add3A_55, %dma_wait3A_97] : memref<5088x128xf32, #tpu.memory_space<vmem_shared>> -> memref<32x128xf32, #tpu.memory_space<vmem_shared>>
      tpu.wait_dma2 semaphore(%run_scoped3A : memref<!tpu.dma_semaphore, #tpu.memory_space<semaphore_mem>>) src(%dma_wait3A_98 : memref<32x128xf32, #tpu.memory_space<vmem_shared>>) dst(%dma_wait3A_96 : memref<32x128xf32, #tpu.memory_space<hbm>>)
      tpu.yield
    }) : () -> ()
    %add3A_58 = arith.constant 64 : i32
    %add3A_59 = arith.addi %mul3A_6, %add3A_58 : i32
    %add3A_60 = arith.constant 64 : i32
    %add3A_61 = arith.addi %mul3A_6, %add3A_60 : i32
    "tpu.region"() ({
      %run_scoped3A = tpu.sem_alloc : memref<!tpu.dma_semaphore, #tpu.memory_space<semaphore_mem>>
      %dma_start3A = arith.constant 0 : i32
      %dma_start3A_91 = tpu.memref_slice %arg4[%arg0, %add3A_61, %dma_start3A] : memref<2x5088x128xf32, #tpu.memory_space<hbm>> -> memref<1x32x128xf32, #tpu.memory_space<hbm>>
      %dma_start3A_92 = tpu.memref_squeeze %dma_start3A_91 : memref<1x32x128xf32, #tpu.memory_space<hbm>> -> memref<32x128xf32, #tpu.memory_space<hbm>>
      %dma_start3A_93 = arith.constant 0 : i32
      %dma_start3A_94 = tpu.memref_slice %arg6[%add3A_59, %dma_start3A_93] : memref<5088x128xf32, #tpu.memory_space<vmem_shared>> -> memref<32x128xf32, #tpu.memory_space<vmem_shared>>
      tpu.enqueue_dma source(%dma_start3A_94 : memref<32x128xf32, #tpu.memory_space<vmem_shared>>) target(%dma_start3A_92 : memref<32x128xf32, #tpu.memory_space<hbm>>) target_semaphore(%run_scoped3A : memref<!tpu.dma_semaphore, #tpu.memory_space<semaphore_mem>>)
      %dma_wait3A = arith.constant 0 : i32
      %dma_wait3A_95 = tpu.memref_slice %arg4[%arg0, %add3A_61, %dma_wait3A] : memref<2x5088x128xf32, #tpu.memory_space<hbm>> -> memref<1x32x128xf32, #tpu.memory_space<hbm>>
      %dma_wait3A_96 = tpu.memref_squeeze %dma_wait3A_95 : memref<1x32x128xf32, #tpu.memory_space<hbm>> -> memref<32x128xf32, #tpu.memory_space<hbm>>
      %dma_wait3A_97 = arith.constant 0 : i32
      %dma_wait3A_98 = tpu.memref_slice %arg6[%add3A_59, %dma_wait3A_97] : memref<5088x128xf32, #tpu.memory_space<vmem_shared>> -> memref<32x128xf32, #tpu.memory_space<vmem_shared>>
      tpu.wait_dma2 semaphore(%run_scoped3A : memref<!tpu.dma_semaphore, #tpu.memory_space<semaphore_mem>>) src(%dma_wait3A_98 : memref<32x128xf32, #tpu.memory_space<vmem_shared>>) dst(%dma_wait3A_96 : memref<32x128xf32, #tpu.memory_space<hbm>>)
      tpu.yield
    }) : () -> ()
    %add3A_62 = arith.constant 96 : i32
    %add3A_63 = arith.addi %mul3A_6, %add3A_62 : i32
    %add3A_64 = arith.constant 96 : i32
    %add3A_65 = arith.addi %mul3A_6, %add3A_64 : i32
    "tpu.region"() ({
      %run_scoped3A = tpu.sem_alloc : memref<!tpu.dma_semaphore, #tpu.memory_space<semaphore_mem>>
      %dma_start3A = arith.constant 0 : i32
      %dma_start3A_91 = tpu.memref_slice %arg4[%arg0, %add3A_65, %dma_start3A] : memref<2x5088x128xf32, #tpu.memory_space<hbm>> -> memref<1x32x128xf32, #tpu.memory_space<hbm>>
      %dma_start3A_92 = tpu.memref_squeeze %dma_start3A_91 : memref<1x32x128xf32, #tpu.memory_space<hbm>> -> memref<32x128xf32, #tpu.memory_space<hbm>>
      %dma_start3A_93 = arith.constant 0 : i32
      %dma_start3A_94 = tpu.memref_slice %arg6[%add3A_63, %dma_start3A_93] : memref<5088x128xf32, #tpu.memory_space<vmem_shared>> -> memref<32x128xf32, #tpu.memory_space<vmem_shared>>
      tpu.enqueue_dma source(%dma_start3A_94 : memref<32x128xf32, #tpu.memory_space<vmem_shared>>) target(%dma_start3A_92 : memref<32x128xf32, #tpu.memory_space<hbm>>) target_semaphore(%run_scoped3A : memref<!tpu.dma_semaphore, #tpu.memory_space<semaphore_mem>>)
      %dma_wait3A = arith.constant 0 : i32
      %dma_wait3A_95 = tpu.memref_slice %arg4[%arg0, %add3A_65, %dma_wait3A] : memref<2x5088x128xf32, #tpu.memory_space<hbm>> -> memref<1x32x128xf32, #tpu.memory_space<hbm>>
      %dma_wait3A_96 = tpu.memref_squeeze %dma_wait3A_95 : memref<1x32x128xf32, #tpu.memory_space<hbm>> -> memref<32x128xf32, #tpu.memory_space<hbm>>
      %dma_wait3A_97 = arith.constant 0 : i32
      %dma_wait3A_98 = tpu.memref_slice %arg6[%add3A_63, %dma_wait3A_97] : memref<5088x128xf32, #tpu.memory_space<vmem_shared>> -> memref<32x128xf32, #tpu.memory_space<vmem_shared>>
      tpu.wait_dma2 semaphore(%run_scoped3A : memref<!tpu.dma_semaphore, #tpu.memory_space<semaphore_mem>>) src(%dma_wait3A_98 : memref<32x128xf32, #tpu.memory_space<vmem_shared>>) dst(%dma_wait3A_96 : memref<32x128xf32, #tpu.memory_space<hbm>>)
      tpu.yield
    }) : () -> ()
    %add3A_66 = arith.constant 128 : i32
    %add3A_67 = arith.addi %mul3A_6, %add3A_66 : i32
    %add3A_68 = arith.constant 128 : i32
    %add3A_69 = arith.addi %mul3A_6, %add3A_68 : i32
    "tpu.region"() ({
      %run_scoped3A = tpu.sem_alloc : memref<!tpu.dma_semaphore, #tpu.memory_space<semaphore_mem>>
      %dma_start3A = arith.constant 0 : i32
      %dma_start3A_91 = tpu.memref_slice %arg4[%arg0, %add3A_69, %dma_start3A] : memref<2x5088x128xf32, #tpu.memory_space<hbm>> -> memref<1x32x128xf32, #tpu.memory_space<hbm>>
      %dma_start3A_92 = tpu.memref_squeeze %dma_start3A_91 : memref<1x32x128xf32, #tpu.memory_space<hbm>> -> memref<32x128xf32, #tpu.memory_space<hbm>>
      %dma_start3A_93 = arith.constant 0 : i32
      %dma_start3A_94 = tpu.memref_slice %arg6[%add3A_67, %dma_start3A_93] : memref<5088x128xf32, #tpu.memory_space<vmem_shared>> -> memref<32x128xf32, #tpu.memory_space<vmem_shared>>
      tpu.enqueue_dma source(%dma_start3A_94 : memref<32x128xf32, #tpu.memory_space<vmem_shared>>) target(%dma_start3A_92 : memref<32x128xf32, #tpu.memory_space<hbm>>) target_semaphore(%run_scoped3A : memref<!tpu.dma_semaphore, #tpu.memory_space<semaphore_mem>>)
      %dma_wait3A = arith.constant 0 : i32
      %dma_wait3A_95 = tpu.memref_slice %arg4[%arg0, %add3A_69, %dma_wait3A] : memref<2x5088x128xf32, #tpu.memory_space<hbm>> -> memref<1x32x128xf32, #tpu.memory_space<hbm>>
      %dma_wait3A_96 = tpu.memref_squeeze %dma_wait3A_95 : memref<1x32x128xf32, #tpu.memory_space<hbm>> -> memref<32x128xf32, #tpu.memory_space<hbm>>
      %dma_wait3A_97 = arith.constant 0 : i32
      %dma_wait3A_98 = tpu.memref_slice %arg6[%add3A_67, %dma_wait3A_97] : memref<5088x128xf32, #tpu.memory_space<vmem_shared>> -> memref<32x128xf32, #tpu.memory_space<vmem_shared>>
      tpu.wait_dma2 semaphore(%run_scoped3A : memref<!tpu.dma_semaphore, #tpu.memory_space<semaphore_mem>>) src(%dma_wait3A_98 : memref<32x128xf32, #tpu.memory_space<vmem_shared>>) dst(%dma_wait3A_96 : memref<32x128xf32, #tpu.memory_space<hbm>>)
      tpu.yield
    }) : () -> ()
    %add3A_70 = arith.constant 160 : i32
    %add3A_71 = arith.addi %mul3A_6, %add3A_70 : i32
    %add3A_72 = arith.constant 160 : i32
    %add3A_73 = arith.addi %mul3A_6, %add3A_72 : i32
    "tpu.region"() ({
      %run_scoped3A = tpu.sem_alloc : memref<!tpu.dma_semaphore, #tpu.memory_space<semaphore_mem>>
      %dma_start3A = arith.constant 0 : i32
      %dma_start3A_91 = tpu.memref_slice %arg4[%arg0, %add3A_73, %dma_start3A] : memref<2x5088x128xf32, #tpu.memory_space<hbm>> -> memref<1x32x128xf32, #tpu.memory_space<hbm>>
      %dma_start3A_92 = tpu.memref_squeeze %dma_start3A_91 : memref<1x32x128xf32, #tpu.memory_space<hbm>> -> memref<32x128xf32, #tpu.memory_space<hbm>>
      %dma_start3A_93 = arith.constant 0 : i32
      %dma_start3A_94 = tpu.memref_slice %arg6[%add3A_71, %dma_start3A_93] : memref<5088x128xf32, #tpu.memory_space<vmem_shared>> -> memref<32x128xf32, #tpu.memory_space<vmem_shared>>
      tpu.enqueue_dma source(%dma_start3A_94 : memref<32x128xf32, #tpu.memory_space<vmem_shared>>) target(%dma_start3A_92 : memref<32x128xf32, #tpu.memory_space<hbm>>) target_semaphore(%run_scoped3A : memref<!tpu.dma_semaphore, #tpu.memory_space<semaphore_mem>>)
      %dma_wait3A = arith.constant 0 : i32
      %dma_wait3A_95 = tpu.memref_slice %arg4[%arg0, %add3A_73, %dma_wait3A] : memref<2x5088x128xf32, #tpu.memory_space<hbm>> -> memref<1x32x128xf32, #tpu.memory_space<hbm>>
      %dma_wait3A_96 = tpu.memref_squeeze %dma_wait3A_95 : memref<1x32x128xf32, #tpu.memory_space<hbm>> -> memref<32x128xf32, #tpu.memory_space<hbm>>
      %dma_wait3A_97 = arith.constant 0 : i32
      %dma_wait3A_98 = tpu.memref_slice %arg6[%add3A_71, %dma_wait3A_97] : memref<5088x128xf32, #tpu.memory_space<vmem_shared>> -> memref<32x128xf32, #tpu.memory_space<vmem_shared>>
      tpu.wait_dma2 semaphore(%run_scoped3A : memref<!tpu.dma_semaphore, #tpu.memory_space<semaphore_mem>>) src(%dma_wait3A_98 : memref<32x128xf32, #tpu.memory_space<vmem_shared>>) dst(%dma_wait3A_96 : memref<32x128xf32, #tpu.memory_space<hbm>>)
      tpu.yield
    }) : () -> ()
    %add3A_74 = arith.constant 192 : i32
    %add3A_75 = arith.addi %mul3A_6, %add3A_74 : i32
    %add3A_76 = arith.constant 192 : i32
    %add3A_77 = arith.addi %mul3A_6, %add3A_76 : i32
    "tpu.region"() ({
      %run_scoped3A = tpu.sem_alloc : memref<!tpu.dma_semaphore, #tpu.memory_space<semaphore_mem>>
      %dma_start3A = arith.constant 0 : i32
      %dma_start3A_91 = tpu.memref_slice %arg4[%arg0, %add3A_77, %dma_start3A] : memref<2x5088x128xf32, #tpu.memory_space<hbm>> -> memref<1x32x128xf32, #tpu.memory_space<hbm>>
      %dma_start3A_92 = tpu.memref_squeeze %dma_start3A_91 : memref<1x32x128xf32, #tpu.memory_space<hbm>> -> memref<32x128xf32, #tpu.memory_space<hbm>>
      %dma_start3A_93 = arith.constant 0 : i32
      %dma_start3A_94 = tpu.memref_slice %arg6[%add3A_75, %dma_start3A_93] : memref<5088x128xf32, #tpu.memory_space<vmem_shared>> -> memref<32x128xf32, #tpu.memory_space<vmem_shared>>
      tpu.enqueue_dma source(%dma_start3A_94 : memref<32x128xf32, #tpu.memory_space<vmem_shared>>) target(%dma_start3A_92 : memref<32x128xf32, #tpu.memory_space<hbm>>) target_semaphore(%run_scoped3A : memref<!tpu.dma_semaphore, #tpu.memory_space<semaphore_mem>>)
      %dma_wait3A = arith.constant 0 : i32
      %dma_wait3A_95 = tpu.memref_slice %arg4[%arg0, %add3A_77, %dma_wait3A] : memref<2x5088x128xf32, #tpu.memory_space<hbm>> -> memref<1x32x128xf32, #tpu.memory_space<hbm>>
      %dma_wait3A_96 = tpu.memref_squeeze %dma_wait3A_95 : memref<1x32x128xf32, #tpu.memory_space<hbm>> -> memref<32x128xf32, #tpu.memory_space<hbm>>
      %dma_wait3A_97 = arith.constant 0 : i32
      %dma_wait3A_98 = tpu.memref_slice %arg6[%add3A_75, %dma_wait3A_97] : memref<5088x128xf32, #tpu.memory_space<vmem_shared>> -> memref<32x128xf32, #tpu.memory_space<vmem_shared>>
      tpu.wait_dma2 semaphore(%run_scoped3A : memref<!tpu.dma_semaphore, #tpu.memory_space<semaphore_mem>>) src(%dma_wait3A_98 : memref<32x128xf32, #tpu.memory_space<vmem_shared>>) dst(%dma_wait3A_96 : memref<32x128xf32, #tpu.memory_space<hbm>>)
      tpu.yield
    }) : () -> ()
    %add3A_78 = arith.constant 224 : i32
    %add3A_79 = arith.addi %mul3A_6, %add3A_78 : i32
    %add3A_80 = arith.constant 224 : i32
    %add3A_81 = arith.addi %mul3A_6, %add3A_80 : i32
    "tpu.region"() ({
      %run_scoped3A = tpu.sem_alloc : memref<!tpu.dma_semaphore, #tpu.memory_space<semaphore_mem>>
      %dma_start3A = arith.constant 0 : i32
      %dma_start3A_91 = tpu.memref_slice %arg4[%arg0, %add3A_81, %dma_start3A] : memref<2x5088x128xf32, #tpu.memory_space<hbm>> -> memref<1x32x128xf32, #tpu.memory_space<hbm>>
      %dma_start3A_92 = tpu.memref_squeeze %dma_start3A_91 : memref<1x32x128xf32, #tpu.memory_space<hbm>> -> memref<32x128xf32, #tpu.memory_space<hbm>>
      %dma_start3A_93 = arith.constant 0 : i32
      %dma_start3A_94 = tpu.memref_slice %arg6[%add3A_79, %dma_start3A_93] : memref<5088x128xf32, #tpu.memory_space<vmem_shared>> -> memref<32x128xf32, #tpu.memory_space<vmem_shared>>
      tpu.enqueue_dma source(%dma_start3A_94 : memref<32x128xf32, #tpu.memory_space<vmem_shared>>) target(%dma_start3A_92 : memref<32x128xf32, #tpu.memory_space<hbm>>) target_semaphore(%run_scoped3A : memref<!tpu.dma_semaphore, #tpu.memory_space<semaphore_mem>>)
      %dma_wait3A = arith.constant 0 : i32
      %dma_wait3A_95 = tpu.memref_slice %arg4[%arg0, %add3A_81, %dma_wait3A] : memref<2x5088x128xf32, #tpu.memory_space<hbm>> -> memref<1x32x128xf32, #tpu.memory_space<hbm>>
      %dma_wait3A_96 = tpu.memref_squeeze %dma_wait3A_95 : memref<1x32x128xf32, #tpu.memory_space<hbm>> -> memref<32x128xf32, #tpu.memory_space<hbm>>
      %dma_wait3A_97 = arith.constant 0 : i32
      %dma_wait3A_98 = tpu.memref_slice %arg6[%add3A_79, %dma_wait3A_97] : memref<5088x128xf32, #tpu.memory_space<vmem_shared>> -> memref<32x128xf32, #tpu.memory_space<vmem_shared>>
      tpu.wait_dma2 semaphore(%run_scoped3A : memref<!tpu.dma_semaphore, #tpu.memory_space<semaphore_mem>>) src(%dma_wait3A_98 : memref<32x128xf32, #tpu.memory_space<vmem_shared>>) dst(%dma_wait3A_96 : memref<32x128xf32, #tpu.memory_space<hbm>>)
      tpu.yield
    }) : () -> ()
    %add3A_82 = arith.constant 256 : i32
    %add3A_83 = arith.addi %mul3A_6, %add3A_82 : i32
    %add3A_84 = arith.constant 256 : i32
    %add3A_85 = arith.addi %mul3A_6, %add3A_84 : i32
    "tpu.region"() ({
      %run_scoped3A = tpu.sem_alloc : memref<!tpu.dma_semaphore, #tpu.memory_space<semaphore_mem>>
      %dma_start3A = arith.constant 0 : i32
      %dma_start3A_91 = tpu.memref_slice %arg4[%arg0, %add3A_85, %dma_start3A] : memref<2x5088x128xf32, #tpu.memory_space<hbm>> -> memref<1x32x128xf32, #tpu.memory_space<hbm>>
      %dma_start3A_92 = tpu.memref_squeeze %dma_start3A_91 : memref<1x32x128xf32, #tpu.memory_space<hbm>> -> memref<32x128xf32, #tpu.memory_space<hbm>>
      %dma_start3A_93 = arith.constant 0 : i32
      %dma_start3A_94 = tpu.memref_slice %arg6[%add3A_83, %dma_start3A_93] : memref<5088x128xf32, #tpu.memory_space<vmem_shared>> -> memref<32x128xf32, #tpu.memory_space<vmem_shared>>
      tpu.enqueue_dma source(%dma_start3A_94 : memref<32x128xf32, #tpu.memory_space<vmem_shared>>) target(%dma_start3A_92 : memref<32x128xf32, #tpu.memory_space<hbm>>) target_semaphore(%run_scoped3A : memref<!tpu.dma_semaphore, #tpu.memory_space<semaphore_mem>>)
      %dma_wait3A = arith.constant 0 : i32
      %dma_wait3A_95 = tpu.memref_slice %arg4[%arg0, %add3A_85, %dma_wait3A] : memref<2x5088x128xf32, #tpu.memory_space<hbm>> -> memref<1x32x128xf32, #tpu.memory_space<hbm>>
      %dma_wait3A_96 = tpu.memref_squeeze %dma_wait3A_95 : memref<1x32x128xf32, #tpu.memory_space<hbm>> -> memref<32x128xf32, #tpu.memory_space<hbm>>
      %dma_wait3A_97 = arith.constant 0 : i32
      %dma_wait3A_98 = tpu.memref_slice %arg6[%add3A_83, %dma_wait3A_97] : memref<5088x128xf32, #tpu.memory_space<vmem_shared>> -> memref<32x128xf32, #tpu.memory_space<vmem_shared>>
      tpu.wait_dma2 semaphore(%run_scoped3A : memref<!tpu.dma_semaphore, #tpu.memory_space<semaphore_mem>>) src(%dma_wait3A_98 : memref<32x128xf32, #tpu.memory_space<vmem_shared>>) dst(%dma_wait3A_96 : memref<32x128xf32, #tpu.memory_space<hbm>>)
      tpu.yield
    }) : () -> ()
    %lt3A_86 = arith.constant 15 : i32
    %lt3A_87 = arith.cmpi slt, %arg1, %lt3A_86 : i32
    %convert_element_type3A_88 = arith.extui %lt3A_87 : i1 to i32
    %cond3A_89 = arith.constant 0 : i32
    %cond3A_90 = arith.cmpi ne, %convert_element_type3A_88, %cond3A_89 : i32
    scf.if %cond3A_90 {
      %add3A_91 = arith.constant 288 : i32
      %add3A_92 = arith.addi %mul3A_6, %add3A_91 : i32
      %add3A_93 = arith.constant 288 : i32
      %add3A_94 = arith.addi %mul3A_6, %add3A_93 : i32
      "tpu.region"() ({
        %run_scoped3A = tpu.sem_alloc : memref<!tpu.dma_semaphore, #tpu.memory_space<semaphore_mem>>
        %dma_start3A = arith.constant 0 : i32
        %dma_start3A_95 = tpu.memref_slice %arg4[%arg0, %add3A_94, %dma_start3A] : memref<2x5088x128xf32, #tpu.memory_space<hbm>> -> memref<1x32x128xf32, #tpu.memory_space<hbm>>
        %dma_start3A_96 = tpu.memref_squeeze %dma_start3A_95 : memref<1x32x128xf32, #tpu.memory_space<hbm>> -> memref<32x128xf32, #tpu.memory_space<hbm>>
        %dma_start3A_97 = arith.constant 0 : i32
        %dma_start3A_98 = tpu.memref_slice %arg6[%add3A_92, %dma_start3A_97] : memref<5088x128xf32, #tpu.memory_space<vmem_shared>> -> memref<32x128xf32, #tpu.memory_space<vmem_shared>>
        tpu.enqueue_dma source(%dma_start3A_98 : memref<32x128xf32, #tpu.memory_space<vmem_shared>>) target(%dma_start3A_96 : memref<32x128xf32, #tpu.memory_space<hbm>>) target_semaphore(%run_scoped3A : memref<!tpu.dma_semaphore, #tpu.memory_space<semaphore_mem>>)
        %dma_wait3A = arith.constant 0 : i32
        %dma_wait3A_99 = tpu.memref_slice %arg4[%arg0, %add3A_94, %dma_wait3A] : memref<2x5088x128xf32, #tpu.memory_space<hbm>> -> memref<1x32x128xf32, #tpu.memory_space<hbm>>
        %dma_wait3A_100 = tpu.memref_squeeze %dma_wait3A_99 : memref<1x32x128xf32, #tpu.memory_space<hbm>> -> memref<32x128xf32, #tpu.memory_space<hbm>>
        %dma_wait3A_101 = arith.constant 0 : i32
        %dma_wait3A_102 = tpu.memref_slice %arg6[%add3A_92, %dma_wait3A_101] : memref<5088x128xf32, #tpu.memory_space<vmem_shared>> -> memref<32x128xf32, #tpu.memory_space<vmem_shared>>
        tpu.wait_dma2 semaphore(%run_scoped3A : memref<!tpu.dma_semaphore, #tpu.memory_space<semaphore_mem>>) src(%dma_wait3A_102 : memref<32x128xf32, #tpu.memory_space<vmem_shared>>) dst(%dma_wait3A_100 : memref<32x128xf32, #tpu.memory_space<hbm>>)
        tpu.yield
      }) : () -> ()
    } else {
    }
    return
  }
}

module attributes {stable_mosaic.version = 14 : i64} {
  func.func @_mlp_body(%arg0: i32, %arg1: memref<1000x128xf32, #tpu.memory_space<vmem>>, %arg2: memref<1000x128xf32, #tpu.memory_space<vmem>>, %arg3: memref<128x128xf32, #tpu.memory_space<vmem>>, %arg4: memref<1x128xf32, #tpu.memory_space<vmem>>, %arg5: memref<128x128xf32, #tpu.memory_space<vmem>>, %arg6: memref<1x128xf32, #tpu.memory_space<vmem>>, %arg7: memref<1000x128xf32, #tpu.memory_space<vmem>>) attributes {dimension_semantics = [#tpu.dimension_semantics<arbitrary>], iteration_bounds = array<i64: 10>, scalar_prefetch = 0 : i64, scratch_operands = 0 : i64, tpu.core_type = #tpu.core_type<tc>, window_params = [{transform_indices = @transform_0, window_bounds = array<i64: 1000, 128>}, {transform_indices = @transform_1, window_bounds = array<i64: 1000, 128>}, {pipeline_mode = #tpu.pipeline_mode<synchronous>, transform_indices = @transform_2, window_bounds = array<i64: 128, 128>}, {pipeline_mode = #tpu.pipeline_mode<synchronous>, transform_indices = @transform_3, window_bounds = array<i64: 1, 128>}, {pipeline_mode = #tpu.pipeline_mode<synchronous>, transform_indices = @transform_4, window_bounds = array<i64: 128, 128>}, {pipeline_mode = #tpu.pipeline_mode<synchronous>, transform_indices = @transform_5, window_bounds = array<i64: 1, 128>}, {transform_indices = @transform_6, window_bounds = array<i64: 1000, 128>}]} {
    %get3A = arith.constant 0 : index
    %get3A_0 = arith.constant 0 : index
    %get3A_1 = vector.load %arg1[%get3A, %get3A_0] : memref<1000x128xf32, #tpu.memory_space<vmem>>, vector<1000x128xf32>
    %get3A_2 = arith.constant 0 : index
    %get3A_3 = arith.constant 0 : index
    %get3A_4 = vector.load %arg2[%get3A_2, %get3A_3] : memref<1000x128xf32, #tpu.memory_space<vmem>>, vector<1000x128xf32>
    %add3A = arith.addf %get3A_1, %get3A_4 : vector<1000x128xf32>
    %get3A_5 = arith.constant 0 : index
    %get3A_6 = arith.constant 0 : index
    %get3A_7 = vector.load %arg3[%get3A_5, %get3A_6] : memref<128x128xf32, #tpu.memory_space<vmem>>, vector<128x128xf32>
    %dot_general3A = arith.constant dense<0.000000e+00> : vector<1000x128xf32>
    %dot_general3A_8 = tpu.matmul %add3A, %get3A_7, %dot_general3A {dimension_numbers = #tpu.dot_dimension_numbers<[1], [0], [0], [1], [0, 0, 1, 1], [], []>, transpose_lhs_hint = false} : vector<1000x128xf32>, vector<128x128xf32>, vector<1000x128xf32> -> vector<1000x128xf32>
    %get3A_9 = arith.constant 0 : index
    %get3A_10 = arith.constant 0 : index
    %get3A_11 = vector.load %arg4[%get3A_9, %get3A_10] : memref<1x128xf32, #tpu.memory_space<vmem>>, vector<1x128xf32>
    %add3A_12 = vector.broadcast %get3A_11 : vector<1x128xf32> to vector<1000x128xf32>
    %add3A_13 = arith.addf %dot_general3A_8, %add3A_12 : vector<1000x128xf32>
    %max3A = arith.constant 0.000000e+00 : f32
    %max3A_14 = vector.broadcast %max3A : f32 to vector<1000x128xf32>
    %max3A_15 = arith.maximumf %add3A_13, %max3A_14 : vector<1000x128xf32>
    %get3A_16 = arith.constant 0 : index
    %get3A_17 = arith.constant 0 : index
    %get3A_18 = vector.load %arg5[%get3A_16, %get3A_17] : memref<128x128xf32, #tpu.memory_space<vmem>>, vector<128x128xf32>
    %dot_general3A_19 = arith.constant dense<0.000000e+00> : vector<1000x128xf32>
    %dot_general3A_20 = tpu.matmul %max3A_15, %get3A_18, %dot_general3A_19 {dimension_numbers = #tpu.dot_dimension_numbers<[1], [0], [0], [1], [0, 0, 1, 1], [], []>, transpose_lhs_hint = false} : vector<1000x128xf32>, vector<128x128xf32>, vector<1000x128xf32> -> vector<1000x128xf32>
    %get3A_21 = arith.constant 0 : index
    %get3A_22 = arith.constant 0 : index
    %get3A_23 = vector.load %arg6[%get3A_21, %get3A_22] : memref<1x128xf32, #tpu.memory_space<vmem>>, vector<1x128xf32>
    %add3A_24 = vector.broadcast %get3A_23 : vector<1x128xf32> to vector<1000x128xf32>
    %add3A_25 = arith.addf %dot_general3A_20, %add3A_24 : vector<1000x128xf32>
    %max3A_26 = arith.constant 0.000000e+00 : f32
    %max3A_27 = vector.broadcast %max3A_26 : f32 to vector<1000x128xf32>
    %max3A_28 = arith.maximumf %add3A_25, %max3A_27 : vector<1000x128xf32>
    %swap3A = arith.constant 0 : index
    %swap3A_29 = arith.constant 0 : index
    %swap3A_30 = vector.load %arg7[%swap3A, %swap3A_29] : memref<1000x128xf32, #tpu.memory_space<vmem>>, vector<1000x128xf32>
    tpu.vector_store %arg7[%swap3A, %swap3A_29], %max3A_28 {strides = array<i32>} : memref<1000x128xf32, #tpu.memory_space<vmem>>, vector<1000x128xf32>,
    return
  }
  func.func @transform_0(%arg0: i32) -> (i32, i32) {
    %c0_i32 = arith.constant 0 : i32
    %c0_i32_0 = arith.constant 0 : i32
    return %arg0, %c0_i32 : i32, i32
  }
  func.func @transform_1(%arg0: i32) -> (i32, i32) {
    %c0_i32 = arith.constant 0 : i32
    %c0_i32_0 = arith.constant 0 : i32
    return %arg0, %c0_i32 : i32, i32
  }
  func.func @transform_2(%arg0: i32) -> (i32, i32) {
    %c0_i32 = arith.constant 0 : i32
    %c0_i32_0 = arith.constant 0 : i32
    %c0_i32_1 = arith.constant 0 : i32
    return %c0_i32, %c0_i32_0 : i32, i32
  }
  func.func @transform_3(%arg0: i32) -> (i32, i32) {
    %c0_i32 = arith.constant 0 : i32
    %c0_i32_0 = arith.constant 0 : i32
    %c0_i32_1 = arith.constant 0 : i32
    return %c0_i32, %c0_i32_0 : i32, i32
  }
  func.func @transform_4(%arg0: i32) -> (i32, i32) {
    %c0_i32 = arith.constant 0 : i32
    %c0_i32_0 = arith.constant 0 : i32
    %c0_i32_1 = arith.constant 0 : i32
    return %c0_i32, %c0_i32_0 : i32, i32
  }
  func.func @transform_5(%arg0: i32) -> (i32, i32) {
    %c0_i32 = arith.constant 0 : i32
    %c0_i32_0 = arith.constant 0 : i32
    %c0_i32_1 = arith.constant 0 : i32
    return %c0_i32, %c0_i32_0 : i32, i32
  }
  func.func @transform_6(%arg0: i32) -> (i32, i32) {
    %c0_i32 = arith.constant 0 : i32
    %c0_i32_0 = arith.constant 0 : i32
    return %arg0, %c0_i32 : i32, i32
  }
}

module attributes {stable_mosaic.version = 14 : i64} {
  func.func @_mlp_body(%arg0: i32, %arg1: memref<1000x128xf32, #tpu.memory_space<vmem>>, %arg2: memref<1000x128xf32, #tpu.memory_space<vmem>>, %arg3: memref<128x128xf32, #tpu.memory_space<vmem>>, %arg4: memref<1x128xf32, #tpu.memory_space<vmem>>, %arg5: memref<128x128xf32, #tpu.memory_space<vmem>>, %arg6: memref<1x128xf32, #tpu.memory_space<vmem>>, %arg7: memref<1000x128xf32, #tpu.memory_space<vmem>>) attributes {dimension_semantics = [#tpu.dimension_semantics<arbitrary>], iteration_bounds = array<i64: 10>, scalar_prefetch = 0 : i64, scratch_operands = 0 : i64, tpu.core_type = #tpu.core_type<tc>, window_params = [{transform_indices = @transform_0, window_bounds = array<i64: 1000, 128>}, {transform_indices = @transform_1, window_bounds = array<i64: 1000, 128>}, {pipeline_mode = #tpu.pipeline_mode<synchronous>, transform_indices = @transform_2, window_bounds = array<i64: 128, 128>}, {pipeline_mode = #tpu.pipeline_mode<synchronous>, transform_indices = @transform_3, window_bounds = array<i64: 1, 128>}, {pipeline_mode = #tpu.pipeline_mode<synchronous>, transform_indices = @transform_4, window_bounds = array<i64: 128, 128>}, {pipeline_mode = #tpu.pipeline_mode<synchronous>, transform_indices = @transform_5, window_bounds = array<i64: 1, 128>}, {transform_indices = @transform_6, window_bounds = array<i64: 1000, 128>}]} {
    %get3A = arith.constant 0 : index
    %get3A_0 = arith.constant 0 : index
    %get3A_1 = vector.load %arg1[%get3A, %get3A_0] : memref<1000x128xf32, #tpu.memory_space<vmem>>, vector<1000x128xf32>
    %get3A_2 = arith.constant 0 : index
    %get3A_3 = arith.constant 0 : index
    %get3A_4 = vector.load %arg2[%get3A_2, %get3A_3] : memref<1000x128xf32, #tpu.memory_space<vmem>>, vector<1000x128xf32>
    %add3A = arith.addf %get3A_1, %get3A_4 : vector<1000x128xf32>
    %get3A_5 = arith.constant 0 : index
    %get3A_6 = arith.constant 0 : index
    %get3A_7 = vector.load %arg3[%get3A_5, %get3A_6] : memref<128x128xf32, #tpu.memory_space<vmem>>, vector<128x128xf32>
    %dot_general3A = arith.constant dense<0.000000e+00> : vector<1000x128xf32>
    %dot_general3A_8 = tpu.matmul %add3A, %get3A_7, %dot_general3A {dimension_numbers = #tpu.dot_dimension_numbers<[1], [0], [0], [1], [0, 0, 1, 1], [], []>, transpose_lhs_hint = false} : vector<1000x128xf32>, vector<128x128xf32>, vector<1000x128xf32> -> vector<1000x128xf32>
    %get3A_9 = arith.constant 0 : index
    %get3A_10 = arith.constant 0 : index
    %get3A_11 = vector.load %arg4[%get3A_9, %get3A_10] : memref<1x128xf32, #tpu.memory_space<vmem>>, vector<1x128xf32>
    %add3A_12 = vector.broadcast %get3A_11 : vector<1x128xf32> to vector<1000x128xf32>
    %add3A_13 = arith.addf %dot_general3A_8, %add3A_12 : vector<1000x128xf32>
    %max3A = arith.constant 0.000000e+00 : f32
    %max3A_14 = vector.broadcast %max3A : f32 to vector<1000x128xf32>
    %max3A_15 = arith.maximumf %add3A_13, %max3A_14 : vector<1000x128xf32>
    %get3A_16 = arith.constant 0 : index
    %get3A_17 = arith.constant 0 : index
    %get3A_18 = vector.load %arg5[%get3A_16, %get3A_17] : memref<128x128xf32, #tpu.memory_space<vmem>>, vector<128x128xf32>
    %dot_general3A_19 = arith.constant dense<0.000000e+00> : vector<1000x128xf32>
    %dot_general3A_20 = tpu.matmul %max3A_15, %get3A_18, %dot_general3A_19 {dimension_numbers = #tpu.dot_dimension_numbers<[1], [0], [0], [1], [0, 0, 1, 1], [], []>, transpose_lhs_hint = false} : vector<1000x128xf32>, vector<128x128xf32>, vector<1000x128xf32> -> vector<1000x128xf32>
    %get3A_21 = arith.constant 0 : index
    %get3A_22 = arith.constant 0 : index
    %get3A_23 = vector.load %arg6[%get3A_21, %get3A_22] : memref<1x128xf32, #tpu.memory_space<vmem>>, vector<1x128xf32>
    %add3A_24 = vector.broadcast %get3A_23 : vector<1x128xf32> to vector<1000x128xf32>
    %add3A_25 = arith.addf %dot_general3A_20, %add3A_24 : vector<1000x128xf32>
    %max3A_26 = arith.constant 0.000000e+00 : f32
    %max3A_27 = vector.broadcast %max3A_26 : f32 to vector<1000x128xf32>
    %max3A_28 = arith.maximumf %add3A_25, %max3A_27 : vector<1000x128xf32>
    %swap3A = arith.constant 0 : index
    %swap3A_29 = arith.constant 0 : index
    %swap3A_30 = vector.load %arg7[%swap3A, %swap3A_29] : memref<1000x128xf32, #tpu.memory_space<vmem>>, vector<1000x128xf32>
    tpu.vector_store %arg7[%swap3A, %swap3A_29], %max3A_28 {strides = array<i32>} : memref<1000x128xf32, #tpu.memory_space<vmem>>, vector<1000x128xf32>,
    return
  }
  func.func @transform_0(%arg0: i32) -> (i32, i32) {
    %c0_i32 = arith.constant 0 : i32
    %c0_i32_0 = arith.constant 0 : i32
    return %arg0, %c0_i32 : i32, i32
  }
  func.func @transform_1(%arg0: i32) -> (i32, i32) {
    %c0_i32 = arith.constant 0 : i32
    %c0_i32_0 = arith.constant 0 : i32
    return %arg0, %c0_i32 : i32, i32
  }
  func.func @transform_2(%arg0: i32) -> (i32, i32) {
    %c0_i32 = arith.constant 0 : i32
    %c0_i32_0 = arith.constant 0 : i32
    %c0_i32_1 = arith.constant 0 : i32
    return %c0_i32, %c0_i32_0 : i32, i32
  }
  func.func @transform_3(%arg0: i32) -> (i32, i32) {
    %c0_i32 = arith.constant 0 : i32
    %c0_i32_0 = arith.constant 0 : i32
    %c0_i32_1 = arith.constant 0 : i32
    return %c0_i32, %c0_i32_0 : i32, i32
  }
  func.func @transform_4(%arg0: i32) -> (i32, i32) {
    %c0_i32 = arith.constant 0 : i32
    %c0_i32_0 = arith.constant 0 : i32
    %c0_i32_1 = arith.constant 0 : i32
    return %c0_i32, %c0_i32_0 : i32, i32
  }
  func.func @transform_5(%arg0: i32) -> (i32, i32) {
    %c0_i32 = arith.constant 0 : i32
    %c0_i32_0 = arith.constant 0 : i32
    %c0_i32_1 = arith.constant 0 : i32
    return %c0_i32, %c0_i32_0 : i32, i32
  }
  func.func @transform_6(%arg0: i32) -> (i32, i32) {
    %c0_i32 = arith.constant 0 : i32
    %c0_i32_0 = arith.constant 0 : i32
    return %arg0, %c0_i32 : i32, i32
  }
}

</mosaic_0001>

<sc_bundles>
// kernel: kernel.6.cloned.1.call-start
scs
__scs_entry_jumppad:
0x0: {  	(pc) =	sbr.rel $0x88, $3  }
0x1: {  	(tag) =	ssettag $0x0;
	lr =	simm.s32 $0x1  }
0x2: {  	[smem:$0x3F97] =	sst lr;
	_ =	strace $0xD0000000  }
0x3: {  	_ = 	snop  }
0x4: {  	_ = 	snop  }
0x5: {  	_ = 	snop  }
0x6: {  	_ = 	snop  }
0x7: {  	_ = 	snop  }
__scs_overlays_trampoline_lowered:
0x8: {  	[smem:$0x3FA6] =	sst s0  }
0x9: {  	[smem:$0x3FA7] =	sst s1  }
0xa: {  	[smem:$0x3FA8] =	sst s2  }
0xb: {  	[smem:$0x3FA9] =	sst s3  }
0xc: {  	[smem:$0x3FAA] =	sst s4  }
0xd: {  	[smem:$0x3FAB] =	sst s5  }
0xe: {  	[smem:$0x3FAC] =	sst s6  }
0xf: {  	[smem:$0x3FAD] =	sst s7  }
0x10: {  	[smem:$0x3FAE] =	sst s8  }
0x11: {  	[smem:$0x3FAF] =	sst s9;
	s0 =	simm.s32 @!p0 $0x0  }
0x12: {  	s1 =	sld [smem:$0x3F95];
	s0 =	simm.s32 @p0 $0x1  }
0x13: {  	[smem:$0x3FB0] =	sst s0;
	s0 =	simm.s32 @!p1 $0x0  }
0x14: {  	s2 =	sld [smem:$0x3F94];
	s0 =	simm.s32 @p1 $0x1  }
0x15: {  	[smem:$0x3FB1] =	sst s0;
	s0 =	simm.s32 @!p2 $0x0  }
0x16: {  	s3 =	sld [smem:$0x3FDB];
	s0 =	simm.s32 @p2 $0x1  }
0x17: {  	s4 =	simm.s32 $0x1BF5;
	[smem:$0x3FB3] =	sst s0  }
0x18: {  	s0 =	sld [smem:$0x3F96];
	_ =	swait.ge [sflag:s4], $0x0  }
0x19: {  	s7 =	sld [smem:$0x3F97]  }
0x1a: {  	s8 =	sadd.s32 $0xFFFFE003, lr  }
0x1b: {  	s9 =	sadd.s32 $0xFFFFFEF7, lr;
	s5 =	simm.s32 $0xFFFFFFFF;
	p2 =	slt.u32 s8, $0xFFFFF086  }
0x1c: {  	p1 =	slt.u32 s9, $0xF7A;
	s5 =	simm.s32 @!p2 $0x0  }
0x1d: {  	s5 =	simm.s32 @p1 $0x1;
	p0 =	seq.s32 s7, s2  }
0x1e: {  	s7 =	smul.u32 @!p0 $0xF7A, s2;
	p2 =	seq.s32 @!p0 s5, $0x0  }
0x1f: {  	s9 =	smul.u32 $0xF7A, s1;
	s8 =	simm.s32 @!p0 $0x1BF5;
	p2 =	por !p2, p0  }
0x20: {  	[sflag:s8] =	ssyncset.s32 @!p0 $0xFFFFF086;
	s6 =	sadd.s32 @!p0 s3, s7;
	s7 =	simm.s32 @!p0 $0x108  }
0x21: {  	s3 =	sadd.s32 s3, s9;
	s6 =	sadd.s32 @!p0 $0x88, s6;
	s7 =	simm.s32 @p2 $0x1082  }
0x22: {  	[simem:s7], [sflag:s8] =	dma.local @!p0 [hbm:s6], $0xF7A  }
0x23: {  	s9 =	sor.u32 $0xD0000000, s2;
	s6 =	simm.s32 $0x108;
	_ =	swait.ge @!p0 [sflag:s8], $0x0  }
0x24: {  	s3 =	sadd.s32 $0x88, s3;
	s6 =	simm.s32 @!p1 $0x1082;
	[sflag:s4] =	ssyncset.s32 $0xFFFFF086  }
0x25: {  	[simem:s6], [sflag:s4] =	dma.local [hbm:s3], $0xF7A  }
0x26: {  	[smem:$0x3F97] =	sst s1;
	(tag) =	ssettag s2;
	_ =	strace s9  }
0x27: {  	s1 =	sld [smem:$0x3FA7]  }
0x28: {  	s2 =	sld [smem:$0x3FA8]  }
0x29: {  	s4 =	sld [smem:$0x3FAA]  }
0x2a: {  	p0 =	seq.s32 s5, $0x0;
	s5 =	sld [smem:$0x3FAB]  }
0x2b: {  	s6 =	sld [smem:$0x3FAC]  }
0x2c: {  	s7 =	sld [smem:$0x3FAD]  }
0x2d: {  	s3 =	simm.s32 $0x108;
	s8 =	sld [smem:$0x3FAE]  }
0x2e: {  	s3 =	simm.s32 @!p0 $0x1082;
	s9 =	sld [smem:$0x3FAF]  }
0x2f: {  	lr =	sadd.s32 s0, s3;
	s0 =	sld [smem:$0x3FA6]  }
0x30: {  	s3 =	sld [smem:$0x3FA9]  }
0x31: {  	[smem:$0x3FB2] =	sst s10  }
0x32: {  	s10 =	sld [smem:$0x3FB0];
	_ =	sdelay $0x3  }
0x33: {  	p0 =	seq.s32 s10, $0x1;
	s10 =	sld [smem:$0x3FB2];
	_ =	sdelay $0x3  }
0x34: {  	[smem:$0x3FB2] =	sst s10  }
0x35: {  	s10 =	sld [smem:$0x3FB1];
	_ =	sdelay $0x3  }
0x36: {  	p1 =	seq.s32 s10, $0x1;
	s10 =	sld [smem:$0x3FB2];
	_ =	sdelay $0x3  }
0x37: {  	[smem:$0x3FB2] =	sst s10  }
0x38: {  	s10 =	sld [smem:$0x3FB3]  }
0x39: {  	_ = 	snop;
	(pc) =	sbr.ind lr, $3  }
0x3a: {  	_ = 	snop  }
0x3b: {  	_ = 	snop  }
0x3c: {  	p2 =	seq.s32 s10, $0x1;
	s10 =	sld [smem:$0x3FB2]  }
0x3d: {  	_ =	shalt  }
0x3e: {  	_ =	shalt  }
0x3f: {  	_ =	shalt  }
0x40: {  	_ =	shalt  }
0x41: {  	_ =	shalt  }
0x42: {  	_ =	shalt  }
0x43: {  	_ =	shalt  }
0x44: {  	_ =	shalt  }
0x45: {  	_ =	shalt  }
0x46: {  	_ =	shalt  }
0x47: {  	_ =	shalt  }
0x48: {  	_ =	shalt  }
0x49: {  	_ =	shalt  }
0x4a: {  	_ =	shalt  }
0x4b: {  	_ =	shalt  }
0x4c: {  	_ =	shalt  }
0x4d: {  	_ =	shalt  }
0x4e: {  	_ =	shalt  }
0x4f: {  	_ =	shalt  }
0x50: {  	_ =	shalt  }
0x51: {  	_ =	shalt  }
0x52: {  	_ =	shalt  }
0x53: {  	_ =	shalt  }
0x54: {  	_ =	shalt  }
0x55: {  	_ =	shalt  }
0x56: {  	_ =	shalt  }
0x57: {  	_ =	shalt  }
0x58: {  	_ =	shalt  }
0x59: {  	_ =	shalt  }
0x5a: {  	_ =	shalt  }
0x5b: {  	_ =	shalt  }
0x5c: {  	_ =	shalt  }
0x5d: {  	_ =	shalt  }
0x5e: {  	_ =	shalt  }
0x5f: {  	_ =	shalt  }
0x60: {  	_ =	shalt  }
0x61: {  	_ =	shalt  }
0x62: {  	_ =	shalt  }
0x63: {  	_ =	shalt  }
0x64: {  	_ =	shalt  }
0x65: {  	_ =	shalt  }
0x66: {  	_ =	shalt  }
0x67: {  	_ =	shalt  }
0x68: {  	_ =	shalt  }
0x69: {  	_ =	shalt  }
0x6a: {  	_ =	shalt  }
0x6b: {  	_ =	shalt  }
0x6c: {  	_ =	shalt  }
0x6d: {  	_ =	shalt  }
0x6e: {  	_ =	shalt  }
0x6f: {  	_ =	shalt  }
0x70: {  	_ =	shalt  }
0x71: {  	_ =	shalt  }
0x72: {  	_ =	shalt  }
0x73: {  	_ =	shalt  }
0x74: {  	_ =	shalt  }
0x75: {  	_ =	shalt  }
0x76: {  	_ =	shalt  }
0x77: {  	_ =	shalt  }
0x78: {  	_ =	shalt  }
0x79: {  	_ =	shalt  }
0x7a: {  	_ =	shalt  }
0x7b: {  	_ =	shalt  }
0x7c: {  	_ =	shalt  }
0x7d: {  	_ =	shalt  }
0x7e: {  	_ =	shalt  }
0x7f: {  	_ =	shalt  }
0x80: {  	_ =	shalt  }
0x81: {  	_ =	shalt  }
0x82: {  	_ =	shalt  }
0x83: {  	_ =	shalt  }
0x84: {  	_ =	shalt  }
0x85: {  	_ =	shalt  }
0x86: {  	_ =	shalt  }
0x87: {  	_ =	shalt  }
.Lfunc_end0:
.L_simem_size_0:
called_computation_lowered:
.L_overlay_start_0:
0x88: {  	s2 =	sld [smem:$0x3FD9]  }
0x89: {  	s3 =	sld [smem:$0x3FFE];
	_ =	sdelay $0x1  }
0x8a: {  	s1 =	srdreg.scid  }
0x8b: {  	s0 =	sand.u32 $0x1, s1  }
0x8c: {  	s17 =	sshll.u32 s0, $0xA;
	s2 =	sadd.s32 s3, s2  }
0x8d: {  	s2 =	sadd.s32 s2, s17  }
0x8e: {  	[smem:$0x3FBE] =	sst s2  }
0x8f: {  	_ = 	snop  }
0x90: {  	s2 =	sld [smem:$0x3FC9];
	(tm) =	ssettm $0x1  }
0x91: {  	s18 =	sld [smem:$0x3FFB];
	_ =	sdelay $0x3  }
0x92: {  	_ =	strace s18  }
0x93: {  	s3 =	sld [smem:$0x3FFC];
	_ =	sdelay $0x3  }
0x94: {  	_ =	strace s3  }
0x95: {  	s3 =	sld [smem:$0x3FFD];
	_ =	sdelay $0x3  }
0x96: {  	_ =	strace s3  }
0x97: {  	_ =	strace $0x8FFFFFFF  }
0x98: {  	s19 =	sld [smem:$0x3FDB];
	_ =	sdelay $0x1  }
0x99: {  	s4 =	simm.s32 $_scs_section_size  }
0x9a: {  	s5 =	simm.s32 $_size__tile_overlayer_lowered;
	s6 =	simm.s32 $_tile_overlayer_lowered  }
0x9b: {  	s22 =	simm.s32 $0x1BFF;
	s21 =	sshll.u32 s6, $0x1;
	s3 =	sadd.s32 s4, s19  }
0x9c: {  	s7 =	simm.s32 $0x0;
	s20 =	sshll.u32 s5, $0x1;
	s5 =	sadd.s32 s21, s3  }
0x9d: {  	[timem:s7], [sflag:s22] =	dma.local [hbm:s5], s20  }
0x9e: {  	_ =	swait.ge [sflag:s22], s20  }
0x9f: {  	s4 =	ssub.s32 $0x0, s20;
	[sflag:s22] =	ssyncset.done $0x0  }
0xa0: {  	[sflag:s22] =	ssyncadd.s32 s4;
	_ =	sdelay $0x1  }
0xa1: {  	s23 =	simm.s32 $0x1B8B  }
0xa2: {  	_ =	swait.ge [sflag:s23], $0x1  }
0xa3: {  	[sflag:s23] =	ssyncset.done $0x0  }
0xa4: {  	s25 =	simm.s32 $0x1B8E;
	s24 =	sld [smem:$0x3FFE];
	[sflag:s23] =	ssyncadd.s32 $0xFFFFFFFF  }
0xa5: {  	s26 =	simm.s32 $execute0_lowered;
	[smem:$0x3FD2] =	sst s25  }
0xa6: {  	s5 =	sshll.u32 s26, $0x1;
	_ =	strace $0x80000046;
	[dreg:$0x1] =	wrdreg $0xFFFFFFFF  }
0xa7: {  	s28 =	simm.s32 $_size_execute0_lowered;
	s3 =	sadd.s32 s3, s5;
	[dreg:$0x0] =	wrdreg $0x0  }
0xa8: {  	s5 =	sshll.u32 s28, $0x1;
	[dreg:$0x2] =	wrdreg s3  }
0xa9: {  	[dreg:$0x3] =	wrdreg s5  }
0xaa: {  	[dreg:$0x4] =	wrdreg $0xC0  }
0xab: {  	_ =	task [dreg:s7], $0x5FFFF  }
0xac: {  	[dreg:$0x1] =	wrdreg $0xFFFFFFFF  }
0xad: {  	[dreg:$0x0] =	wrdreg $0x60  }
0xae: {  	[dreg:$0x2] =	wrdreg s2  }
0xaf: {  	[dreg:$0x3] =	wrdreg s24  }
0xb0: {  	[dreg:$0x4] =	wrdreg $0x0  }
0xb1: {  	[dreg:$0x5] =	wrdreg $0x138800  }
0xb2: {  	[dreg:$0x6] =	wrdreg $0x9  }
0xb3: {  	_ =	task.clear_ibuf [dreg:s7], $0x7FFFF;
	_ =	strace $0x90000046  }
0xb4: {  	s29 =	simm.s32 $0x9;
	_ =	strace $0x80000048  }
0xb5: {  	_ =	swait.ge [sflag:s29], $0x1  }
0xb6: {  	[sflag:s29] =	ssyncadd.s32 $0xFFFFFFFF  }
0xb7: {  	_ =	strace $0x90000048  }
0xb8: {  	_ =	sfence  }
0xb9: {  	s30 =	sld [smem:$0x0];
	_ =	sdelay $0x2  }
0xba: {  	s31 =	sshll.u32 s1, $0xD;
	s1 =	sshrl.u32 s1, $0x2  }
0xbb: {  	s3 =	sand.u32 $0x4000, s31;
	s1 =	sadd.s32 s1, s30  }
0xbc: {  	s0 =	sor.u32 s3, s0;
	s1 =	sshll.u32 s1, $0x11  }
0xbd: {  	s0 =	sor.u32 s1, s0  }
0xbe: {  	s0 =	sadd.s32 $0x8F2B, s0  }
0xbf: {  	[sflag:s0] =	ssyncadd.remote.s32 $0x1  }
0xc0: {  	_ =	sfence.sel $0xFFFF  }
0xc1: {  	[dreg:$0x0] =	wrdreg $0xFFFFFFFF;
	(pc) =	sbr.abs _section_cstart, $3  }
0xc2: {  	[dreg:$0x1] =	wrdreg $0xFFFFFFFF  }
0xc3: {  	_ =	task.clear_ibuf [dreg:s7], $0x2FFFF;
	_ =	strace $0x9FFFFFFF  }
0xc4: {  	(tm) =	ssettm $0x7FFFFFFF  }
0xc5: {  	_ =	shalt  }
tec
execute0_lowered:
.L_overlay_start_1:
0x0: {  	(tag) =	ssettag $0x1  }
0x1: {  	s0 =	srdreg.scid  }
0x2: {  	s21 =	stileid.u32;
	s6 =	rddreg [dreg:$0x0]  }
0x3: {  	s3 =	rddreg [dreg:$0x1];
	s2 =	smul.u32 $0x28000, s21  }
0x4: {  	s1 =	simm.s32 $0x0;
	s29 =	simm.s32 $0x1DA00;
	s7 =	smul.u32 $0xA000, s21  }
0x5: {  	s30 =	simm.s32 $0x4;
	s31 =	simm.s32 $0x1DA80;
	s13 =	smul.u32 $0xC8, s21  }
0x6: {  	s5 =	sand.u32 $0x1, s0;
	[smem:$0x7FF] =	sst s1;
	s15 =	smul.u32 $0xC80, s21  }
0x7: {  	s9 =	sadd.s32 $0xA2A00, s3;
	p0 =	seq.s32 s21, $0xF;
	s0 =	smul.u32 $0x280000, s5  }
0x8: {  	p1 =	sgt.u32 s21, $0x1;
	s4 =	ssub.s32 $0x2, s5;
	s5 =	smul.u32 $0x9F000, s5  }
0x9: {  	s20 =	sshrl.u32 s4, $0x1;
	s10 =	sor.u32 $0x1000, s7;
	s11 =	sadd.s32 $0x2000, s7  }
0xa: {  	s12 =	sadd.s32 $0x3000, s7;
	s14 =	sadd.s32 $0x4000, s7;
	s17 =	sadd.s32 $0x5000, s7  }
0xb: {  	s18 =	sadd.s32 $0x6000, s7;
	s15 =	sadd.s32 s6, s15;
	s0 =	sadd.s32 s2, s0  }
0xc: {  	[dreg:$0x6] =	wrdreg s15;
	s24 =	sadd.s32 s7, s5;
	s25 =	sadd.s32 s5, s10  }
0xd: {  	s2 =	sshrl.u32 s2, $0x2;
	s0 =	sshrl.u32 s0, $0x3;
	s15 =	sshrl.u32 s24, $0x3  }
0xe: {  	s24 =	sadd.s32 s5, s12;
	s8 =	sadd.s32 s0, s3;
	s0 =	ssub.s32 s4, s20  }
0xf: {  	s3 =	sadd.s32 $0xC80, s13;
	s4 =	sadd.s32 $0x1900, s13;
	s13 =	sadd.s32 $0x2580, s13  }
0x10: {  	s20 =	sadd.s32 s9, s15;
	s15 =	sshrl.u32 s24, $0x3;
	s24 =	sadd.s32 $0x8000, s7  }
0x11: {  	s16 =	sshll.u32 s3, $0x4;
	s19 =	sshll.u32 s4, $0x4;
	s26 =	sshll.u32 s13, $0x4  }
0x12: {  	[dreg:$0xa] =	wrdreg s20;
	s3 =	sshll.u32 s3, $0x7;
	s22 =	sadd.s32 s6, s16  }
0x13: {  	s23 =	sadd.s32 s6, s19;
	s16 =	sshrl.u32 s25, $0x3;
	[dreg:$0x7] =	wrdreg s22  }
0x14: {  	s6 =	sadd.s32 s6, s26;
	s25 =	sadd.s32 s5, s14;
	[dreg:$0x8] =	wrdreg s23  }
0x15: {  	s26 =	sadd.s32 s9, s15;
	s19 =	sadd.s32 s5, s18;
	[dreg:$0x9] =	wrdreg s6  }
0x16: {  	s22 =	sadd.s32 s9, s16;
	s23 =	sadd.s32 s5, s11;
	[dreg:$0xd] =	wrdreg s26  }
0x17: {  	s16 =	sshrl.u32 s25, $0x3;
	[dreg:$0xb] =	wrdreg s22;
	s6 =	sshrl.u32 s23, $0x3  }
0x18: {  	s15 =	sadd.s32 s9, s16;
	s16 =	sadd.s32 s5, s17;
	s6 =	sadd.s32 s9, s6  }
0x19: {  	[dreg:$0xe] =	wrdreg s15;
	s15 =	sshrl.u32 s16, $0x3;
	s16 =	sshrl.u32 s19, $0x3  }
0x1a: {  	[dreg:$0xc] =	wrdreg s6;
	s6 =	sadd.s32 $0x7000, s7;
	s15 =	sadd.s32 s9, s15  }
0x1b: {  	s22 =	sadd.s32 s9, s16;
	s16 =	rddreg [dreg:$0x3];
	s20 =	sadd.s32 s5, s6  }
0x1c: {  	s25 =	sadd.s32 s5, s24;
	[dreg:$0xf] =	wrdreg s15;
	s23 =	sshrl.u32 s20, $0x3  }
0x1d: {  	s7 =	sadd.s32 $0x9000, s7;
	[dreg:$0x10] =	wrdreg s22;
	s15 =	sadd.s32 s9, s23  }
0x1e: {  	s5 =	sadd.s32 s5, s7;
	s20 =	sshrl.u32 s25, $0x3;
	[dreg:$0x11] =	wrdreg s15  }
0x1f: {  	s5 =	sshrl.u32 s5, $0x3;
	s20 =	sadd.s32 s9, s20;
	s15 =	rddreg [dreg:$0x2]  }
0x20: {  	s4 =	sshll.u32 s4, $0x7;
	s5 =	sadd.s32 s9, s5;
	[dreg:$0x12] =	wrdreg s20  }
0x21: {  	s0 =	smax.u32 s0, $0x1;
	s26 =	sadd.s32 $0x2A00, s8;
	[dreg:$0x13] =	wrdreg s5  }
0x22: {  	s8 =	sadd.s32 s10, s16;
	_ =	strace $0x80000047;
	[dreg:$0x5] =	wrdreg s26  }
0x23: {  	s28 =	sadd.s32 s2, s16;
	s9 =	sadd.s32 s11, s16;
	[dreg:$0x15] =	wrdreg s8  }
0x24: {  	s10 =	sadd.s32 s12, s16;
	s12 =	sadd.s32 s14, s16;
	[dreg:$0x16] =	wrdreg s9  }
0x25: {  	s14 =	sadd.s32 s17, s16;
	s17 =	sadd.s32 s18, s16;
	[dreg:$0x17] =	wrdreg s10  }
0x26: {  	s18 =	sadd.s32 s6, s16;
	s22 =	sshll.u32 s13, $0x7;
	[dreg:$0x18] =	wrdreg s12  }
0x27: {  	s6 =	sadd.s32 s7, s16;
	s7 =	simm.s32 $0x20;
	[dreg:$0x19] =	wrdreg s14  }
0x28: {  	s13 =	simm.s32 $0x1D900;
	s11 =	smul.u32 $0x19000, s21;
	[dreg:$0x1a] =	wrdreg s17  }
0x29: {  	s21 =	simm.s32 $0x1DD80;
	s20 =	sadd.s32 s24, s16;
	[dreg:$0x1b] =	wrdreg s18  }
0x2a: {  	[dreg:$0x1c] =	wrdreg s20;
	s2 =	sshrl.u32 s11, $0x2;
	s3 =	sadd.s32 s3, s15  }
0x2b: {  	s4 =	sadd.s32 s4, s15;
	s5 =	sadd.s32 s22, s15;
	[dreg:$0x1d] =	wrdreg s0  }
0x2c: {  	s26 =	sadd.s32 $0x9000, s28;
	s8 =	simm.s32 $0x1;
	s9 =	simm.s32 $0x1D800  }
0x2d: {  	s10 =	simm.s32 $0x1D880;
	s11 =	simm.s32 $0x1EF80;
	s12 =	simm.s32 $0x2  }
0x2e: {  	s17 =	simm.s32 $0x3;
	s18 =	simm.s32 $0x1D980;
	s14 =	simm.s32 $0x1DB00  }
0x2f: {  	s20 =	simm.s32 $0x1DD00;
	s22 =	simm.s32 $0x1DE00;
	[dreg:$0x14] =	wrdreg s28  }
0x30: {  	s2 =	sadd.s32 s2, s15;
	s24 =	sshrl.u32 s3, $0x3;
	s25 =	sshrl.u32 s4, $0x3  }
0x31: {  	s0 =	sshrl.u32 @!p1 s5, $0x3;
	[smem:$0x7FD] =	sst s26;
	s4 =	simm.s32 $0x1DF80  }
0x32: {  	s5 =	simm.s32 $0x5;
	s3 =	simm.s32 $0x1DC80;
	[dreg:$0x1f] =	wrdreg s24  }
0x33: {  	s26 =	simm.s32 $0x0;
	s23 =	sshrl.u32 s2, $0x3;
	[smem:$0x7FA] =	sst s25  }
0x34: {  	[smem:$0x7FB] =	sst s0;
	s0 =	sshrl.u32 @!p0 s6, $0x3;
	s6 =	simm.s32 $0x1D780  }
0x35: {  	s2 =	simm.s32 $0x1DC00;
	s24 =	simm.s32 $0x1DF00;
	[dreg:$0x1e] =	wrdreg s23  }
0x36: {  	v0 =	vimm.f32 $0.0e+00;
	[smem:$0x7FC] =	sst s0;
	s0 =	simm.s32 $0x1DB80;
	s23 =	simm.s32 $0x1DE80  }
.LBB2_1:
0x37: {  	[smem:$0x7F9] =	sst s26;
	s25 =	simm.s32 $0x0;
	s26 =	simm.s32 $0x200  }
.LBB2_2:
0x38: {  	p2 =	sne.s32 s26, $0x3E00;
	[tilespmem:s25+$0x1DFF0] =	vst v0  }
0x39: {  	[tilespmem:s25+$0x1DF80] =	vst v0  }
0x3a: {  	[tilespmem:s25+$0x1DF90] =	vst v0  }
.Ltmp0:
0x3b: {  	[tilespmem:s25+$0x1DFA0] =	vst v0;
	(pc) =	sbr.rel @p2 .LBB2_2-.Ltmp0, $4  }
0x3c: {  	[tilespmem:s25+$0x1DFB0] =	vst v0  }
0x3d: {  	[tilespmem:s25+$0x1DFC0] =	vst v0  }
0x3e: {  	[tilespmem:s25+$0x1DFD0] =	vst v0  }
0x3f: {  	[tilespmem:s25+$0x1DFE0] =	vst v0;
	s25 =	sshra.s32 s26, $0x2;
	s26 =	sadd.s32 $0x200, s26  }
0x40: {  	[tilespmem:s25+$0x1DFF0] =	vst v0  }
0x41: {  	[tilespmem:s25+$0x1DF80] =	vst v0  }
0x42: {  	[tilespmem:s25+$0x1DF90] =	vst v0  }
0x43: {  	[tilespmem:s25+$0x1DFA0] =	vst v0  }
0x44: {  	[tilespmem:s25+$0x1DFB0] =	vst v0  }
0x45: {  	[tilespmem:s25+$0x1DFC0] =	vst v0  }
0x46: {  	[tilespmem:s25+$0x1DFD0] =	vst v0  }
0x47: {  	[tilespmem:s25+$0x1DFE0] =	vst v0  }
0x48: {  	[spmem:s28] =	stream.linear.scatter [tilespmem:s4], [sflag:$0x5], $0x1000, $0x38;
	[tilespmem:$0x1FF80] =	vst v63  }
0x49: {  	_ =	swait.ge [sflag:s5], $0x1000  }
0x4a: {  	[sflag:s5] =	ssyncset.done $0x0  }
0x4b: {  	s19 =	rddreg [dreg:$0x15];
	[sflag:s5] =	ssyncadd.s32 $0xFFFFF000  }
0x4c: {  	[spmem:s19] =	stream.linear.scatter [tilespmem:s4], [sflag:$0x5], $0x1000, $0x38;
	[tilespmem:$0x1FF80] =	vst v63  }
0x4d: {  	_ =	swait.ge [sflag:s5], $0x1000  }
0x4e: {  	[sflag:s5] =	ssyncset.done $0x0  }
0x4f: {  	s26 =	rddreg [dreg:$0x16];
	[sflag:s5] =	ssyncadd.s32 $0xFFFFF000  }
0x50: {  	[spmem:s26] =	stream.linear.scatter [tilespmem:s4], [sflag:$0x5], $0x1000, $0x38;
	[tilespmem:$0x1FF80] =	vst v63  }
0x51: {  	_ =	swait.ge [sflag:s5], $0x1000  }
0x52: {  	[sflag:s5] =	ssyncset.done $0x0  }
0x53: {  	s28 =	rddreg [dreg:$0x17];
	[sflag:s5] =	ssyncadd.s32 $0xFFFFF000  }
0x54: {  	[spmem:s28] =	stream.linear.scatter [tilespmem:s4], [sflag:$0x5], $0x1000, $0x38;
	[tilespmem:$0x1FF80] =	vst v63  }
0x55: {  	_ =	swait.ge [sflag:s5], $0x1000  }
0x56: {  	[sflag:s5] =	ssyncset.done $0x0  }
0x57: {  	s25 =	rddreg [dreg:$0x18];
	[sflag:s5] =	ssyncadd.s32 $0xFFFFF000  }
0x58: {  	[spmem:s25] =	stream.linear.scatter [tilespmem:s4], [sflag:$0x5], $0x1000, $0x38;
	[tilespmem:$0x1FF80] =	vst v63  }
0x59: {  	_ =	swait.ge [sflag:s5], $0x1000  }
0x5a: {  	[sflag:s5] =	ssyncset.done $0x0  }
0x5b: {  	s26 =	rddreg [dreg:$0x19];
	[sflag:s5] =	ssyncadd.s32 $0xFFFFF000  }
0x5c: {  	[spmem:s26] =	stream.linear.scatter [tilespmem:s4], [sflag:$0x5], $0x1000, $0x38;
	[tilespmem:$0x1FF80] =	vst v63  }
0x5d: {  	_ =	swait.ge [sflag:s5], $0x1000  }
0x5e: {  	[sflag:s5] =	ssyncset.done $0x0  }
0x5f: {  	s28 =	rddreg [dreg:$0x1a];
	[sflag:s5] =	ssyncadd.s32 $0xFFFFF000  }
0x60: {  	[spmem:s28] =	stream.linear.scatter [tilespmem:s4], [sflag:$0x5], $0x1000, $0x38;
	[tilespmem:$0x1FF80] =	vst v63  }
0x61: {  	_ =	swait.ge [sflag:s5], $0x1000  }
0x62: {  	[sflag:s5] =	ssyncset.done $0x0  }
0x63: {  	s25 =	rddreg [dreg:$0x1b];
	[sflag:s5] =	ssyncadd.s32 $0xFFFFF000  }
0x64: {  	[spmem:s25] =	stream.linear.scatter [tilespmem:s4], [sflag:$0x5], $0x1000, $0x38;
	[tilespmem:$0x1FF80] =	vst v63  }
0x65: {  	_ =	swait.ge [sflag:s5], $0x1000  }
0x66: {  	[sflag:s5] =	ssyncset.done $0x0  }
0x67: {  	s26 =	rddreg [dreg:$0x1c];
	[sflag:s5] =	ssyncadd.s32 $0xFFFFF000  }
0x68: {  	[spmem:s26] =	stream.linear.scatter [tilespmem:s4], [sflag:$0x5], $0x1000, $0x38;
	[tilespmem:$0x1FF80] =	vst v63  }
0x69: {  	_ =	swait.ge [sflag:s5], $0x1000  }
0x6a: {  	s19 =	sld [smem:$0x7FD]  }
0x6b: {  	[sflag:s5] =	ssyncset.done $0x0  }
0x6c: {  	s25 =	simm.s32 @!p0 $0x1DF80;
	[sflag:s5] =	ssyncadd.s32 $0xFFFFF000  }
0x6d: {  	[spmem:s19] =	stream.linear.scatter @!p0 [tilespmem:s25], [sflag:$0x5], $0x1000, $0x38;
	[tilespmem:$0x1FF80] =	vst v63  }
0x6e: {  	s25 =	simm.s32 @!p0 $0x5  }
0x6f: {  	s28 =	stileid.u32;
	_ =	swait.ge @!p0 [sflag:s25], $0x1000  }
0x70: {  	s26 =	sshll.u32 s28, $0x6;
	[sflag:s25] =	ssyncset.done @!p0 $0x0;
	s28 =	rddreg [dreg:$0x1e]  }
0x71: {  	[sflag:s25] =	ssyncadd.s32 @!p0 $0xFFFFF000;
	s25 =	sor.u32 $0x1C05, s26;
	s26 =	rddreg [dreg:$0x6]  }
0x72: {  	[spmem:s28], [sflag:s25] =	dma.local [hbm:s26], $0xC80  }
0x73: {  	_ =	swait.ge [sflag:s5], $0xC80  }
0x74: {  	[sflag:s5] =	ssyncset.done $0x0;
	s26 =	rddreg [dreg:$0x7]  }
0x75: {  	s28 =	rddreg [dreg:$0x1f];
	[sflag:s5] =	ssyncadd.s32 $0xFFFFF380  }
0x76: {  	[spmem:s28], [sflag:s25] =	dma.local [hbm:s26], $0xC80  }
0x77: {  	_ =	swait.ge [sflag:s5], $0xC80  }
0x78: {  	s28 =	sld [smem:$0x7FA]  }
0x79: {  	[sflag:s5] =	ssyncset.done $0x0  }
0x7a: {  	s26 =	rddreg [dreg:$0x8];
	[sflag:s5] =	ssyncadd.s32 $0xFFFFF380  }
0x7b: {  	[spmem:s28], [sflag:s25] =	dma.local [hbm:s26], $0xC80  }
0x7c: {  	_ =	swait.ge [sflag:s5], $0xC80  }
0x7d: {  	s26 =	sld [smem:$0x7FB]  }
0x7e: {  	[sflag:s5] =	ssyncset.done $0x0  }
0x7f: {  	s19 =	rddreg [dreg:$0x9];
	[sflag:s5] =	ssyncadd.s32 $0xFFFFF380  }
0x80: {  	[spmem:s26], [sflag:s25] =	dma.local @!p1 [hbm:s19], $0xC80  }
0x81: {  	s26 =	simm.s32 @!p1 $0x5  }
0x82: {  	_ =	swait.ge @!p1 [sflag:s26], $0xC80  }
0x83: {  	[sflag:s26] =	ssyncset.done @!p1 $0x0  }
0x84: {  	[sflag:s26] =	ssyncadd.s32 @!p1 $0xFFFFF380  }
0x85: {  	[bflag:$0x0] =	sbarrier.arrive $0xFFFF  }
0x86: {  	s28 =	rddreg [dreg:$0x5]  }
0x87: {  	s26 =	sadd.s32 $0x0, s28  }
0x88: {  	[tilespmem:s6], [sflag:$0x5] =	stream.linear.gather [hbm4b:s26+s1], $0x800, $0x38;
	[tilespmem:$0x1FF80] =	vst v63  }
0x89: {  	_ =	swait.ge [sflag:s5], $0x800  }
0x8a: {  	[sflag:s5] =	ssyncset.done $0x0  }
0x8b: {  	[sflag:s5] =	ssyncadd.s32 $0xFFFFF800  }
0x8c: {  	[tilespmem:s4], [sflag:$0x1] =	stream.indirect.gather [spmem:s15], $0x80, s6, s7, $0xb8;
	[tilespmem:$0x1FF80] =	vst v63  }
0x8d: {  	_ =	swait.ge [sflag:s8], $0x1000  }
0x8e: {  	[sflag:s8] =	ssyncset.done $0x0  }
0x8f: {  	[sflag:s8] =	ssyncadd.s32 $0xFFFFF000  }
0x90: {  	[spmem:s16] =	stream.indirect.scatter.add.f32 [tilespmem:s4], [sflag:$0x3], $0x80, s9, s7, $0xb8;
	[tilespmem:$0x1FF80] =	vst v63  }
0x91: {  	_ = 	snop  }
0x92: {  	[tilespmem:s11], [sflag:$0x2] =	stream.indirect.gather [spmem:s15], $0x80, s10, s7, $0xb8;
	[tilespmem:$0x1FF80] =	vst v63  }
0x93: {  	_ =	swait.ge [sflag:s12], $0x1000  }
0x94: {  	[sflag:s12] =	ssyncset.done $0x0  }
0x95: {  	[sflag:s12] =	ssyncadd.s32 $0xFFFFF000  }
0x96: {  	[spmem:s16] =	stream.indirect.scatter.add.f32 [tilespmem:s11], [sflag:$0x4], $0x80, s13, s7, $0xb8;
	[tilespmem:$0x1FF80] =	vst v63  }
0x97: {  	_ =	swait.ge [sflag:s17], $0x1000  }
0x98: {  	[sflag:s17] =	ssyncset.done $0x0  }
0x99: {  	[sflag:s17] =	ssyncadd.s32 $0xFFFFF000  }
0x9a: {  	[tilespmem:s4], [sflag:$0x1] =	stream.indirect.gather [spmem:s15], $0x80, s18, s7, $0xb8;
	[tilespmem:$0x1FF80] =	vst v63  }
0x9b: {  	_ =	swait.ge [sflag:s8], $0x1000  }
0x9c: {  	[sflag:s8] =	ssyncset.done $0x0  }
0x9d: {  	[sflag:s8] =	ssyncadd.s32 $0xFFFFF000  }
0x9e: {  	[spmem:s16] =	stream.indirect.scatter.add.f32 [tilespmem:s4], [sflag:$0x3], $0x80, s29, s7, $0xb8;
	[tilespmem:$0x1FF80] =	vst v63  }
0x9f: {  	_ =	swait.ge [sflag:s30], $0x1000  }
0xa0: {  	[sflag:s30] =	ssyncset.done $0x0  }
0xa1: {  	[sflag:s30] =	ssyncadd.s32 $0xFFFFF000  }
0xa2: {  	[tilespmem:s11], [sflag:$0x2] =	stream.indirect.gather [spmem:s15], $0x80, s31, s7, $0xb8;
	[tilespmem:$0x1FF80] =	vst v63  }
0xa3: {  	_ =	swait.ge [sflag:s12], $0x1000  }
0xa4: {  	[sflag:s12] =	ssyncset.done $0x0  }
0xa5: {  	[sflag:s12] =	ssyncadd.s32 $0xFFFFF000  }
0xa6: {  	[spmem:s16] =	stream.indirect.scatter.add.f32 [tilespmem:s11], [sflag:$0x4], $0x80, s14, s7, $0xb8;
	[tilespmem:$0x1FF80] =	vst v63  }
0xa7: {  	_ =	swait.ge [sflag:s17], $0x1000  }
0xa8: {  	[sflag:s17] =	ssyncset.done $0x0  }
0xa9: {  	[sflag:s17] =	ssyncadd.s32 $0xFFFFF000  }
0xaa: {  	[tilespmem:s4], [sflag:$0x1] =	stream.indirect.gather [spmem:s15], $0x80, s0, s7, $0xb8;
	[tilespmem:$0x1FF80] =	vst v63  }
0xab: {  	_ =	swait.ge [sflag:s8], $0x1000  }
0xac: {  	[sflag:s8] =	ssyncset.done $0x0  }
0xad: {  	[sflag:s8] =	ssyncadd.s32 $0xFFFFF000  }
0xae: {  	[spmem:s16] =	stream.indirect.scatter.add.f32 [tilespmem:s4], [sflag:$0x3], $0x80, s2, s7, $0xb8;
	[tilespmem:$0x1FF80] =	vst v63  }
0xaf: {  	_ =	swait.ge [sflag:s30], $0x1000  }
0xb0: {  	[sflag:s30] =	ssyncset.done $0x0  }
0xb1: {  	[sflag:s30] =	ssyncadd.s32 $0xFFFFF000  }
0xb2: {  	[tilespmem:s11], [sflag:$0x2] =	stream.indirect.gather [spmem:s15], $0x80, s3, s7, $0xb8;
	[tilespmem:$0x1FF80] =	vst v63  }
0xb3: {  	_ =	swait.ge [sflag:s12], $0x1000  }
0xb4: {  	[sflag:s12] =	ssyncset.done $0x0  }
0xb5: {  	[sflag:s12] =	ssyncadd.s32 $0xFFFFF000  }
0xb6: {  	[spmem:s16] =	stream.indirect.scatter.add.f32 [tilespmem:s11], [sflag:$0x4], $0x80, s20, s7, $0xb8;
	[tilespmem:$0x1FF80] =	vst v63  }
0xb7: {  	_ =	swait.ge [sflag:s17], $0x1000  }
0xb8: {  	[sflag:s17] =	ssyncset.done $0x0  }
0xb9: {  	[sflag:s17] =	ssyncadd.s32 $0xFFFFF000  }
0xba: {  	[tilespmem:s4], [sflag:$0x1] =	stream.indirect.gather [spmem:s15], $0x80, s21, s7, $0xb8;
	[tilespmem:$0x1FF80] =	vst v63  }
0xbb: {  	_ =	swait.ge [sflag:s8], $0x1000  }
0xbc: {  	[sflag:s8] =	ssyncset.done $0x0  }
0xbd: {  	[sflag:s8] =	ssyncadd.s32 $0xFFFFF000  }
0xbe: {  	[spmem:s16] =	stream.indirect.scatter.add.f32 [tilespmem:s4], [sflag:$0x3], $0x80, s22, s7, $0xb8;
	[tilespmem:$0x1FF80] =	vst v63  }
0xbf: {  	_ =	swait.ge [sflag:s30], $0x1000  }
0xc0: {  	[sflag:s30] =	ssyncset.done $0x0  }
0xc1: {  	[sflag:s30] =	ssyncadd.s32 $0xFFFFF000  }
0xc2: {  	[tilespmem:s11], [sflag:$0x2] =	stream.indirect.gather [spmem:s15], $0x80, s23, s7, $0xb8;
	[tilespmem:$0x1FF80] =	vst v63  }
0xc3: {  	_ =	swait.ge [sflag:s12], $0x1000  }
0xc4: {  	[sflag:s12] =	ssyncset.done $0x0  }
0xc5: {  	[sflag:s12] =	ssyncadd.s32 $0xFFFFF000  }
0xc6: {  	[spmem:s16] =	stream.indirect.scatter.add.f32 [tilespmem:s11], [sflag:$0x4], $0x80, s24, s7, $0xb8;
	[tilespmem:$0x1FF80] =	vst v63  }
0xc7: {  	_ =	swait.ge [sflag:s17], $0x1000  }
0xc8: {  	[sflag:s17] =	ssyncset.done $0x0  }
0xc9: {  	[sflag:s17] =	ssyncadd.s32 $0xFFFFF000  }
0xca: {  	_ =	swait.ge [sflag:s30], $0x1000  }
0xcb: {  	s26 =	simm.s32 $0x100;
	[sflag:s30] =	ssyncset.done $0x0  }
.LBB2_4:
0xcc: {  	s28 =	rddreg [dreg:$0x5];
	s19 =	smov.u32 s26  }
0xcd: {  	[sflag:s30] =	ssyncadd.s32 $0xFFFFF000;
	s19 =	sadd.s32 s19, s28  }
0xce: {  	[tilespmem:s6], [sflag:$0x5] =	stream.linear.gather [hbm4b:s19+s1], $0x800, $0x38;
	[tilespmem:$0x1FF80] =	vst v63  }
0xcf: {  	_ =	swait.ge [sflag:s5], $0x800  }
0xd0: {  	[sflag:s5] =	ssyncset.done $0x0  }
0xd1: {  	[sflag:s5] =	ssyncadd.s32 $0xFFFFF800  }
0xd2: {  	[tilespmem:s4], [sflag:$0x1] =	stream.indirect.gather [spmem:s15], $0x80, s6, s7, $0xb8;
	[tilespmem:$0x1FF80] =	vst v63  }
0xd3: {  	_ =	swait.ge [sflag:s8], $0x1000  }
0xd4: {  	[sflag:s8] =	ssyncset.done $0x0  }
0xd5: {  	[sflag:s8] =	ssyncadd.s32 $0xFFFFF000  }
0xd6: {  	[spmem:s16] =	stream.indirect.scatter.add.f32 [tilespmem:s4], [sflag:$0x3], $0x80, s9, s7, $0xb8;
	[tilespmem:$0x1FF80] =	vst v63  }
0xd7: {  	_ = 	snop  }
0xd8: {  	[tilespmem:s11], [sflag:$0x2] =	stream.indirect.gather [spmem:s15], $0x80, s10, s7, $0xb8;
	[tilespmem:$0x1FF80] =	vst v63  }
0xd9: {  	_ =	swait.ge [sflag:s12], $0x1000  }
0xda: {  	[sflag:s12] =	ssyncset.done $0x0  }
0xdb: {  	[sflag:s12] =	ssyncadd.s32 $0xFFFFF000  }
0xdc: {  	[spmem:s16] =	stream.indirect.scatter.add.f32 [tilespmem:s11], [sflag:$0x4], $0x80, s13, s7, $0xb8;
	[tilespmem:$0x1FF80] =	vst v63  }
0xdd: {  	_ =	swait.ge [sflag:s17], $0x1000  }
0xde: {  	[sflag:s17] =	ssyncset.done $0x0  }
0xdf: {  	[sflag:s17] =	ssyncadd.s32 $0xFFFFF000  }
0xe0: {  	[tilespmem:s4], [sflag:$0x1] =	stream.indirect.gather [spmem:s15], $0x80, s18, s7, $0xb8;
	[tilespmem:$0x1FF80] =	vst v63  }
0xe1: {  	_ =	swait.ge [sflag:s8], $0x1000  }
0xe2: {  	[sflag:s8] =	ssyncset.done $0x0  }
0xe3: {  	[sflag:s8] =	ssyncadd.s32 $0xFFFFF000  }
0xe4: {  	[spmem:s16] =	stream.indirect.scatter.add.f32 [tilespmem:s4], [sflag:$0x3], $0x80, s29, s7, $0xb8;
	[tilespmem:$0x1FF80] =	vst v63  }
0xe5: {  	_ =	swait.ge [sflag:s30], $0x1000  }
0xe6: {  	[sflag:s30] =	ssyncset.done $0x0  }
0xe7: {  	[sflag:s30] =	ssyncadd.s32 $0xFFFFF000  }
0xe8: {  	[tilespmem:s11], [sflag:$0x2] =	stream.indirect.gather [spmem:s15], $0x80, s31, s7, $0xb8;
	[tilespmem:$0x1FF80] =	vst v63  }
0xe9: {  	_ =	swait.ge [sflag:s12], $0x1000  }
0xea: {  	[sflag:s12] =	ssyncset.done $0x0  }
0xeb: {  	[sflag:s12] =	ssyncadd.s32 $0xFFFFF000  }
0xec: {  	[spmem:s16] =	stream.indirect.scatter.add.f32 [tilespmem:s11], [sflag:$0x4], $0x80, s14, s7, $0xb8;
	[tilespmem:$0x1FF80] =	vst v63  }
0xed: {  	_ =	swait.ge [sflag:s17], $0x1000  }
0xee: {  	[sflag:s17] =	ssyncset.done $0x0  }
0xef: {  	[sflag:s17] =	ssyncadd.s32 $0xFFFFF000  }
0xf0: {  	[tilespmem:s4], [sflag:$0x1] =	stream.indirect.gather [spmem:s15], $0x80, s0, s7, $0xb8;
	[tilespmem:$0x1FF80] =	vst v63  }
0xf1: {  	_ =	swait.ge [sflag:s8], $0x1000  }
0xf2: {  	[sflag:s8] =	ssyncset.done $0x0  }
0xf3: {  	[sflag:s8] =	ssyncadd.s32 $0xFFFFF000  }
0xf4: {  	[spmem:s16] =	stream.indirect.scatter.add.f32 [tilespmem:s4], [sflag:$0x3], $0x80, s2, s7, $0xb8;
	[tilespmem:$0x1FF80] =	vst v63  }
0xf5: {  	_ =	swait.ge [sflag:s30], $0x1000  }
0xf6: {  	[sflag:s30] =	ssyncset.done $0x0  }
0xf7: {  	[sflag:s30] =	ssyncadd.s32 $0xFFFFF000  }
0xf8: {  	[tilespmem:s11], [sflag:$0x2] =	stream.indirect.gather [spmem:s15], $0x80, s3, s7, $0xb8;
	[tilespmem:$0x1FF80] =	vst v63  }
0xf9: {  	_ =	swait.ge [sflag:s12], $0x1000  }
0xfa: {  	[sflag:s12] =	ssyncset.done $0x0  }
0xfb: {  	[sflag:s12] =	ssyncadd.s32 $0xFFFFF000  }
0xfc: {  	[spmem:s16] =	stream.indirect.scatter.add.f32 [tilespmem:s11], [sflag:$0x4], $0x80, s20, s7, $0xb8;
	[tilespmem:$0x1FF80] =	vst v63  }
0xfd: {  	_ =	swait.ge [sflag:s17], $0x1000  }
0xfe: {  	[sflag:s17] =	ssyncset.done $0x0  }
0xff: {  	[sflag:s17] =	ssyncadd.s32 $0xFFFFF000  }
0x100: {  	[tilespmem:s4], [sflag:$0x1] =	stream.indirect.gather [spmem:s15], $0x80, s21, s7, $0xb8;
	[tilespmem:$0x1FF80] =	vst v63  }
0x101: {  	_ =	swait.ge [sflag:s8], $0x1000  }
0x102: {  	[sflag:s8] =	ssyncset.done $0x0  }
0x103: {  	[sflag:s8] =	ssyncadd.s32 $0xFFFFF000  }
0x104: {  	[spmem:s16] =	stream.indirect.scatter.add.f32 [tilespmem:s4], [sflag:$0x3], $0x80, s22, s7, $0xb8;
	[tilespmem:$0x1FF80] =	vst v63  }
0x105: {  	_ =	swait.ge [sflag:s30], $0x1000  }
0x106: {  	[sflag:s30] =	ssyncset.done $0x0  }
0x107: {  	[sflag:s30] =	ssyncadd.s32 $0xFFFFF000  }
0x108: {  	[tilespmem:s11], [sflag:$0x2] =	stream.indirect.gather [spmem:s15], $0x80, s23, s7, $0xb8;
	[tilespmem:$0x1FF80] =	vst v63  }
0x109: {  	_ =	swait.ge [sflag:s12], $0x1000  }
0x10a: {  	[sflag:s12] =	ssyncset.done $0x0  }
0x10b: {  	p2 =	sne.s32 s26, $0x4F00;
	[sflag:s12] =	ssyncadd.s32 $0xFFFFF000  }
0x10c: {  	[spmem:s16] =	stream.indirect.scatter.add.f32 [tilespmem:s11], [sflag:$0x4], $0x80, s24, s7, $0xb8;
	[tilespmem:$0x1FF80] =	vst v63  }
.Ltmp1:
0x10d: {  	_ =	swait.ge [sflag:s17], $0x1000;
	(pc) =	sbr.rel @p2 .LBB2_4-.Ltmp1, $4  }
0x10e: {  	[sflag:s17] =	ssyncset.done $0x0  }
0x10f: {  	[sflag:s17] =	ssyncadd.s32 $0xFFFFF000  }
0x110: {  	_ =	swait.ge [sflag:s30], $0x1000  }
0x111: {  	s26 =	sadd.s32 $0x100, s26;
	[sflag:s30] =	ssyncset.done $0x0  }
0x112: {  	[sflag:s30] =	ssyncadd.s32 $0xFFFFF000  }
0x113: {  	[bflag:$0x0] =	sbarrier.arrive $0xFFFF  }
0x114: {  	s28 =	rddreg [dreg:$0x14]  }
0x115: {  	s26 =	rddreg [dreg:$0xa];
	s19 =	sshrl.u32 s28, $0x3  }
0x116: {  	[hbm:s26], [sflag:s25] =	dma.local [spmem:s19], $0x200  }
0x117: {  	_ =	swait.ge [sflag:s5], $0x200  }
0x118: {  	[sflag:s5] =	ssyncset.done $0x0;
	s26 =	rddreg [dreg:$0x15]  }
0x119: {  	[sflag:s5] =	ssyncadd.s32 $0xFFFFFE00;
	s19 =	sshrl.u32 s26, $0x3;
	s26 =	rddreg [dreg:$0xb]  }
0x11a: {  	[hbm:s26], [sflag:s25] =	dma.local [spmem:s19], $0x200  }
0x11b: {  	_ =	swait.ge [sflag:s5], $0x200  }
0x11c: {  	[sflag:s5] =	ssyncset.done $0x0;
	s26 =	rddreg [dreg:$0x16]  }
0x11d: {  	[sflag:s5] =	ssyncadd.s32 $0xFFFFFE00;
	s19 =	sshrl.u32 s26, $0x3;
	s26 =	rddreg [dreg:$0xc]  }
0x11e: {  	[hbm:s26], [sflag:s25] =	dma.local [spmem:s19], $0x200  }
0x11f: {  	_ =	swait.ge [sflag:s5], $0x200  }
0x120: {  	[sflag:s5] =	ssyncset.done $0x0;
	s26 =	rddreg [dreg:$0x17]  }
0x121: {  	[sflag:s5] =	ssyncadd.s32 $0xFFFFFE00;
	s19 =	sshrl.u32 s26, $0x3;
	s26 =	rddreg [dreg:$0xd]  }
0x122: {  	[hbm:s26], [sflag:s25] =	dma.local [spmem:s19], $0x200  }
0x123: {  	_ =	swait.ge [sflag:s5], $0x200  }
0x124: {  	[sflag:s5] =	ssyncset.done $0x0;
	s26 =	rddreg [dreg:$0x18]  }
0x125: {  	[sflag:s5] =	ssyncadd.s32 $0xFFFFFE00;
	s19 =	sshrl.u32 s26, $0x3;
	s26 =	rddreg [dreg:$0xe]  }
0x126: {  	[hbm:s26], [sflag:s25] =	dma.local [spmem:s19], $0x200  }
0x127: {  	_ =	swait.ge [sflag:s5], $0x200  }
0x128: {  	[sflag:s5] =	ssyncset.done $0x0;
	s26 =	rddreg [dreg:$0x19]  }
0x129: {  	[sflag:s5] =	ssyncadd.s32 $0xFFFFFE00;
	s19 =	sshrl.u32 s26, $0x3;
	s26 =	rddreg [dreg:$0xf]  }
0x12a: {  	[hbm:s26], [sflag:s25] =	dma.local [spmem:s19], $0x200  }
0x12b: {  	_ =	swait.ge [sflag:s5], $0x200  }
0x12c: {  	[sflag:s5] =	ssyncset.done $0x0;
	s26 =	rddreg [dreg:$0x1a]  }
0x12d: {  	[sflag:s5] =	ssyncadd.s32 $0xFFFFFE00;
	s19 =	sshrl.u32 s26, $0x3;
	s26 =	rddreg [dreg:$0x10]  }
0x12e: {  	[hbm:s26], [sflag:s25] =	dma.local [spmem:s19], $0x200  }
0x12f: {  	_ =	swait.ge [sflag:s5], $0x200  }
0x130: {  	[sflag:s5] =	ssyncset.done $0x0;
	s26 =	rddreg [dreg:$0x1b]  }
0x131: {  	[sflag:s5] =	ssyncadd.s32 $0xFFFFFE00;
	s19 =	sshrl.u32 s26, $0x3;
	s26 =	rddreg [dreg:$0x11]  }
0x132: {  	[hbm:s26], [sflag:s25] =	dma.local [spmem:s19], $0x200  }
0x133: {  	_ =	swait.ge [sflag:s5], $0x200  }
0x134: {  	[sflag:s5] =	ssyncset.done $0x0;
	s26 =	rddreg [dreg:$0x1c]  }
0x135: {  	[sflag:s5] =	ssyncadd.s32 $0xFFFFFE00;
	s19 =	sshrl.u32 s26, $0x3;
	s26 =	rddreg [dreg:$0x12]  }
0x136: {  	[hbm:s26], [sflag:s25] =	dma.local [spmem:s19], $0x200  }
0x137: {  	_ =	swait.ge [sflag:s5], $0x200  }
0x138: {  	s26 =	sld [smem:$0x7FC]  }
0x139: {  	[sflag:s5] =	ssyncset.done $0x0  }
0x13a: {  	s19 =	rddreg [dreg:$0x13];
	[sflag:s5] =	ssyncadd.s32 $0xFFFFFE00  }
0x13b: {  	[hbm:s19], [sflag:s25] =	dma.local @!p0 [spmem:s26], $0x200  }
0x13c: {  	s19 =	simm.s32 @!p0 $0x5  }
0x13d: {  	_ =	swait.ge @!p0 [sflag:s19], $0x200  }
0x13e: {  	s25 =	sld [smem:$0x7F9];
	_ =	sdelay $0x2  }
0x13f: {  	s26 =	sadd.s32 $0x1, s25;
	s25 =	rddreg [dreg:$0x1d]  }
0x140: {  	p2 =	sne.s32 s26, s25  }
.Ltmp2:
0x141: {  	_ = 	snop;
	(pc) =	sbr.rel @p2 .LBB2_1-.Ltmp2, $3  }
0x142: {  	_ =	sdelay $0x1  }
0x143: {  	[sflag:s19] =	ssyncset.done @!p0 $0x0  }
0x144: {  	[sflag:s19] =	ssyncadd.s32 @!p0 $0xFFFFFE00  }
0x145: {  	_ =	sfence.sel $0x180000  }
0x146: {  	[bflag:$0x0] =	sbarrier.arrive $0xFFFF  }
0x147: {  	_ =	strace $0x90000047  }
0x148: {  	s0 =	stileid.u32;
	[bflag:$0x2] =	sbarrier.arrive $0xFFFF  }
0x149: {  	p0 =	sne.s32 s0, $0x0;
	s0 =	rddreg [dreg:$0x4]  }
0x14a: {  	s0 =	sadd.s32 @!p0 $0x100000, s0  }
0x14b: {  	[sflag:s0] =	ssyncadd.tile.s32 @!p0 $0x1;
	_ =	shalt  }
.Lfunc_end2:
_tile_overlayer_lowered:
.L_overlay_start_2:
0x14c: {  	(tag) =	ssettag $0x2  }
0x14d: {  	s0 =	rddreg [dreg:$0x0];
	s2 =	stileid.u32  }
0x14e: {  	s1 =	rddreg [dreg:$0x1];
	p0 =	sne.s32 s2, $0x0  }
0x14f: {  	s3 =	rddreg [dreg:$0x2];
	[bflag:$0x3] =	sbarrier.arrive $0xFFFF;
	s2 =	simm.s32 @!p0 $0x1C05  }
0x150: {  	[timem:s3], [sflag:s2] =	dma.local @!p0 [hbm:s0], s1  }
0x151: {  	s0 =	simm.s32 @!p0 $0x5  }
0x152: {  	_ =	swait.ge @!p0 [sflag:s0], s1  }
0x153: {  	s1 =	ssub.s32 @!p0 $0x0, s1;
	[sflag:s0] =	ssyncset.done @!p0 $0x0  }
0x154: {  	[sflag:s0] =	ssyncadd.s32 @!p0 s1  }
0x155: {  	[bflag:$0x3] =	sbarrier.arrive $0xFFFF  }
0x156: {  	_ =	shalt  }

// kernel: kernel.9.cloned.1.call-start
scs
__scs_entry_jumppad:
0x0: {  	(pc) =	sbr.rel $0x88, $3  }
0x1: {  	(tag) =	ssettag $0x0;
	lr =	simm.s32 $0x1  }
0x2: {  	[smem:$0x3F97] =	sst lr;
	_ =	strace $0xD0000000  }
0x3: {  	_ = 	snop  }
0x4: {  	_ = 	snop  }
0x5: {  	_ = 	snop  }
0x6: {  	_ = 	snop  }
0x7: {  	_ = 	snop  }
__scs_overlays_trampoline_lowered:
0x8: {  	[smem:$0x3FA6] =	sst s0  }
0x9: {  	[smem:$0x3FA7] =	sst s1  }
0xa: {  	[smem:$0x3FA8] =	sst s2  }
0xb: {  	[smem:$0x3FA9] =	sst s3  }
0xc: {  	[smem:$0x3FAA] =	sst s4  }
0xd: {  	[smem:$0x3FAB] =	sst s5  }
0xe: {  	[smem:$0x3FAC] =	sst s6  }
0xf: {  	[smem:$0x3FAD] =	sst s7  }
0x10: {  	[smem:$0x3FAE] =	sst s8  }
0x11: {  	[smem:$0x3FAF] =	sst s9;
	s0 =	simm.s32 @!p0 $0x0  }
0x12: {  	s1 =	sld [smem:$0x3F95];
	s0 =	simm.s32 @p0 $0x1  }
0x13: {  	[smem:$0x3FB0] =	sst s0;
	s0 =	simm.s32 @!p1 $0x0  }
0x14: {  	s2 =	sld [smem:$0x3F94];
	s0 =	simm.s32 @p1 $0x1  }
0x15: {  	[smem:$0x3FB1] =	sst s0;
	s0 =	simm.s32 @!p2 $0x0  }
0x16: {  	s3 =	sld [smem:$0x3FDB];
	s0 =	simm.s32 @p2 $0x1  }
0x17: {  	s4 =	simm.s32 $0x1BF5;
	[smem:$0x3FB3] =	sst s0  }
0x18: {  	s0 =	sld [smem:$0x3F96];
	_ =	swait.ge [sflag:s4], $0x0  }
0x19: {  	s7 =	sld [smem:$0x3F97]  }
0x1a: {  	s8 =	sadd.s32 $0xFFFFE003, lr  }
0x1b: {  	s9 =	sadd.s32 $0xFFFFFEF7, lr;
	s5 =	simm.s32 $0xFFFFFFFF;
	p2 =	slt.u32 s8, $0xFFFFF086  }
0x1c: {  	p1 =	slt.u32 s9, $0xF7A;
	s5 =	simm.s32 @!p2 $0x0  }
0x1d: {  	s5 =	simm.s32 @p1 $0x1;
	p0 =	seq.s32 s7, s2  }
0x1e: {  	s7 =	smul.u32 @!p0 $0xF7A, s2;
	p2 =	seq.s32 @!p0 s5, $0x0  }
0x1f: {  	s9 =	smul.u32 $0xF7A, s1;
	s8 =	simm.s32 @!p0 $0x1BF5;
	p2 =	por !p2, p0  }
0x20: {  	[sflag:s8] =	ssyncset.s32 @!p0 $0xFFFFF086;
	s6 =	sadd.s32 @!p0 s3, s7;
	s7 =	simm.s32 @!p0 $0x108  }
0x21: {  	s3 =	sadd.s32 s3, s9;
	s6 =	sadd.s32 @!p0 $0x88, s6;
	s7 =	simm.s32 @p2 $0x1082  }
0x22: {  	[simem:s7], [sflag:s8] =	dma.local @!p0 [hbm:s6], $0xF7A  }
0x23: {  	s9 =	sor.u32 $0xD0000000, s2;
	s6 =	simm.s32 $0x108;
	_ =	swait.ge @!p0 [sflag:s8], $0x0  }
0x24: {  	s3 =	sadd.s32 $0x88, s3;
	s6 =	simm.s32 @!p1 $0x1082;
	[sflag:s4] =	ssyncset.s32 $0xFFFFF086  }
0x25: {  	[simem:s6], [sflag:s4] =	dma.local [hbm:s3], $0xF7A  }
0x26: {  	[smem:$0x3F97] =	sst s1;
	(tag) =	ssettag s2;
	_ =	strace s9  }
0x27: {  	s1 =	sld [smem:$0x3FA7]  }
0x28: {  	s2 =	sld [smem:$0x3FA8]  }
0x29: {  	s4 =	sld [smem:$0x3FAA]  }
0x2a: {  	p0 =	seq.s32 s5, $0x0;
	s5 =	sld [smem:$0x3FAB]  }
0x2b: {  	s6 =	sld [smem:$0x3FAC]  }
0x2c: {  	s7 =	sld [smem:$0x3FAD]  }
0x2d: {  	s3 =	simm.s32 $0x108;
	s8 =	sld [smem:$0x3FAE]  }
0x2e: {  	s3 =	simm.s32 @!p0 $0x1082;
	s9 =	sld [smem:$0x3FAF]  }
0x2f: {  	lr =	sadd.s32 s0, s3;
	s0 =	sld [smem:$0x3FA6]  }
0x30: {  	s3 =	sld [smem:$0x3FA9]  }
0x31: {  	[smem:$0x3FB2] =	sst s10  }
0x32: {  	s10 =	sld [smem:$0x3FB0];
	_ =	sdelay $0x3  }
0x33: {  	p0 =	seq.s32 s10, $0x1;
	s10 =	sld [smem:$0x3FB2];
	_ =	sdelay $0x3  }
0x34: {  	[smem:$0x3FB2] =	sst s10  }
0x35: {  	s10 =	sld [smem:$0x3FB1];
	_ =	sdelay $0x3  }
0x36: {  	p1 =	seq.s32 s10, $0x1;
	s10 =	sld [smem:$0x3FB2];
	_ =	sdelay $0x3  }
0x37: {  	[smem:$0x3FB2] =	sst s10  }
0x38: {  	s10 =	sld [smem:$0x3FB3]  }
0x39: {  	_ = 	snop;
	(pc) =	sbr.ind lr, $3  }
0x3a: {  	_ = 	snop  }
0x3b: {  	_ = 	snop  }
0x3c: {  	p2 =	seq.s32 s10, $0x1;
	s10 =	sld [smem:$0x3FB2]  }
0x3d: {  	_ =	shalt  }
0x3e: {  	_ =	shalt  }
0x3f: {  	_ =	shalt  }
0x40: {  	_ =	shalt  }
0x41: {  	_ =	shalt  }
0x42: {  	_ =	shalt  }
0x43: {  	_ =	shalt  }
0x44: {  	_ =	shalt  }
0x45: {  	_ =	shalt  }
0x46: {  	_ =	shalt  }
0x47: {  	_ =	shalt  }
0x48: {  	_ =	shalt  }
0x49: {  	_ =	shalt  }
0x4a: {  	_ =	shalt  }
0x4b: {  	_ =	shalt  }
0x4c: {  	_ =	shalt  }
0x4d: {  	_ =	shalt  }
0x4e: {  	_ =	shalt  }
0x4f: {  	_ =	shalt  }
0x50: {  	_ =	shalt  }
0x51: {  	_ =	shalt  }
0x52: {  	_ =	shalt  }
0x53: {  	_ =	shalt  }
0x54: {  	_ =	shalt  }
0x55: {  	_ =	shalt  }
0x56: {  	_ =	shalt  }
0x57: {  	_ =	shalt  }
0x58: {  	_ =	shalt  }
0x59: {  	_ =	shalt  }
0x5a: {  	_ =	shalt  }
0x5b: {  	_ =	shalt  }
0x5c: {  	_ =	shalt  }
0x5d: {  	_ =	shalt  }
0x5e: {  	_ =	shalt  }
0x5f: {  	_ =	shalt  }
0x60: {  	_ =	shalt  }
0x61: {  	_ =	shalt  }
0x62: {  	_ =	shalt  }
0x63: {  	_ =	shalt  }
0x64: {  	_ =	shalt  }
0x65: {  	_ =	shalt  }
0x66: {  	_ =	shalt  }
0x67: {  	_ =	shalt  }
0x68: {  	_ =	shalt  }
0x69: {  	_ =	shalt  }
0x6a: {  	_ =	shalt  }
0x6b: {  	_ =	shalt  }
0x6c: {  	_ =	shalt  }
0x6d: {  	_ =	shalt  }
0x6e: {  	_ =	shalt  }
0x6f: {  	_ =	shalt  }
0x70: {  	_ =	shalt  }
0x71: {  	_ =	shalt  }
0x72: {  	_ =	shalt  }
0x73: {  	_ =	shalt  }
0x74: {  	_ =	shalt  }
0x75: {  	_ =	shalt  }
0x76: {  	_ =	shalt  }
0x77: {  	_ =	shalt  }
0x78: {  	_ =	shalt  }
0x79: {  	_ =	shalt  }
0x7a: {  	_ =	shalt  }
0x7b: {  	_ =	shalt  }
0x7c: {  	_ =	shalt  }
0x7d: {  	_ =	shalt  }
0x7e: {  	_ =	shalt  }
0x7f: {  	_ =	shalt  }
0x80: {  	_ =	shalt  }
0x81: {  	_ =	shalt  }
0x82: {  	_ =	shalt  }
0x83: {  	_ =	shalt  }
0x84: {  	_ =	shalt  }
0x85: {  	_ =	shalt  }
0x86: {  	_ =	shalt  }
0x87: {  	_ =	shalt  }
.Lfunc_end0:
.L_simem_size_0:
called_computation.1_lowered:
.L_overlay_start_0:
0x88: {  	s2 =	sld [smem:$0x3FD9]  }
0x89: {  	s3 =	sld [smem:$0x3FFE];
	_ =	sdelay $0x1  }
0x8a: {  	s1 =	srdreg.scid  }
0x8b: {  	s0 =	sand.u32 $0x1, s1  }
0x8c: {  	s17 =	sshll.u32 s0, $0xA;
	s2 =	sadd.s32 s3, s2  }
0x8d: {  	s2 =	sadd.s32 s2, s17  }
0x8e: {  	[smem:$0x3FBE] =	sst s2  }
0x8f: {  	_ = 	snop  }
0x90: {  	s2 =	sld [smem:$0x3FD0];
	(tm) =	ssettm $0x1  }
0x91: {  	s18 =	sld [smem:$0x3FFB];
	_ =	sdelay $0x3  }
0x92: {  	_ =	strace s18  }
0x93: {  	s3 =	sld [smem:$0x3FFC];
	_ =	sdelay $0x3  }
0x94: {  	_ =	strace s3  }
0x95: {  	s3 =	sld [smem:$0x3FFD];
	_ =	sdelay $0x3  }
0x96: {  	_ =	strace s3  }
0x97: {  	_ =	strace $0x8FFFFFFF  }
0x98: {  	s19 =	sld [smem:$0x3FDB];
	_ =	sdelay $0x1  }
0x99: {  	s4 =	simm.s32 $_scs_section_size  }
0x9a: {  	s5 =	simm.s32 $_size__tile_overlayer_lowered;
	s6 =	simm.s32 $_tile_overlayer_lowered  }
0x9b: {  	s22 =	simm.s32 $0x1BFF;
	s21 =	sshll.u32 s6, $0x1;
	s3 =	sadd.s32 s4, s19  }
0x9c: {  	s7 =	simm.s32 $0x0;
	s20 =	sshll.u32 s5, $0x1;
	s5 =	sadd.s32 s21, s3  }
0x9d: {  	[timem:s7], [sflag:s22] =	dma.local [hbm:s5], s20  }
0x9e: {  	_ =	swait.ge [sflag:s22], s20  }
0x9f: {  	s4 =	ssub.s32 $0x0, s20;
	[sflag:s22] =	ssyncset.done $0x0  }
0xa0: {  	[sflag:s22] =	ssyncadd.s32 s4;
	_ =	sdelay $0x1  }
0xa1: {  	s23 =	simm.s32 $0x1B8B  }
0xa2: {  	_ =	swait.ge [sflag:s23], $0x1  }
0xa3: {  	[sflag:s23] =	ssyncset.done $0x0  }
0xa4: {  	s25 =	simm.s32 $0x1B8E;
	s24 =	sld [smem:$0x3FFE];
	[sflag:s23] =	ssyncadd.s32 $0xFFFFFFFF  }
0xa5: {  	s26 =	simm.s32 $execute0_lowered;
	[smem:$0x3FD2] =	sst s25  }
0xa6: {  	s5 =	sshll.u32 s26, $0x1;
	_ =	strace $0x80000049;
	[dreg:$0x1] =	wrdreg $0xFFFFFFFF  }
0xa7: {  	s28 =	simm.s32 $_size_execute0_lowered;
	s3 =	sadd.s32 s3, s5;
	[dreg:$0x0] =	wrdreg $0x0  }
0xa8: {  	s5 =	sshll.u32 s28, $0x1;
	[dreg:$0x2] =	wrdreg s3  }
0xa9: {  	[dreg:$0x3] =	wrdreg s5  }
0xaa: {  	[dreg:$0x4] =	wrdreg $0xC0  }
0xab: {  	_ =	task [dreg:s7], $0x5FFFF  }
0xac: {  	[dreg:$0x1] =	wrdreg $0xFFFFFFFF  }
0xad: {  	[dreg:$0x0] =	wrdreg $0x60  }
0xae: {  	[dreg:$0x2] =	wrdreg s2  }
0xaf: {  	[dreg:$0x3] =	wrdreg s24  }
0xb0: {  	[dreg:$0x4] =	wrdreg $0x0  }
0xb1: {  	[dreg:$0x5] =	wrdreg $0x138800  }
0xb2: {  	[dreg:$0x6] =	wrdreg $0x9  }
0xb3: {  	_ =	task.clear_ibuf [dreg:s7], $0x7FFFF;
	_ =	strace $0x90000049  }
0xb4: {  	s29 =	simm.s32 $0x9;
	_ =	strace $0x8000004B  }
0xb5: {  	_ =	swait.ge [sflag:s29], $0x1  }
0xb6: {  	[sflag:s29] =	ssyncadd.s32 $0xFFFFFFFF  }
0xb7: {  	_ =	strace $0x9000004B  }
0xb8: {  	_ =	sfence  }
0xb9: {  	s30 =	sld [smem:$0x0];
	_ =	sdelay $0x2  }
0xba: {  	s31 =	sshll.u32 s1, $0xD;
	s1 =	sshrl.u32 s1, $0x2  }
0xbb: {  	s3 =	sand.u32 $0x4000, s31;
	s1 =	sadd.s32 s1, s30  }
0xbc: {  	s0 =	sor.u32 s3, s0;
	s1 =	sshll.u32 s1, $0x11  }
0xbd: {  	s0 =	sor.u32 s1, s0  }
0xbe: {  	s0 =	sadd.s32 $0x8F2B, s0  }
0xbf: {  	[sflag:s0] =	ssyncadd.remote.s32 $0x1  }
0xc0: {  	_ =	sfence.sel $0xFFFF  }
0xc1: {  	[dreg:$0x0] =	wrdreg $0xFFFFFFFF;
	(pc) =	sbr.abs _section_cstart, $3  }
0xc2: {  	[dreg:$0x1] =	wrdreg $0xFFFFFFFF  }
0xc3: {  	_ =	task.clear_ibuf [dreg:s7], $0x2FFFF;
	_ =	strace $0x9FFFFFFF  }
0xc4: {  	(tm) =	ssettm $0x7FFFFFFF  }
0xc5: {  	_ =	shalt  }
tec
execute0_lowered:
.L_overlay_start_1:
0x0: {  	(tag) =	ssettag $0x1  }
0x1: {  	s0 =	srdreg.scid  }
0x2: {  	s21 =	stileid.u32;
	s6 =	rddreg [dreg:$0x0]  }
0x3: {  	s3 =	rddreg [dreg:$0x1];
	s2 =	smul.u32 $0x28000, s21  }
0x4: {  	s1 =	simm.s32 $0x0;
	s29 =	simm.s32 $0x1DA00;
	s7 =	smul.u32 $0xA000, s21  }
0x5: {  	s30 =	simm.s32 $0x4;
	s31 =	simm.s32 $0x1DA80;
	s13 =	smul.u32 $0xC8, s21  }
0x6: {  	s5 =	sand.u32 $0x1, s0;
	[smem:$0x7FF] =	sst s1;
	s15 =	smul.u32 $0xC80, s21  }
0x7: {  	s9 =	sadd.s32 $0xA2A00, s3;
	p0 =	seq.s32 s21, $0xF;
	s0 =	smul.u32 $0x280000, s5  }
0x8: {  	p1 =	sgt.u32 s21, $0x1;
	s4 =	ssub.s32 $0x2, s5;
	s5 =	smul.u32 $0x9F000, s5  }
0x9: {  	s20 =	sshrl.u32 s4, $0x1;
	s10 =	sor.u32 $0x1000, s7;
	s11 =	sadd.s32 $0x2000, s7  }
0xa: {  	s12 =	sadd.s32 $0x3000, s7;
	s14 =	sadd.s32 $0x4000, s7;
	s17 =	sadd.s32 $0x5000, s7  }
0xb: {  	s18 =	sadd.s32 $0x6000, s7;
	s15 =	sadd.s32 s6, s15;
	s0 =	sadd.s32 s2, s0  }
0xc: {  	[dreg:$0x6] =	wrdreg s15;
	s24 =	sadd.s32 s7, s5;
	s25 =	sadd.s32 s5, s10  }
0xd: {  	s2 =	sshrl.u32 s2, $0x2;
	s0 =	sshrl.u32 s0, $0x3;
	s15 =	sshrl.u32 s24, $0x3  }
0xe: {  	s24 =	sadd.s32 s5, s12;
	s8 =	sadd.s32 s0, s3;
	s0 =	ssub.s32 s4, s20  }
0xf: {  	s3 =	sadd.s32 $0xC80, s13;
	s4 =	sadd.s32 $0x1900, s13;
	s13 =	sadd.s32 $0x2580, s13  }
0x10: {  	s20 =	sadd.s32 s9, s15;
	s15 =	sshrl.u32 s24, $0x3;
	s24 =	sadd.s32 $0x8000, s7  }
0x11: {  	s16 =	sshll.u32 s3, $0x4;
	s19 =	sshll.u32 s4, $0x4;
	s26 =	sshll.u32 s13, $0x4  }
0x12: {  	[dreg:$0xa] =	wrdreg s20;
	s3 =	sshll.u32 s3, $0x7;
	s22 =	sadd.s32 s6, s16  }
0x13: {  	s23 =	sadd.s32 s6, s19;
	s16 =	sshrl.u32 s25, $0x3;
	[dreg:$0x7] =	wrdreg s22  }
0x14: {  	s6 =	sadd.s32 s6, s26;
	s25 =	sadd.s32 s5, s14;
	[dreg:$0x8] =	wrdreg s23  }
0x15: {  	s26 =	sadd.s32 s9, s15;
	s19 =	sadd.s32 s5, s18;
	[dreg:$0x9] =	wrdreg s6  }
0x16: {  	s22 =	sadd.s32 s9, s16;
	s23 =	sadd.s32 s5, s11;
	[dreg:$0xd] =	wrdreg s26  }
0x17: {  	s16 =	sshrl.u32 s25, $0x3;
	[dreg:$0xb] =	wrdreg s22;
	s6 =	sshrl.u32 s23, $0x3  }
0x18: {  	s15 =	sadd.s32 s9, s16;
	s16 =	sadd.s32 s5, s17;
	s6 =	sadd.s32 s9, s6  }
0x19: {  	[dreg:$0xe] =	wrdreg s15;
	s15 =	sshrl.u32 s16, $0x3;
	s16 =	sshrl.u32 s19, $0x3  }
0x1a: {  	[dreg:$0xc] =	wrdreg s6;
	s6 =	sadd.s32 $0x7000, s7;
	s15 =	sadd.s32 s9, s15  }
0x1b: {  	s22 =	sadd.s32 s9, s16;
	s16 =	rddreg [dreg:$0x3];
	s20 =	sadd.s32 s5, s6  }
0x1c: {  	s25 =	sadd.s32 s5, s24;
	[dreg:$0xf] =	wrdreg s15;
	s23 =	sshrl.u32 s20, $0x3  }
0x1d: {  	s7 =	sadd.s32 $0x9000, s7;
	[dreg:$0x10] =	wrdreg s22;
	s15 =	sadd.s32 s9, s23  }
0x1e: {  	s5 =	sadd.s32 s5, s7;
	s20 =	sshrl.u32 s25, $0x3;
	[dreg:$0x11] =	wrdreg s15  }
0x1f: {  	s5 =	sshrl.u32 s5, $0x3;
	s20 =	sadd.s32 s9, s20;
	s15 =	rddreg [dreg:$0x2]  }
0x20: {  	s4 =	sshll.u32 s4, $0x7;
	s5 =	sadd.s32 s9, s5;
	[dreg:$0x12] =	wrdreg s20  }
0x21: {  	s0 =	smax.u32 s0, $0x1;
	s26 =	sadd.s32 $0x2A00, s8;
	[dreg:$0x13] =	wrdreg s5  }
0x22: {  	s8 =	sadd.s32 s10, s16;
	_ =	strace $0x8000004A;
	[dreg:$0x5] =	wrdreg s26  }
0x23: {  	s28 =	sadd.s32 s2, s16;
	s9 =	sadd.s32 s11, s16;
	[dreg:$0x15] =	wrdreg s8  }
0x24: {  	s10 =	sadd.s32 s12, s16;
	s12 =	sadd.s32 s14, s16;
	[dreg:$0x16] =	wrdreg s9  }
0x25: {  	s14 =	sadd.s32 s17, s16;
	s17 =	sadd.s32 s18, s16;
	[dreg:$0x17] =	wrdreg s10  }
0x26: {  	s18 =	sadd.s32 s6, s16;
	s22 =	sshll.u32 s13, $0x7;
	[dreg:$0x18] =	wrdreg s12  }
0x27: {  	s6 =	sadd.s32 s7, s16;
	s7 =	simm.s32 $0x20;
	[dreg:$0x19] =	wrdreg s14  }
0x28: {  	s13 =	simm.s32 $0x1D900;
	s11 =	smul.u32 $0x19000, s21;
	[dreg:$0x1a] =	wrdreg s17  }
0x29: {  	s21 =	simm.s32 $0x1DD80;
	s20 =	sadd.s32 s24, s16;
	[dreg:$0x1b] =	wrdreg s18  }
0x2a: {  	[dreg:$0x1c] =	wrdreg s20;
	s2 =	sshrl.u32 s11, $0x2;
	s3 =	sadd.s32 s3, s15  }
0x2b: {  	s4 =	sadd.s32 s4, s15;
	s5 =	sadd.s32 s22, s15;
	[dreg:$0x1d] =	wrdreg s0  }
0x2c: {  	s26 =	sadd.s32 $0x9000, s28;
	s8 =	simm.s32 $0x1;
	s9 =	simm.s32 $0x1D800  }
0x2d: {  	s10 =	simm.s32 $0x1D880;
	s11 =	simm.s32 $0x1EF80;
	s12 =	simm.s32 $0x2  }
0x2e: {  	s17 =	simm.s32 $0x3;
	s18 =	simm.s32 $0x1D980;
	s14 =	simm.s32 $0x1DB00  }
0x2f: {  	s20 =	simm.s32 $0x1DD00;
	s22 =	simm.s32 $0x1DE00;
	[dreg:$0x14] =	wrdreg s28  }
0x30: {  	s2 =	sadd.s32 s2, s15;
	s24 =	sshrl.u32 s3, $0x3;
	s25 =	sshrl.u32 s4, $0x3  }
0x31: {  	s0 =	sshrl.u32 @!p1 s5, $0x3;
	[smem:$0x7FD] =	sst s26;
	s4 =	simm.s32 $0x1DF80  }
0x32: {  	s5 =	simm.s32 $0x5;
	s3 =	simm.s32 $0x1DC80;
	[dreg:$0x1f] =	wrdreg s24  }
0x33: {  	s26 =	simm.s32 $0x0;
	s23 =	sshrl.u32 s2, $0x3;
	[smem:$0x7FA] =	sst s25  }
0x34: {  	[smem:$0x7FB] =	sst s0;
	s0 =	sshrl.u32 @!p0 s6, $0x3;
	s6 =	simm.s32 $0x1D780  }
0x35: {  	s2 =	simm.s32 $0x1DC00;
	s24 =	simm.s32 $0x1DF00;
	[dreg:$0x1e] =	wrdreg s23  }
0x36: {  	v0 =	vimm.f32 $0.0e+00;
	[smem:$0x7FC] =	sst s0;
	s0 =	simm.s32 $0x1DB80;
	s23 =	simm.s32 $0x1DE80  }
.LBB2_1:
0x37: {  	[smem:$0x7F9] =	sst s26;
	s25 =	simm.s32 $0x0;
	s26 =	simm.s32 $0x200  }
.LBB2_2:
0x38: {  	p2 =	sne.s32 s26, $0x3E00;
	[tilespmem:s25+$0x1DFF0] =	vst v0  }
0x39: {  	[tilespmem:s25+$0x1DF80] =	vst v0  }
0x3a: {  	[tilespmem:s25+$0x1DF90] =	vst v0  }
.Ltmp0:
0x3b: {  	[tilespmem:s25+$0x1DFA0] =	vst v0;
	(pc) =	sbr.rel @p2 .LBB2_2-.Ltmp0, $4  }
0x3c: {  	[tilespmem:s25+$0x1DFB0] =	vst v0  }
0x3d: {  	[tilespmem:s25+$0x1DFC0] =	vst v0  }
0x3e: {  	[tilespmem:s25+$0x1DFD0] =	vst v0  }
0x3f: {  	[tilespmem:s25+$0x1DFE0] =	vst v0;
	s25 =	sshra.s32 s26, $0x2;
	s26 =	sadd.s32 $0x200, s26  }
0x40: {  	[tilespmem:s25+$0x1DFF0] =	vst v0  }
0x41: {  	[tilespmem:s25+$0x1DF80] =	vst v0  }
0x42: {  	[tilespmem:s25+$0x1DF90] =	vst v0  }
0x43: {  	[tilespmem:s25+$0x1DFA0] =	vst v0  }
0x44: {  	[tilespmem:s25+$0x1DFB0] =	vst v0  }
0x45: {  	[tilespmem:s25+$0x1DFC0] =	vst v0  }
0x46: {  	[tilespmem:s25+$0x1DFD0] =	vst v0  }
0x47: {  	[tilespmem:s25+$0x1DFE0] =	vst v0  }
0x48: {  	[spmem:s28] =	stream.linear.scatter [tilespmem:s4], [sflag:$0x5], $0x1000, $0x38;
	[tilespmem:$0x1FF80] =	vst v63  }
0x49: {  	_ =	swait.ge [sflag:s5], $0x1000  }
0x4a: {  	[sflag:s5] =	ssyncset.done $0x0  }
0x4b: {  	s19 =	rddreg [dreg:$0x15];
	[sflag:s5] =	ssyncadd.s32 $0xFFFFF000  }
0x4c: {  	[spmem:s19] =	stream.linear.scatter [tilespmem:s4], [sflag:$0x5], $0x1000, $0x38;
	[tilespmem:$0x1FF80] =	vst v63  }
0x4d: {  	_ =	swait.ge [sflag:s5], $0x1000  }
0x4e: {  	[sflag:s5] =	ssyncset.done $0x0  }
0x4f: {  	s26 =	rddreg [dreg:$0x16];
	[sflag:s5] =	ssyncadd.s32 $0xFFFFF000  }
0x50: {  	[spmem:s26] =	stream.linear.scatter [tilespmem:s4], [sflag:$0x5], $0x1000, $0x38;
	[tilespmem:$0x1FF80] =	vst v63  }
0x51: {  	_ =	swait.ge [sflag:s5], $0x1000  }
0x52: {  	[sflag:s5] =	ssyncset.done $0x0  }
0x53: {  	s28 =	rddreg [dreg:$0x17];
	[sflag:s5] =	ssyncadd.s32 $0xFFFFF000  }
0x54: {  	[spmem:s28] =	stream.linear.scatter [tilespmem:s4], [sflag:$0x5], $0x1000, $0x38;
	[tilespmem:$0x1FF80] =	vst v63  }
0x55: {  	_ =	swait.ge [sflag:s5], $0x1000  }
0x56: {  	[sflag:s5] =	ssyncset.done $0x0  }
0x57: {  	s25 =	rddreg [dreg:$0x18];
	[sflag:s5] =	ssyncadd.s32 $0xFFFFF000  }
0x58: {  	[spmem:s25] =	stream.linear.scatter [tilespmem:s4], [sflag:$0x5], $0x1000, $0x38;
	[tilespmem:$0x1FF80] =	vst v63  }
0x59: {  	_ =	swait.ge [sflag:s5], $0x1000  }
0x5a: {  	[sflag:s5] =	ssyncset.done $0x0  }
0x5b: {  	s26 =	rddreg [dreg:$0x19];
	[sflag:s5] =	ssyncadd.s32 $0xFFFFF000  }
0x5c: {  	[spmem:s26] =	stream.linear.scatter [tilespmem:s4], [sflag:$0x5], $0x1000, $0x38;
	[tilespmem:$0x1FF80] =	vst v63  }
0x5d: {  	_ =	swait.ge [sflag:s5], $0x1000  }
0x5e: {  	[sflag:s5] =	ssyncset.done $0x0  }
0x5f: {  	s28 =	rddreg [dreg:$0x1a];
	[sflag:s5] =	ssyncadd.s32 $0xFFFFF000  }
0x60: {  	[spmem:s28] =	stream.linear.scatter [tilespmem:s4], [sflag:$0x5], $0x1000, $0x38;
	[tilespmem:$0x1FF80] =	vst v63  }
0x61: {  	_ =	swait.ge [sflag:s5], $0x1000  }
0x62: {  	[sflag:s5] =	ssyncset.done $0x0  }
0x63: {  	s25 =	rddreg [dreg:$0x1b];
	[sflag:s5] =	ssyncadd.s32 $0xFFFFF000  }
0x64: {  	[spmem:s25] =	stream.linear.scatter [tilespmem:s4], [sflag:$0x5], $0x1000, $0x38;
	[tilespmem:$0x1FF80] =	vst v63  }
0x65: {  	_ =	swait.ge [sflag:s5], $0x1000  }
0x66: {  	[sflag:s5] =	ssyncset.done $0x0  }
0x67: {  	s26 =	rddreg [dreg:$0x1c];
	[sflag:s5] =	ssyncadd.s32 $0xFFFFF000  }
0x68: {  	[spmem:s26] =	stream.linear.scatter [tilespmem:s4], [sflag:$0x5], $0x1000, $0x38;
	[tilespmem:$0x1FF80] =	vst v63  }
0x69: {  	_ =	swait.ge [sflag:s5], $0x1000  }
0x6a: {  	s19 =	sld [smem:$0x7FD]  }
0x6b: {  	[sflag:s5] =	ssyncset.done $0x0  }
0x6c: {  	s25 =	simm.s32 @!p0 $0x1DF80;
	[sflag:s5] =	ssyncadd.s32 $0xFFFFF000  }
0x6d: {  	[spmem:s19] =	stream.linear.scatter @!p0 [tilespmem:s25], [sflag:$0x5], $0x1000, $0x38;
	[tilespmem:$0x1FF80] =	vst v63  }
0x6e: {  	s25 =	simm.s32 @!p0 $0x5  }
0x6f: {  	s28 =	stileid.u32;
	_ =	swait.ge @!p0 [sflag:s25], $0x1000  }
0x70: {  	s26 =	sshll.u32 s28, $0x6;
	[sflag:s25] =	ssyncset.done @!p0 $0x0;
	s28 =	rddreg [dreg:$0x1e]  }
0x71: {  	[sflag:s25] =	ssyncadd.s32 @!p0 $0xFFFFF000;
	s25 =	sor.u32 $0x1C05, s26;
	s26 =	rddreg [dreg:$0x6]  }
0x72: {  	[spmem:s28], [sflag:s25] =	dma.local [hbm:s26], $0xC80  }
0x73: {  	_ =	swait.ge [sflag:s5], $0xC80  }
0x74: {  	[sflag:s5] =	ssyncset.done $0x0;
	s26 =	rddreg [dreg:$0x7]  }
0x75: {  	s28 =	rddreg [dreg:$0x1f];
	[sflag:s5] =	ssyncadd.s32 $0xFFFFF380  }
0x76: {  	[spmem:s28], [sflag:s25] =	dma.local [hbm:s26], $0xC80  }
0x77: {  	_ =	swait.ge [sflag:s5], $0xC80  }
0x78: {  	s28 =	sld [smem:$0x7FA]  }
0x79: {  	[sflag:s5] =	ssyncset.done $0x0  }
0x7a: {  	s26 =	rddreg [dreg:$0x8];
	[sflag:s5] =	ssyncadd.s32 $0xFFFFF380  }
0x7b: {  	[spmem:s28], [sflag:s25] =	dma.local [hbm:s26], $0xC80  }
0x7c: {  	_ =	swait.ge [sflag:s5], $0xC80  }
0x7d: {  	s26 =	sld [smem:$0x7FB]  }
0x7e: {  	[sflag:s5] =	ssyncset.done $0x0  }
0x7f: {  	s19 =	rddreg [dreg:$0x9];
	[sflag:s5] =	ssyncadd.s32 $0xFFFFF380  }
0x80: {  	[spmem:s26], [sflag:s25] =	dma.local @!p1 [hbm:s19], $0xC80  }
0x81: {  	s26 =	simm.s32 @!p1 $0x5  }
0x82: {  	_ =	swait.ge @!p1 [sflag:s26], $0xC80  }
0x83: {  	[sflag:s26] =	ssyncset.done @!p1 $0x0  }
0x84: {  	[sflag:s26] =	ssyncadd.s32 @!p1 $0xFFFFF380  }
0x85: {  	[bflag:$0x0] =	sbarrier.arrive $0xFFFF  }
0x86: {  	s28 =	rddreg [dreg:$0x5]  }
0x87: {  	s26 =	sadd.s32 $0x0, s28  }
0x88: {  	[tilespmem:s6], [sflag:$0x5] =	stream.linear.gather [hbm4b:s26+s1], $0x800, $0x38;
	[tilespmem:$0x1FF80] =	vst v63  }
0x89: {  	_ =	swait.ge [sflag:s5], $0x800  }
0x8a: {  	[sflag:s5] =	ssyncset.done $0x0  }
0x8b: {  	[sflag:s5] =	ssyncadd.s32 $0xFFFFF800  }
0x8c: {  	[tilespmem:s4], [sflag:$0x1] =	stream.indirect.gather [spmem:s15], $0x80, s6, s7, $0xb8;
	[tilespmem:$0x1FF80] =	vst v63  }
0x8d: {  	_ =	swait.ge [sflag:s8], $0x1000  }
0x8e: {  	[sflag:s8] =	ssyncset.done $0x0  }
0x8f: {  	[sflag:s8] =	ssyncadd.s32 $0xFFFFF000  }
0x90: {  	[spmem:s16] =	stream.indirect.scatter.add.f32 [tilespmem:s4], [sflag:$0x3], $0x80, s9, s7, $0xb8;
	[tilespmem:$0x1FF80] =	vst v63  }
0x91: {  	_ = 	snop  }
0x92: {  	[tilespmem:s11], [sflag:$0x2] =	stream.indirect.gather [spmem:s15], $0x80, s10, s7, $0xb8;
	[tilespmem:$0x1FF80] =	vst v63  }
0x93: {  	_ =	swait.ge [sflag:s12], $0x1000  }
0x94: {  	[sflag:s12] =	ssyncset.done $0x0  }
0x95: {  	[sflag:s12] =	ssyncadd.s32 $0xFFFFF000  }
0x96: {  	[spmem:s16] =	stream.indirect.scatter.add.f32 [tilespmem:s11], [sflag:$0x4], $0x80, s13, s7, $0xb8;
	[tilespmem:$0x1FF80] =	vst v63  }
0x97: {  	_ =	swait.ge [sflag:s17], $0x1000  }
0x98: {  	[sflag:s17] =	ssyncset.done $0x0  }
0x99: {  	[sflag:s17] =	ssyncadd.s32 $0xFFFFF000  }
0x9a: {  	[tilespmem:s4], [sflag:$0x1] =	stream.indirect.gather [spmem:s15], $0x80, s18, s7, $0xb8;
	[tilespmem:$0x1FF80] =	vst v63  }
0x9b: {  	_ =	swait.ge [sflag:s8], $0x1000  }
0x9c: {  	[sflag:s8] =	ssyncset.done $0x0  }
0x9d: {  	[sflag:s8] =	ssyncadd.s32 $0xFFFFF000  }
0x9e: {  	[spmem:s16] =	stream.indirect.scatter.add.f32 [tilespmem:s4], [sflag:$0x3], $0x80, s29, s7, $0xb8;
	[tilespmem:$0x1FF80] =	vst v63  }
0x9f: {  	_ =	swait.ge [sflag:s30], $0x1000  }
0xa0: {  	[sflag:s30] =	ssyncset.done $0x0  }
0xa1: {  	[sflag:s30] =	ssyncadd.s32 $0xFFFFF000  }
0xa2: {  	[tilespmem:s11], [sflag:$0x2] =	stream.indirect.gather [spmem:s15], $0x80, s31, s7, $0xb8;
	[tilespmem:$0x1FF80] =	vst v63  }
0xa3: {  	_ =	swait.ge [sflag:s12], $0x1000  }
0xa4: {  	[sflag:s12] =	ssyncset.done $0x0  }
0xa5: {  	[sflag:s12] =	ssyncadd.s32 $0xFFFFF000  }
0xa6: {  	[spmem:s16] =	stream.indirect.scatter.add.f32 [tilespmem:s11], [sflag:$0x4], $0x80, s14, s7, $0xb8;
	[tilespmem:$0x1FF80] =	vst v63  }
0xa7: {  	_ =	swait.ge [sflag:s17], $0x1000  }
0xa8: {  	[sflag:s17] =	ssyncset.done $0x0  }
0xa9: {  	[sflag:s17] =	ssyncadd.s32 $0xFFFFF000  }
0xaa: {  	[tilespmem:s4], [sflag:$0x1] =	stream.indirect.gather [spmem:s15], $0x80, s0, s7, $0xb8;
	[tilespmem:$0x1FF80] =	vst v63  }
0xab: {  	_ =	swait.ge [sflag:s8], $0x1000  }
0xac: {  	[sflag:s8] =	ssyncset.done $0x0  }
0xad: {  	[sflag:s8] =	ssyncadd.s32 $0xFFFFF000  }
0xae: {  	[spmem:s16] =	stream.indirect.scatter.add.f32 [tilespmem:s4], [sflag:$0x3], $0x80, s2, s7, $0xb8;
	[tilespmem:$0x1FF80] =	vst v63  }
0xaf: {  	_ =	swait.ge [sflag:s30], $0x1000  }
0xb0: {  	[sflag:s30] =	ssyncset.done $0x0  }
0xb1: {  	[sflag:s30] =	ssyncadd.s32 $0xFFFFF000  }
0xb2: {  	[tilespmem:s11], [sflag:$0x2] =	stream.indirect.gather [spmem:s15], $0x80, s3, s7, $0xb8;
	[tilespmem:$0x1FF80] =	vst v63  }
0xb3: {  	_ =	swait.ge [sflag:s12], $0x1000  }
0xb4: {  	[sflag:s12] =	ssyncset.done $0x0  }
0xb5: {  	[sflag:s12] =	ssyncadd.s32 $0xFFFFF000  }
0xb6: {  	[spmem:s16] =	stream.indirect.scatter.add.f32 [tilespmem:s11], [sflag:$0x4], $0x80, s20, s7, $0xb8;
	[tilespmem:$0x1FF80] =	vst v63  }
0xb7: {  	_ =	swait.ge [sflag:s17], $0x1000  }
0xb8: {  	[sflag:s17] =	ssyncset.done $0x0  }
0xb9: {  	[sflag:s17] =	ssyncadd.s32 $0xFFFFF000  }
0xba: {  	[tilespmem:s4], [sflag:$0x1] =	stream.indirect.gather [spmem:s15], $0x80, s21, s7, $0xb8;
	[tilespmem:$0x1FF80] =	vst v63  }
0xbb: {  	_ =	swait.ge [sflag:s8], $0x1000  }
0xbc: {  	[sflag:s8] =	ssyncset.done $0x0  }
0xbd: {  	[sflag:s8] =	ssyncadd.s32 $0xFFFFF000  }
0xbe: {  	[spmem:s16] =	stream.indirect.scatter.add.f32 [tilespmem:s4], [sflag:$0x3], $0x80, s22, s7, $0xb8;
	[tilespmem:$0x1FF80] =	vst v63  }
0xbf: {  	_ =	swait.ge [sflag:s30], $0x1000  }
0xc0: {  	[sflag:s30] =	ssyncset.done $0x0  }
0xc1: {  	[sflag:s30] =	ssyncadd.s32 $0xFFFFF000  }
0xc2: {  	[tilespmem:s11], [sflag:$0x2] =	stream.indirect.gather [spmem:s15], $0x80, s23, s7, $0xb8;
	[tilespmem:$0x1FF80] =	vst v63  }
0xc3: {  	_ =	swait.ge [sflag:s12], $0x1000  }
0xc4: {  	[sflag:s12] =	ssyncset.done $0x0  }
0xc5: {  	[sflag:s12] =	ssyncadd.s32 $0xFFFFF000  }
0xc6: {  	[spmem:s16] =	stream.indirect.scatter.add.f32 [tilespmem:s11], [sflag:$0x4], $0x80, s24, s7, $0xb8;
	[tilespmem:$0x1FF80] =	vst v63  }
0xc7: {  	_ =	swait.ge [sflag:s17], $0x1000  }
0xc8: {  	[sflag:s17] =	ssyncset.done $0x0  }
0xc9: {  	[sflag:s17] =	ssyncadd.s32 $0xFFFFF000  }
0xca: {  	_ =	swait.ge [sflag:s30], $0x1000  }
0xcb: {  	s26 =	simm.s32 $0x100;
	[sflag:s30] =	ssyncset.done $0x0  }
.LBB2_4:
0xcc: {  	s28 =	rddreg [dreg:$0x5];
	s19 =	smov.u32 s26  }
0xcd: {  	[sflag:s30] =	ssyncadd.s32 $0xFFFFF000;
	s19 =	sadd.s32 s19, s28  }
0xce: {  	[tilespmem:s6], [sflag:$0x5] =	stream.linear.gather [hbm4b:s19+s1], $0x800, $0x38;
	[tilespmem:$0x1FF80] =	vst v63  }
0xcf: {  	_ =	swait.ge [sflag:s5], $0x800  }
0xd0: {  	[sflag:s5] =	ssyncset.done $0x0  }
0xd1: {  	[sflag:s5] =	ssyncadd.s32 $0xFFFFF800  }
0xd2: {  	[tilespmem:s4], [sflag:$0x1] =	stream.indirect.gather [spmem:s15], $0x80, s6, s7, $0xb8;
	[tilespmem:$0x1FF80] =	vst v63  }
0xd3: {  	_ =	swait.ge [sflag:s8], $0x1000  }
0xd4: {  	[sflag:s8] =	ssyncset.done $0x0  }
0xd5: {  	[sflag:s8] =	ssyncadd.s32 $0xFFFFF000  }
0xd6: {  	[spmem:s16] =	stream.indirect.scatter.add.f32 [tilespmem:s4], [sflag:$0x3], $0x80, s9, s7, $0xb8;
	[tilespmem:$0x1FF80] =	vst v63  }
0xd7: {  	_ = 	snop  }
0xd8: {  	[tilespmem:s11], [sflag:$0x2] =	stream.indirect.gather [spmem:s15], $0x80, s10, s7, $0xb8;
	[tilespmem:$0x1FF80] =	vst v63  }
0xd9: {  	_ =	swait.ge [sflag:s12], $0x1000  }
0xda: {  	[sflag:s12] =	ssyncset.done $0x0  }
0xdb: {  	[sflag:s12] =	ssyncadd.s32 $0xFFFFF000  }
0xdc: {  	[spmem:s16] =	stream.indirect.scatter.add.f32 [tilespmem:s11], [sflag:$0x4], $0x80, s13, s7, $0xb8;
	[tilespmem:$0x1FF80] =	vst v63  }
0xdd: {  	_ =	swait.ge [sflag:s17], $0x1000  }
0xde: {  	[sflag:s17] =	ssyncset.done $0x0  }
0xdf: {  	[sflag:s17] =	ssyncadd.s32 $0xFFFFF000  }
0xe0: {  	[tilespmem:s4], [sflag:$0x1] =	stream.indirect.gather [spmem:s15], $0x80, s18, s7, $0xb8;
	[tilespmem:$0x1FF80] =	vst v63  }
0xe1: {  	_ =	swait.ge [sflag:s8], $0x1000  }
0xe2: {  	[sflag:s8] =	ssyncset.done $0x0  }
0xe3: {  	[sflag:s8] =	ssyncadd.s32 $0xFFFFF000  }
0xe4: {  	[spmem:s16] =	stream.indirect.scatter.add.f32 [tilespmem:s4], [sflag:$0x3], $0x80, s29, s7, $0xb8;
	[tilespmem:$0x1FF80] =	vst v63  }
0xe5: {  	_ =	swait.ge [sflag:s30], $0x1000  }
0xe6: {  	[sflag:s30] =	ssyncset.done $0x0  }
0xe7: {  	[sflag:s30] =	ssyncadd.s32 $0xFFFFF000  }
0xe8: {  	[tilespmem:s11], [sflag:$0x2] =	stream.indirect.gather [spmem:s15], $0x80, s31, s7, $0xb8;
	[tilespmem:$0x1FF80] =	vst v63  }
0xe9: {  	_ =	swait.ge [sflag:s12], $0x1000  }
0xea: {  	[sflag:s12] =	ssyncset.done $0x0  }
0xeb: {  	[sflag:s12] =	ssyncadd.s32 $0xFFFFF000  }
0xec: {  	[spmem:s16] =	stream.indirect.scatter.add.f32 [tilespmem:s11], [sflag:$0x4], $0x80, s14, s7, $0xb8;
	[tilespmem:$0x1FF80] =	vst v63  }
0xed: {  	_ =	swait.ge [sflag:s17], $0x1000  }
0xee: {  	[sflag:s17] =	ssyncset.done $0x0  }
0xef: {  	[sflag:s17] =	ssyncadd.s32 $0xFFFFF000  }
0xf0: {  	[tilespmem:s4], [sflag:$0x1] =	stream.indirect.gather [spmem:s15], $0x80, s0, s7, $0xb8;
	[tilespmem:$0x1FF80] =	vst v63  }
0xf1: {  	_ =	swait.ge [sflag:s8], $0x1000  }
0xf2: {  	[sflag:s8] =	ssyncset.done $0x0  }
0xf3: {  	[sflag:s8] =	ssyncadd.s32 $0xFFFFF000  }
0xf4: {  	[spmem:s16] =	stream.indirect.scatter.add.f32 [tilespmem:s4], [sflag:$0x3], $0x80, s2, s7, $0xb8;
	[tilespmem:$0x1FF80] =	vst v63  }
0xf5: {  	_ =	swait.ge [sflag:s30], $0x1000  }
0xf6: {  	[sflag:s30] =	ssyncset.done $0x0  }
0xf7: {  	[sflag:s30] =	ssyncadd.s32 $0xFFFFF000  }
0xf8: {  	[tilespmem:s11], [sflag:$0x2] =	stream.indirect.gather [spmem:s15], $0x80, s3, s7, $0xb8;
	[tilespmem:$0x1FF80] =	vst v63  }
0xf9: {  	_ =	swait.ge [sflag:s12], $0x1000  }
0xfa: {  	[sflag:s12] =	ssyncset.done $0x0  }
0xfb: {  	[sflag:s12] =	ssyncadd.s32 $0xFFFFF000  }
0xfc: {  	[spmem:s16] =	stream.indirect.scatter.add.f32 [tilespmem:s11], [sflag:$0x4], $0x80, s20, s7, $0xb8;
	[tilespmem:$0x1FF80] =	vst v63  }
0xfd: {  	_ =	swait.ge [sflag:s17], $0x1000  }
0xfe: {  	[sflag:s17] =	ssyncset.done $0x0  }
0xff: {  	[sflag:s17] =	ssyncadd.s32 $0xFFFFF000  }
0x100: {  	[tilespmem:s4], [sflag:$0x1] =	stream.indirect.gather [spmem:s15], $0x80, s21, s7, $0xb8;
	[tilespmem:$0x1FF80] =	vst v63  }
0x101: {  	_ =	swait.ge [sflag:s8], $0x1000  }
0x102: {  	[sflag:s8] =	ssyncset.done $0x0  }
0x103: {  	[sflag:s8] =	ssyncadd.s32 $0xFFFFF000  }
0x104: {  	[spmem:s16] =	stream.indirect.scatter.add.f32 [tilespmem:s4], [sflag:$0x3], $0x80, s22, s7, $0xb8;
	[tilespmem:$0x1FF80] =	vst v63  }
0x105: {  	_ =	swait.ge [sflag:s30], $0x1000  }
0x106: {  	[sflag:s30] =	ssyncset.done $0x0  }
0x107: {  	[sflag:s30] =	ssyncadd.s32 $0xFFFFF000  }
0x108: {  	[tilespmem:s11], [sflag:$0x2] =	stream.indirect.gather [spmem:s15], $0x80, s23, s7, $0xb8;
	[tilespmem:$0x1FF80] =	vst v63  }
0x109: {  	_ =	swait.ge [sflag:s12], $0x1000  }
0x10a: {  	[sflag:s12] =	ssyncset.done $0x0  }
0x10b: {  	p2 =	sne.s32 s26, $0x4F00;
	[sflag:s12] =	ssyncadd.s32 $0xFFFFF000  }
0x10c: {  	[spmem:s16] =	stream.indirect.scatter.add.f32 [tilespmem:s11], [sflag:$0x4], $0x80, s24, s7, $0xb8;
	[tilespmem:$0x1FF80] =	vst v63  }
.Ltmp1:
0x10d: {  	_ =	swait.ge [sflag:s17], $0x1000;
	(pc) =	sbr.rel @p2 .LBB2_4-.Ltmp1, $4  }
0x10e: {  	[sflag:s17] =	ssyncset.done $0x0  }
0x10f: {  	[sflag:s17] =	ssyncadd.s32 $0xFFFFF000  }
0x110: {  	_ =	swait.ge [sflag:s30], $0x1000  }
0x111: {  	s26 =	sadd.s32 $0x100, s26;
	[sflag:s30] =	ssyncset.done $0x0  }
0x112: {  	[sflag:s30] =	ssyncadd.s32 $0xFFFFF000  }
0x113: {  	[bflag:$0x0] =	sbarrier.arrive $0xFFFF  }
0x114: {  	s28 =	rddreg [dreg:$0x14]  }
0x115: {  	s26 =	rddreg [dreg:$0xa];
	s19 =	sshrl.u32 s28, $0x3  }
0x116: {  	[hbm:s26], [sflag:s25] =	dma.local [spmem:s19], $0x200  }
0x117: {  	_ =	swait.ge [sflag:s5], $0x200  }
0x118: {  	[sflag:s5] =	ssyncset.done $0x0;
	s26 =	rddreg [dreg:$0x15]  }
0x119: {  	[sflag:s5] =	ssyncadd.s32 $0xFFFFFE00;
	s19 =	sshrl.u32 s26, $0x3;
	s26 =	rddreg [dreg:$0xb]  }
0x11a: {  	[hbm:s26], [sflag:s25] =	dma.local [spmem:s19], $0x200  }
0x11b: {  	_ =	swait.ge [sflag:s5], $0x200  }
0x11c: {  	[sflag:s5] =	ssyncset.done $0x0;
	s26 =	rddreg [dreg:$0x16]  }
0x11d: {  	[sflag:s5] =	ssyncadd.s32 $0xFFFFFE00;
	s19 =	sshrl.u32 s26, $0x3;
	s26 =	rddreg [dreg:$0xc]  }
0x11e: {  	[hbm:s26], [sflag:s25] =	dma.local [spmem:s19], $0x200  }
0x11f: {  	_ =	swait.ge [sflag:s5], $0x200  }
0x120: {  	[sflag:s5] =	ssyncset.done $0x0;
	s26 =	rddreg [dreg:$0x17]  }
0x121: {  	[sflag:s5] =	ssyncadd.s32 $0xFFFFFE00;
	s19 =	sshrl.u32 s26, $0x3;
	s26 =	rddreg [dreg:$0xd]  }
0x122: {  	[hbm:s26], [sflag:s25] =	dma.local [spmem:s19], $0x200  }
0x123: {  	_ =	swait.ge [sflag:s5], $0x200  }
0x124: {  	[sflag:s5] =	ssyncset.done $0x0;
	s26 =	rddreg [dreg:$0x18]  }
0x125: {  	[sflag:s5] =	ssyncadd.s32 $0xFFFFFE00;
	s19 =	sshrl.u32 s26, $0x3;
	s26 =	rddreg [dreg:$0xe]  }
0x126: {  	[hbm:s26], [sflag:s25] =	dma.local [spmem:s19], $0x200  }
0x127: {  	_ =	swait.ge [sflag:s5], $0x200  }
0x128: {  	[sflag:s5] =	ssyncset.done $0x0;
	s26 =	rddreg [dreg:$0x19]  }
0x129: {  	[sflag:s5] =	ssyncadd.s32 $0xFFFFFE00;
	s19 =	sshrl.u32 s26, $0x3;
	s26 =	rddreg [dreg:$0xf]  }
0x12a: {  	[hbm:s26], [sflag:s25] =	dma.local [spmem:s19], $0x200  }
0x12b: {  	_ =	swait.ge [sflag:s5], $0x200  }
0x12c: {  	[sflag:s5] =	ssyncset.done $0x0;
	s26 =	rddreg [dreg:$0x1a]  }
0x12d: {  	[sflag:s5] =	ssyncadd.s32 $0xFFFFFE00;
	s19 =	sshrl.u32 s26, $0x3;
	s26 =	rddreg [dreg:$0x10]  }
0x12e: {  	[hbm:s26], [sflag:s25] =	dma.local [spmem:s19], $0x200  }
0x12f: {  	_ =	swait.ge [sflag:s5], $0x200  }
0x130: {  	[sflag:s5] =	ssyncset.done $0x0;
	s26 =	rddreg [dreg:$0x1b]  }
0x131: {  	[sflag:s5] =	ssyncadd.s32 $0xFFFFFE00;
	s19 =	sshrl.u32 s26, $0x3;
	s26 =	rddreg [dreg:$0x11]  }
0x132: {  	[hbm:s26], [sflag:s25] =	dma.local [spmem:s19], $0x200  }
0x133: {  	_ =	swait.ge [sflag:s5], $0x200  }
0x134: {  	[sflag:s5] =	ssyncset.done $0x0;
	s26 =	rddreg [dreg:$0x1c]  }
0x135: {  	[sflag:s5] =	ssyncadd.s32 $0xFFFFFE00;
	s19 =	sshrl.u32 s26, $0x3;
	s26 =	rddreg [dreg:$0x12]  }
0x136: {  	[hbm:s26], [sflag:s25] =	dma.local [spmem:s19], $0x200  }
0x137: {  	_ =	swait.ge [sflag:s5], $0x200  }
0x138: {  	s26 =	sld [smem:$0x7FC]  }
0x139: {  	[sflag:s5] =	ssyncset.done $0x0  }
0x13a: {  	s19 =	rddreg [dreg:$0x13];
	[sflag:s5] =	ssyncadd.s32 $0xFFFFFE00  }
0x13b: {  	[hbm:s19], [sflag:s25] =	dma.local @!p0 [spmem:s26], $0x200  }
0x13c: {  	s19 =	simm.s32 @!p0 $0x5  }
0x13d: {  	_ =	swait.ge @!p0 [sflag:s19], $0x200  }
0x13e: {  	s25 =	sld [smem:$0x7F9];
	_ =	sdelay $0x2  }
0x13f: {  	s26 =	sadd.s32 $0x1, s25;
	s25 =	rddreg [dreg:$0x1d]  }
0x140: {  	p2 =	sne.s32 s26, s25  }
.Ltmp2:
0x141: {  	_ = 	snop;
	(pc) =	sbr.rel @p2 .LBB2_1-.Ltmp2, $3  }
0x142: {  	_ =	sdelay $0x1  }
0x143: {  	[sflag:s19] =	ssyncset.done @!p0 $0x0  }
0x144: {  	[sflag:s19] =	ssyncadd.s32 @!p0 $0xFFFFFE00  }
0x145: {  	_ =	sfence.sel $0x180000  }
0x146: {  	[bflag:$0x0] =	sbarrier.arrive $0xFFFF  }
0x147: {  	_ =	strace $0x9000004A  }
0x148: {  	s0 =	stileid.u32;
	[bflag:$0x2] =	sbarrier.arrive $0xFFFF  }
0x149: {  	p0 =	sne.s32 s0, $0x0;
	s0 =	rddreg [dreg:$0x4]  }
0x14a: {  	s0 =	sadd.s32 @!p0 $0x100000, s0  }
0x14b: {  	[sflag:s0] =	ssyncadd.tile.s32 @!p0 $0x1;
	_ =	shalt  }
.Lfunc_end2:
_tile_overlayer_lowered:
.L_overlay_start_2:
0x14c: {  	(tag) =	ssettag $0x2  }
0x14d: {  	s0 =	rddreg [dreg:$0x0];
	s2 =	stileid.u32  }
0x14e: {  	s1 =	rddreg [dreg:$0x1];
	p0 =	sne.s32 s2, $0x0  }
0x14f: {  	s3 =	rddreg [dreg:$0x2];
	[bflag:$0x3] =	sbarrier.arrive $0xFFFF;
	s2 =	simm.s32 @!p0 $0x1C05  }
0x150: {  	[timem:s3], [sflag:s2] =	dma.local @!p0 [hbm:s0], s1  }
0x151: {  	s0 =	simm.s32 @!p0 $0x5  }
0x152: {  	_ =	swait.ge @!p0 [sflag:s0], s1  }
0x153: {  	s1 =	ssub.s32 @!p0 $0x0, s1;
	[sflag:s0] =	ssyncset.done @!p0 $0x0  }
0x154: {  	[sflag:s0] =	ssyncadd.s32 @!p0 s1  }
0x155: {  	[bflag:$0x3] =	sbarrier.arrive $0xFFFF  }
0x156: {  	_ =	shalt  }

</sc_bundles>
